<compile_context>
chip_gen: v7x
topology: tpu7x:2x2x1
jax: 0.10.2.dev20260603
libtpu: 0.0.44.dev20260713+nightly
codegen_flags: <defaults>
</compile_context>

<pallas_src>
import functools

import jax
import jax.numpy as jnp
from jax import lax
from jax.experimental import pallas as pl
from jax.experimental.pallas import tpu as pltpu
from jax.experimental.pallas import tpu_sc as plsc

N = 10000
E = 320000
F_IN = 128
HEADS = 8
HID = 16
D = HEADS * HID

NC = 2
NS = 16
NW = NC * NS
B = 64
CH = 16
NBLK = 160
B2 = 128
NBLK2 = 80
CH2 = 16
EPW = NBLK * B
EPAD = EPW * NW
NPAD = 10240
ROWS_PT = NPAD // NS

_BM = 1024



def _pre_body(x_ref, w_ref, ms_ref, md_ref, h_ref, as_ref, ad_ref):
    y = jnp.dot(x_ref[...], w_ref[...], preferred_element_type=jnp.float32)
    h_ref[...] = y
    as_ref[...] = jnp.dot(y, ms_ref[...], preferred_element_type=jnp.float32)
    ad_ref[...] = jnp.dot(y, md_ref[...], preferred_element_type=jnp.float32)


def _dense_pre(x, W, Ms, Md):
    grid = (NPAD // _BM,)
    return pl.pallas_call(
        _pre_body,
        grid=grid,
        in_specs=[
            pl.BlockSpec((_BM, F_IN), lambda i: (i, 0)),
            pl.BlockSpec((F_IN, D), lambda i: (0, 0)),
            pl.BlockSpec((D, D), lambda i: (0, 0)),
            pl.BlockSpec((D, D), lambda i: (0, 0)),
        ],
        out_specs=[
            pl.BlockSpec((_BM, D), lambda i: (i, 0)),
            pl.BlockSpec((_BM, D), lambda i: (i, 0)),
            pl.BlockSpec((_BM, D), lambda i: (i, 0)),
        ],
        out_shape=[
            jax.ShapeDtypeStruct((NPAD, D), jnp.float32),
            jax.ShapeDtypeStruct((NPAD, D), jnp.float32),
            jax.ShapeDtypeStruct((NPAD, D), jnp.float32),
        ],
    )(x, W, Ms, Md)


def _combine(h_ref, as_ref, ad_ref, msg_ref, den_ref, b_ref, kill_ref):
    t = as_ref[...] + ad_ref[...]
    wself = jnp.exp(jnp.maximum(t, 0.2 * t))
    wrep = jnp.dot(wself, kill_ref[...], preferred_element_type=jnp.float32)
    denrep = den_ref[0] + den_ref[1] + wrep
    msg = msg_ref[0] + msg_ref[1] + h_ref[...] * wrep
    return msg / (denrep + 1e-16) + b_ref[...]


def _mid_body(h_ref, as_ref, ad_ref, msg_ref, den_ref, b_ref,
              kill_ref, w2_ref, ms_ref, md_ref, h2_ref, as2_ref, ad2_ref):
    z = jnp.maximum(_combine(h_ref, as_ref, ad_ref, msg_ref, den_ref,
                             b_ref, kill_ref), 0.0)
    y = jnp.dot(z, w2_ref[...], preferred_element_type=jnp.float32)
    h2_ref[...] = y
    as2_ref[...] = jnp.dot(y, ms_ref[...], preferred_element_type=jnp.float32)
    ad2_ref[...] = jnp.dot(y, md_ref[...], preferred_element_type=jnp.float32)


def _dense_mid(h, AS, AD, msg, den, b, Kill, W2, Ms2, Md2):
    grid = (NPAD // _BM,)
    return pl.pallas_call(
        _mid_body,
        grid=grid,
        in_specs=[
            pl.BlockSpec((_BM, D), lambda i: (i, 0)),
            pl.BlockSpec((_BM, D), lambda i: (i, 0)),
            pl.BlockSpec((_BM, D), lambda i: (i, 0)),
            pl.BlockSpec((2, _BM, D), lambda i: (0, i, 0)),
            pl.BlockSpec((2, _BM, D), lambda i: (0, i, 0)),
            pl.BlockSpec((1, D), lambda i: (0, 0)),
            pl.BlockSpec((D, D), lambda i: (0, 0)),
            pl.BlockSpec((D, D), lambda i: (0, 0)),
            pl.BlockSpec((D, D), lambda i: (0, 0)),
            pl.BlockSpec((D, D), lambda i: (0, 0)),
        ],
        out_specs=[
            pl.BlockSpec((_BM, D), lambda i: (i, 0)),
            pl.BlockSpec((_BM, D), lambda i: (i, 0)),
            pl.BlockSpec((_BM, D), lambda i: (i, 0)),
        ],
        out_shape=[
            jax.ShapeDtypeStruct((NPAD, D), jnp.float32),
            jax.ShapeDtypeStruct((NPAD, D), jnp.float32),
            jax.ShapeDtypeStruct((NPAD, D), jnp.float32),
        ],
    )(h, AS, AD, msg, den, b, Kill, W2, Ms2, Md2)


def _post_body(h_ref, as_ref, ad_ref, msg_ref, den_ref, b_ref, kill_ref,
               out_ref):
    out_ref[...] = _combine(h_ref, as_ref, ad_ref, msg_ref, den_ref,
                            b_ref, kill_ref)


def _dense_post(h, AS, AD, msg, den, b, Kill):
    grid = (NPAD // _BM,)
    return pl.pallas_call(
        _post_body,
        grid=grid,
        in_specs=[
            pl.BlockSpec((_BM, D), lambda i: (i, 0)),
            pl.BlockSpec((_BM, D), lambda i: (i, 0)),
            pl.BlockSpec((_BM, D), lambda i: (i, 0)),
            pl.BlockSpec((2, _BM, D), lambda i: (0, i, 0)),
            pl.BlockSpec((2, _BM, D), lambda i: (0, i, 0)),
            pl.BlockSpec((1, D), lambda i: (0, 0)),
            pl.BlockSpec((D, D), lambda i: (0, 0)),
        ],
        out_specs=pl.BlockSpec((_BM, D), lambda i: (i, 0)),
        out_shape=jax.ShapeDtypeStruct((NPAD, D), jnp.float32),
    )(h, AS, AD, msg, den, b, Kill)



def _sc1_body(h_hbm, as_hbm, ad_hbm, src_hbm, dst_hbm,
              msg_out, w_out,
              scb, dcb, g1a, g2a, gha, wva, macc,
              semA1, semA2, semA3):
    c = lax.axis_index("c")
    s = lax.axis_index("s")
    wid = s * NC + c
    row0 = s * ROWS_PT

    def _zb(e, carry):
        for k in range(HEADS):
            gha[e, pl.ds(16 * k, 16)] = jnp.zeros((16,), jnp.float32)
        return carry
    lax.fori_loop(0, B, _zb, None)

    def _zcp(k, carry):
        pltpu.sync_copy(gha, macc.at[pl.ds(row0 + k * B, B)])
        return carry
    lax.fori_loop(0, ROWS_PT // B, _zcp, None)
    plsc.subcore_barrier()

    def _do_block(g1, g2, gh, wvm, didx, blk):
        def _edge(e, _c):
            t = g1[e, pl.ds(0, 16)] + g2[e, pl.ds(0, 16)]
            w = jnp.exp(jnp.maximum(t, 0.2 * t))
            wvm[e] = w
            for k in range(HEADS):
                wk = jnp.full((16,), w[k], jnp.float32)
                gh[e, pl.ds(16 * k, 16)] = gh[e, pl.ds(16 * k, 16)] * wk
            return _c
        lax.fori_loop(0, B, _edge, None)
        pltpu.sync_copy(gh, macc.at[didx], add=True)
        pltpu.sync_copy(wvm, w_out.at[pl.ds(blk * B, B)])

    def _chunk(cc, carry):
        cbase = wid * NBLK + cc * CH
        pltpu.sync_copy(src_hbm.at[pl.ds(cbase, CH)], scb)
        pltpu.sync_copy(dst_hbm.at[pl.ds(cbase, CH)], dcb)

        def _block(jj, carry2):
            sidx, didx = scb.at[jj], dcb.at[jj]
            cp1 = pltpu.async_copy(as_hbm.at[sidx], g1a, semA1)
            cp2 = pltpu.async_copy(ad_hbm.at[didx], g2a, semA2)
            cp3 = pltpu.async_copy(h_hbm.at[sidx], gha, semA3)
            cp1.wait()
            cp2.wait()
            cp3.wait()
            _do_block(g1a, g2a, gha, wva, didx, cbase + jj)
            return carry2

        lax.fori_loop(0, CH, _block, None)
        return carry

    lax.fori_loop(0, NBLK // CH, _chunk, None)
    plsc.subcore_barrier()

    def _drain(k, carry):
        r = row0 + k * B
        pltpu.sync_copy(macc.at[pl.ds(r, B)], gha)
        pltpu.sync_copy(gha, msg_out.at[pl.ds(c * NPAD + r, B)])
        return carry
    lax.fori_loop(0, ROWS_PT // B, _drain, None)


_sc_msg = functools.partial(
    pl.kernel,
    mesh=plsc.VectorSubcoreMesh(core_axis_name="c", subcore_axis_name="s"),
    out_type=[
        jax.ShapeDtypeStruct((NC * NPAD, D), jnp.float32),
        jax.ShapeDtypeStruct((EPAD, 16), jnp.float32),
    ],
    scratch_types=[
        pltpu.VMEM((CH, B), jnp.int32),
        pltpu.VMEM((CH, B), jnp.int32),
        pltpu.VMEM((B, D), jnp.float32),
        pltpu.VMEM((B, D), jnp.float32),
        pltpu.VMEM((B, D), jnp.float32),
        pltpu.VMEM((B, 16), jnp.float32),
        pltpu.VMEM_SHARED((NPAD, D), jnp.float32),
        pltpu.SemaphoreType.DMA,
        pltpu.SemaphoreType.DMA,
        pltpu.SemaphoreType.DMA,
    ],
)(_sc1_body)



def _sc2_body(w_hbm, dst_hbm, den_out, dcb, wvm, wrow, dacc):
    c = lax.axis_index("c")
    s = lax.axis_index("s")
    wid = s * NC + c
    row0 = s * ROWS_PT

    def _zb(e, carry):
        for k in range(HEADS):
            wrow[e, pl.ds(16 * k, 16)] = jnp.zeros((16,), jnp.float32)
        return carry
    lax.fori_loop(0, B2, _zb, None)

    def _zcp(k, carry):
        pltpu.sync_copy(wrow, dacc.at[pl.ds(row0 + k * B2, B2)])
        return carry
    lax.fori_loop(0, ROWS_PT // B2, _zcp, None)
    plsc.subcore_barrier()

    def _chunk(cc, carry):
        cbase = wid * NBLK2 + cc * CH2
        pltpu.sync_copy(dst_hbm.at[pl.ds(cbase, CH2)], dcb)

        def _block(jj, carry2):
            didx = dcb.at[jj]
            pltpu.sync_copy(w_hbm.at[pl.ds((cbase + jj) * B2, B2)], wvm)

            def _edge(e, _c):
                w = wvm[e]
                for k in range(HEADS):
                    wk = jnp.full((16,), w[k], jnp.float32)
                    wrow[e, pl.ds(16 * k, 16)] = wk
                return _c
            lax.fori_loop(0, B2, _edge, None)

            pltpu.sync_copy(wrow, dacc.at[didx], add=True)
            return carry2

        lax.fori_loop(0, CH2, _block, None)
        return carry

    lax.fori_loop(0, NBLK2 // CH2, _chunk, None)
    plsc.subcore_barrier()

    def _drain(k, carry):
        r = row0 + k * B2
        pltpu.sync_copy(dacc.at[pl.ds(r, B2)], wrow)
        pltpu.sync_copy(wrow, den_out.at[pl.ds(c * NPAD + r, B2)])
        return carry
    lax.fori_loop(0, ROWS_PT // B2, _drain, None)


_sc_den = functools.partial(
    pl.kernel,
    mesh=plsc.VectorSubcoreMesh(core_axis_name="c", subcore_axis_name="s"),
    out_type=jax.ShapeDtypeStruct((NC * NPAD, D), jnp.float32),
    scratch_types=[
        pltpu.VMEM((CH2, B2), jnp.int32),
        pltpu.VMEM((B2, 16), jnp.float32),
        pltpu.VMEM((B2, D), jnp.float32),
        pltpu.VMEM_SHARED((NPAD, D), jnp.float32),
    ],
)(_sc2_body)



def _head_mat(att):
    m = jnp.zeros((D, D), jnp.float32)
    rows = jnp.arange(D)
    cols = jnp.repeat(jnp.arange(HEADS), HID)
    return m.at[rows, cols].set(att.reshape(-1))


def kernel(x, edge_index, W1, att_src1, att_dst1, b1,
           W2, att_src2, att_dst2, b2):
    x_pad = jnp.pad(x, ((0, NPAD - N), (0, 0)))
    pad = jnp.full((EPAD - E,), N, jnp.int32)
    src_r = jnp.concatenate([edge_index[0], pad]).reshape(NW * NBLK, B)
    dst_r = jnp.concatenate([edge_index[1], pad]).reshape(NW * NBLK, B)
    dst_r2 = dst_r.reshape(NW * NBLK2, B2)

    Ms1, Md1 = _head_mat(att_src1), _head_mat(att_dst1)
    Ms2, Md2 = _head_mat(att_src2), _head_mat(att_dst2)
    hrep = jnp.kron(jnp.eye(8, dtype=jnp.float32),
                    jnp.ones((1, HID), jnp.float32))
    kill = jnp.zeros((D, D), jnp.float32).at[:HEADS].set(hrep)
    b1r = b1.reshape(1, D)
    b2r = b2.reshape(1, D)

    h1, AS1, AD1 = _dense_pre(x_pad, W1, Ms1, Md1)
    msg1, w1e = _sc_msg(h1, AS1, AD1, src_r, dst_r)
    den1 = _sc_den(w1e, dst_r2)
    h2, AS2, AD2 = _dense_mid(h1, AS1, AD1, msg1.reshape(NC, NPAD, D),
                              den1.reshape(NC, NPAD, D), b1r, kill,
                              W2, Ms2, Md2)
    msg2, w2e = _sc_msg(h2, AS2, AD2, src_r, dst_r)
    den2 = _sc_den(w2e, dst_r2)
    z = _dense_post(h2, AS2, AD2, msg2.reshape(NC, NPAD, D),
                    den2.reshape(NC, NPAD, D), b2r, kill)
    return z[:N]

# --- scband reference (transcript-rebuilt; emitter-appended) ---
"""Pipeline reference for scband-gat-3461743640614 (READ-ONLY COPY).

The authoritative reference and input builder live on the scoring server;
editing this copy changes nothing except your own understanding.
"""

import jax, jax.numpy as jnp
import numpy as np

N = 10000
E = 320000
F_IN = 128
HID = 16
HEADS = 8
D1 = HEADS * HID  # 128, conv1 concat output / conv2 input
D2 = HEADS * HID  # 128, conv2 concat output


def setup_inputs(seed: int = 0) -> dict:
    key = jax.random.key(seed)
    ks = jax.random.split(key, 10)
    s = 0.1
    x = jax.random.normal(ks[0], (N, F_IN), dtype=jnp.float32)
    edge_index = jax.random.randint(ks[1], (2, E), 0, N, dtype=jnp.int32)
    W1 = jax.random.normal(ks[2], (F_IN, HEADS * HID), dtype=jnp.float32) * s
    att_src1 = jax.random.normal(ks[3], (HEADS, HID), dtype=jnp.float32) * s
    att_dst1 = jax.random.normal(ks[4], (HEADS, HID), dtype=jnp.float32) * s
    b1 = jnp.zeros((D1,), dtype=jnp.float32)
    W2 = jax.random.normal(ks[5], (D1, HEADS * HID), dtype=jnp.float32) * s
    att_src2 = jax.random.normal(ks[6], (HEADS, HID), dtype=jnp.float32) * s
    att_dst2 = jax.random.normal(ks[7], (HEADS, HID), dtype=jnp.float32) * s
    b2 = jnp.zeros((D2,), dtype=jnp.float32)
    return {"x": x, "edge_index": edge_index, "W1": W1, "att_src1": att_src1,
            "att_dst1": att_dst1, "b1": b1, "W2": W2, "att_src2": att_src2,
            "att_dst2": att_dst2, "b2": b2}


def gat_layer(x, src, dst, W, a_src, a_dst, b):
    # PyG GATConv (concat=True, negative_slope=0.2, self loops already in src/dst)
    n = x.shape[0]
    h = (x @ W).reshape(n, HEADS, HID)
    alpha_src = (h * a_src[None, :, :]).sum(-1)  # [n, heads]
    alpha_dst = (h * a_dst[None, :, :]).sum(-1)  # [n, heads]
    alpha = alpha_src[src] + alpha_dst[dst]      # [e, heads]
    alpha = jax.nn.leaky_relu(alpha, 0.2)
    amax = jax.ops.segment_max(alpha, dst, num_segments=n)
    ex = jnp.exp(alpha - amax[dst])
    den = jax.ops.segment_sum(ex, dst, num_segments=n)
    coef = ex / (den[dst] + 1e-16)               # softmax over incoming edges
    msg = h[src] * coef[:, :, None]              # [e, heads, hid]
    out = jax.ops.segment_sum(msg, dst, num_segments=n)
    return out.reshape(n, HEADS * HID) + b


def reference(x, edge_index, W1, att_src1, att_dst1, b1, W2, att_src2, att_dst2, b2):
    n = x.shape[0]
    loop = jnp.arange(n, dtype=edge_index.dtype)
    src = jnp.concatenate([edge_index[0], loop])
    dst = jnp.concatenate([edge_index[1], loop])
    z = jax.nn.relu(gat_layer(x, src, dst, W1, att_src1, att_dst1, b1))
    z = gat_layer(z, src, dst, W2, att_src2, att_dst2, b2)
    return z

if __name__ == "__main__":
    import jax
    _d = setup_inputs()
    print(jax.jit(kernel)(*tuple(_d.values())))

</pallas_src>

<mosaic_0001>
#map = affine_map<(d0, d1) -> (0, 0)>
module attributes {stable_mosaic.version = 14 : i64} {
  func.func @_sc2_body(%arg0: i32, %arg1: i32, %arg2: memref<327680x16xf32, #tpu.memory_space<hbm>>, %arg3: memref<2560x128xi32, #tpu.memory_space<hbm>>, %arg4: memref<20480x128xf32, #tpu.memory_space<hbm>>, %arg5: memref<16x128xi32, #tpu.memory_space<vmem>>, %arg6: memref<128x16xf32, #tpu.memory_space<vmem>>, %arg7: memref<128x128xf32, #tpu.memory_space<vmem>>, %arg8: memref<10240x128xf32, #tpu.memory_space<vmem_shared>>) attributes {dimension_semantics = [#tpu.dimension_semantics<core_parallel>, #tpu.dimension_semantics<subcore_parallel>], iteration_bounds = array<i64: 2, 16>, scalar_prefetch = 0 : i64, scratch_operands = 4 : i64, tpu.core_type = #tpu.core_type<sc_vector_subcore>, window_params = [{transform_indices = #map}, {transform_indices = #map}, {transform_indices = #map}]} {
    %mul3A = arith.constant 2 : i32
    %mul3A_0 = arith.muli %arg1, %mul3A : i32
    %add3A = arith.addi %mul3A_0, %arg0 : i32
    %mul3A_1 = arith.constant 640 : i32
    %mul3A_2 = arith.muli %arg1, %mul3A_1 : i32
    %scan3A = arith.constant 0 : i32
    %scan3A_3 = arith.constant 128 : i32
    %scan3A_4 = arith.addi %scan3A, %scan3A_3 : i32
    %scan3A_5 = arith.constant 1 : i32
    scf.for %scan3A_23 = %scan3A to %scan3A_4 step %scan3A_5  : i32 {
      %broadcast_in_dim3A = arith.constant 0.000000e+00 : f32
      %broadcast_in_dim3A_24 = vector.broadcast %broadcast_in_dim3A : f32 to vector<16xf32>
      %swap3A = arith.index_cast %scan3A_23 : i32 to index
      %swap3A_25 = arith.constant 0 : index
      %swap3A_26 = tpu.vector_load %arg7[%swap3A, %swap3A_25] {strides = array<i32>} : memref<128x128xf32, #tpu.memory_space<vmem>>, vector<1x16xf32>,
      %swap3A_27 = vector.shape_cast %swap3A_26 : vector<1x16xf32> to vector<16xf32>
      %swap3A_28 = vector.shape_cast %broadcast_in_dim3A_24 : vector<16xf32> to vector<1x16xf32>
      tpu.vector_store %arg7[%swap3A, %swap3A_25], %swap3A_28 {strides = array<i32>} : memref<128x128xf32, #tpu.memory_space<vmem>>, vector<1x16xf32>,
      %broadcast_in_dim3A_29 = arith.constant 0.000000e+00 : f32
      %broadcast_in_dim3A_30 = vector.broadcast %broadcast_in_dim3A_29 : f32 to vector<16xf32>
      %swap3A_31 = arith.index_cast %scan3A_23 : i32 to index
      %swap3A_32 = arith.constant 16 : index
      %swap3A_33 = tpu.vector_load %arg7[%swap3A_31, %swap3A_32] {strides = array<i32>} : memref<128x128xf32, #tpu.memory_space<vmem>>, vector<1x16xf32>,
      %swap3A_34 = vector.shape_cast %swap3A_33 : vector<1x16xf32> to vector<16xf32>
      %swap3A_35 = vector.shape_cast %broadcast_in_dim3A_30 : vector<16xf32> to vector<1x16xf32>
      tpu.vector_store %arg7[%swap3A_31, %swap3A_32], %swap3A_35 {strides = array<i32>} : memref<128x128xf32, #tpu.memory_space<vmem>>, vector<1x16xf32>,
      %broadcast_in_dim3A_36 = arith.constant 0.000000e+00 : f32
      %broadcast_in_dim3A_37 = vector.broadcast %broadcast_in_dim3A_36 : f32 to vector<16xf32>
      %swap3A_38 = arith.index_cast %scan3A_23 : i32 to index
      %swap3A_39 = arith.constant 32 : index
      %swap3A_40 = tpu.vector_load %arg7[%swap3A_38, %swap3A_39] {strides = array<i32>} : memref<128x128xf32, #tpu.memory_space<vmem>>, vector<1x16xf32>,
      %swap3A_41 = vector.shape_cast %swap3A_40 : vector<1x16xf32> to vector<16xf32>
      %swap3A_42 = vector.shape_cast %broadcast_in_dim3A_37 : vector<16xf32> to vector<1x16xf32>
      tpu.vector_store %arg7[%swap3A_38, %swap3A_39], %swap3A_42 {strides = array<i32>} : memref<128x128xf32, #tpu.memory_space<vmem>>, vector<1x16xf32>,
      %broadcast_in_dim3A_43 = arith.constant 0.000000e+00 : f32
      %broadcast_in_dim3A_44 = vector.broadcast %broadcast_in_dim3A_43 : f32 to vector<16xf32>
      %swap3A_45 = arith.index_cast %scan3A_23 : i32 to index
      %swap3A_46 = arith.constant 48 : index
      %swap3A_47 = tpu.vector_load %arg7[%swap3A_45, %swap3A_46] {strides = array<i32>} : memref<128x128xf32, #tpu.memory_space<vmem>>, vector<1x16xf32>,
      %swap3A_48 = vector.shape_cast %swap3A_47 : vector<1x16xf32> to vector<16xf32>
      %swap3A_49 = vector.shape_cast %broadcast_in_dim3A_44 : vector<16xf32> to vector<1x16xf32>
      tpu.vector_store %arg7[%swap3A_45, %swap3A_46], %swap3A_49 {strides = array<i32>} : memref<128x128xf32, #tpu.memory_space<vmem>>, vector<1x16xf32>,
      %broadcast_in_dim3A_50 = arith.constant 0.000000e+00 : f32
      %broadcast_in_dim3A_51 = vector.broadcast %broadcast_in_dim3A_50 : f32 to vector<16xf32>
      %swap3A_52 = arith.index_cast %scan3A_23 : i32 to index
      %swap3A_53 = arith.constant 64 : index
      %swap3A_54 = tpu.vector_load %arg7[%swap3A_52, %swap3A_53] {strides = array<i32>} : memref<128x128xf32, #tpu.memory_space<vmem>>, vector<1x16xf32>,
      %swap3A_55 = vector.shape_cast %swap3A_54 : vector<1x16xf32> to vector<16xf32>
      %swap3A_56 = vector.shape_cast %broadcast_in_dim3A_51 : vector<16xf32> to vector<1x16xf32>
      tpu.vector_store %arg7[%swap3A_52, %swap3A_53], %swap3A_56 {strides = array<i32>} : memref<128x128xf32, #tpu.memory_space<vmem>>, vector<1x16xf32>,
      %broadcast_in_dim3A_57 = arith.constant 0.000000e+00 : f32
      %broadcast_in_dim3A_58 = vector.broadcast %broadcast_in_dim3A_57 : f32 to vector<16xf32>
      %swap3A_59 = arith.index_cast %scan3A_23 : i32 to index
      %swap3A_60 = arith.constant 80 : index
      %swap3A_61 = tpu.vector_load %arg7[%swap3A_59, %swap3A_60] {strides = array<i32>} : memref<128x128xf32, #tpu.memory_space<vmem>>, vector<1x16xf32>,
      %swap3A_62 = vector.shape_cast %swap3A_61 : vector<1x16xf32> to vector<16xf32>
      %swap3A_63 = vector.shape_cast %broadcast_in_dim3A_58 : vector<16xf32> to vector<1x16xf32>
      tpu.vector_store %arg7[%swap3A_59, %swap3A_60], %swap3A_63 {strides = array<i32>} : memref<128x128xf32, #tpu.memory_space<vmem>>, vector<1x16xf32>,
      %broadcast_in_dim3A_64 = arith.constant 0.000000e+00 : f32
      %broadcast_in_dim3A_65 = vector.broadcast %broadcast_in_dim3A_64 : f32 to vector<16xf32>
      %swap3A_66 = arith.index_cast %scan3A_23 : i32 to index
      %swap3A_67 = arith.constant 96 : index
      %swap3A_68 = tpu.vector_load %arg7[%swap3A_66, %swap3A_67] {strides = array<i32>} : memref<128x128xf32, #tpu.memory_space<vmem>>, vector<1x16xf32>,
      %swap3A_69 = vector.shape_cast %swap3A_68 : vector<1x16xf32> to vector<16xf32>
      %swap3A_70 = vector.shape_cast %broadcast_in_dim3A_65 : vector<16xf32> to vector<1x16xf32>
      tpu.vector_store %arg7[%swap3A_66, %swap3A_67], %swap3A_70 {strides = array<i32>} : memref<128x128xf32, #tpu.memory_space<vmem>>, vector<1x16xf32>,
      %broadcast_in_dim3A_71 = arith.constant 0.000000e+00 : f32
      %broadcast_in_dim3A_72 = vector.broadcast %broadcast_in_dim3A_71 : f32 to vector<16xf32>
      %swap3A_73 = arith.index_cast %scan3A_23 : i32 to index
      %swap3A_74 = arith.constant 112 : index
      %swap3A_75 = tpu.vector_load %arg7[%swap3A_73, %swap3A_74] {strides = array<i32>} : memref<128x128xf32, #tpu.memory_space<vmem>>, vector<1x16xf32>,
      %swap3A_76 = vector.shape_cast %swap3A_75 : vector<1x16xf32> to vector<16xf32>
      %swap3A_77 = vector.shape_cast %broadcast_in_dim3A_72 : vector<16xf32> to vector<1x16xf32>
      tpu.vector_store %arg7[%swap3A_73, %swap3A_74], %swap3A_77 {strides = array<i32>} : memref<128x128xf32, #tpu.memory_space<vmem>>, vector<1x16xf32>,
    }
    %scan3A_6 = arith.constant 128 : i32
    %scan3A_7 = arith.constant 0 : i32
    %scan3A_8 = arith.constant 5 : i32
    %scan3A_9 = arith.addi %scan3A_7, %scan3A_8 : i32
    %scan3A_10 = arith.constant 1 : i32
    scf.for %scan3A_23 = %scan3A_7 to %scan3A_9 step %scan3A_10  : i32 {
      %mul3A_24 = arith.constant 128 : i32
      %mul3A_25 = arith.muli %scan3A_23, %mul3A_24 : i32
      %add3A_26 = arith.addi %mul3A_2, %mul3A_25 : i32
      "tpu.region"() ({
        %run_scoped3A = tpu.sem_alloc : memref<!tpu.dma_semaphore, #tpu.memory_space<semaphore_mem>>
        %dma_start3A = arith.constant 0 : i32
        %dma_start3A_27 = tpu.memref_slice %arg8[%add3A_26, %dma_start3A] : memref<10240x128xf32, #tpu.memory_space<vmem_shared>> -> memref<128x128xf32, #tpu.memory_space<vmem_shared>>
        %dma_start3A_28 = arith.constant 0 : i32
        %dma_start3A_29 = tpu.memref_slice %arg8[%add3A_26, %dma_start3A_28] : memref<10240x128xf32, #tpu.memory_space<vmem_shared>> -> memref<128x128xf32, #tpu.memory_space<vmem_shared>>
        tpu.enqueue_dma source(%arg7 : memref<128x128xf32, #tpu.memory_space<vmem>>) target(%dma_start3A_29 : memref<128x128xf32, #tpu.memory_space<vmem_shared>>) target_semaphore(%run_scoped3A : memref<!tpu.dma_semaphore, #tpu.memory_space<semaphore_mem>>)
        %dma_wait3A = arith.constant 0 : i32
        %dma_wait3A_30 = tpu.memref_slice %arg8[%add3A_26, %dma_wait3A] : memref<10240x128xf32, #tpu.memory_space<vmem_shared>> -> memref<128x128xf32, #tpu.memory_space<vmem_shared>>
        %dma_wait3A_31 = arith.constant 0 : i32
        %dma_wait3A_32 = tpu.memref_slice %arg8[%add3A_26, %dma_wait3A_31] : memref<10240x128xf32, #tpu.memory_space<vmem_shared>> -> memref<128x128xf32, #tpu.memory_space<vmem_shared>>
        tpu.wait_dma2 semaphore(%run_scoped3A : memref<!tpu.dma_semaphore, #tpu.memory_space<semaphore_mem>>) src(%arg7 : memref<128x128xf32, #tpu.memory_space<vmem>>) dst(%dma_wait3A_32 : memref<128x128xf32, #tpu.memory_space<vmem_shared>>)
        tpu.yield
      }) : () -> ()
    }
    %scan3A_11 = arith.constant 5 : i32
    %barrier3A = arith.constant 0 : index
    tpu.barrier barrier_id(%barrier3A)
    %scan3A_12 = arith.constant 0 : i32
    %scan3A_13 = arith.constant 5 : i32
    %scan3A_14 = arith.addi %scan3A_12, %scan3A_13 : i32
    %scan3A_15 = arith.constant 1 : i32
    scf.for %scan3A_23 = %scan3A_12 to %scan3A_14 step %scan3A_15  : i32 {
      %mul3A_24 = arith.constant 80 : i32
      %mul3A_25 = arith.muli %add3A, %mul3A_24 : i32
      %mul3A_26 = arith.constant 16 : i32
      %mul3A_27 = arith.muli %scan3A_23, %mul3A_26 : i32
      %add3A_28 = arith.addi %mul3A_25, %mul3A_27 : i32
      "tpu.region"() ({
        %run_scoped3A = tpu.sem_alloc : memref<!tpu.dma_semaphore, #tpu.memory_space<semaphore_mem>>
        %dma_start3A = arith.constant 0 : i32
        %dma_start3A_34 = tpu.memref_slice %arg3[%add3A_28, %dma_start3A] : memref<2560x128xi32, #tpu.memory_space<hbm>> -> memref<16x128xi32, #tpu.memory_space<hbm>>
        %dma_start3A_35 = arith.constant 0 : i32
        %dma_start3A_36 = tpu.memref_slice %arg3[%add3A_28, %dma_start3A_35] : memref<2560x128xi32, #tpu.memory_space<hbm>> -> memref<16x128xi32, #tpu.memory_space<hbm>>
        tpu.enqueue_dma source(%dma_start3A_36 : memref<16x128xi32, #tpu.memory_space<hbm>>) target(%arg5 : memref<16x128xi32, #tpu.memory_space<vmem>>) target_semaphore(%run_scoped3A : memref<!tpu.dma_semaphore, #tpu.memory_space<semaphore_mem>>)
        %dma_wait3A = arith.constant 0 : i32
        %dma_wait3A_37 = tpu.memref_slice %arg3[%add3A_28, %dma_wait3A] : memref<2560x128xi32, #tpu.memory_space<hbm>> -> memref<16x128xi32, #tpu.memory_space<hbm>>
        %dma_wait3A_38 = arith.constant 0 : i32
        %dma_wait3A_39 = tpu.memref_slice %arg3[%add3A_28, %dma_wait3A_38] : memref<2560x128xi32, #tpu.memory_space<hbm>> -> memref<16x128xi32, #tpu.memory_space<hbm>>
        tpu.wait_dma2 semaphore(%run_scoped3A : memref<!tpu.dma_semaphore, #tpu.memory_space<semaphore_mem>>) src(%dma_wait3A_39 : memref<16x128xi32, #tpu.memory_space<hbm>>) dst(%arg5 : memref<16x128xi32, #tpu.memory_space<vmem>>)
        tpu.yield
      }) : () -> ()
      %scan3A_29 = arith.constant 0 : i32
      %scan3A_30 = arith.constant 16 : i32
      %scan3A_31 = arith.addi %scan3A_29, %scan3A_30 : i32
      %scan3A_32 = arith.constant 1 : i32
      scf.for %scan3A_34 = %scan3A_29 to %scan3A_31 step %scan3A_32  : i32 {
        %add3A_35 = arith.addi %add3A_28, %scan3A_34 : i32
        %mul3A_36 = arith.constant 128 : i32
        %mul3A_37 = arith.muli %add3A_35, %mul3A_36 : i32
        "tpu.region"() ({
          %run_scoped3A = tpu.sem_alloc : memref<!tpu.dma_semaphore, #tpu.memory_space<semaphore_mem>>
          %dma_start3A = arith.constant 0 : i32
          %dma_start3A_43 = tpu.memref_slice %arg2[%mul3A_37, %dma_start3A] : memref<327680x16xf32, #tpu.memory_space<hbm>> -> memref<128x16xf32, #tpu.memory_space<hbm>>
          %dma_start3A_44 = arith.constant 0 : i32
          %dma_start3A_45 = tpu.memref_slice %arg2[%mul3A_37, %dma_start3A_44] : memref<327680x16xf32, #tpu.memory_space<hbm>> -> memref<128x16xf32, #tpu.memory_space<hbm>>
          tpu.enqueue_dma source(%dma_start3A_45 : memref<128x16xf32, #tpu.memory_space<hbm>>) target(%arg6 : memref<128x16xf32, #tpu.memory_space<vmem>>) target_semaphore(%run_scoped3A : memref<!tpu.dma_semaphore, #tpu.memory_space<semaphore_mem>>)
          %dma_wait3A = arith.constant 0 : i32
          %dma_wait3A_46 = tpu.memref_slice %arg2[%mul3A_37, %dma_wait3A] : memref<327680x16xf32, #tpu.memory_space<hbm>> -> memref<128x16xf32, #tpu.memory_space<hbm>>
          %dma_wait3A_47 = arith.constant 0 : i32
          %dma_wait3A_48 = tpu.memref_slice %arg2[%mul3A_37, %dma_wait3A_47] : memref<327680x16xf32, #tpu.memory_space<hbm>> -> memref<128x16xf32, #tpu.memory_space<hbm>>
          tpu.wait_dma2 semaphore(%run_scoped3A : memref<!tpu.dma_semaphore, #tpu.memory_space<semaphore_mem>>) src(%dma_wait3A_48 : memref<128x16xf32, #tpu.memory_space<hbm>>) dst(%arg6 : memref<128x16xf32, #tpu.memory_space<vmem>>)
          tpu.yield
        }) : () -> ()
        %scan3A_38 = arith.constant 0 : i32
        %scan3A_39 = arith.constant 128 : i32
        %scan3A_40 = arith.addi %scan3A_38, %scan3A_39 : i32
        %scan3A_41 = arith.constant 1 : i32
        scf.for %scan3A_43 = %scan3A_38 to %scan3A_40 step %scan3A_41  : i32 {
          %get3A = arith.index_cast %scan3A_43 : i32 to index
          %get3A_44 = arith.constant 0 : index
          %get3A_45 = tpu.vector_load %arg6[%get3A, %get3A_44] {strides = array<i32>} : memref<128x16xf32, #tpu.memory_space<vmem>>, vector<1x16xf32>,
          %get3A_46 = vector.shape_cast %get3A_45 : vector<1x16xf32> to vector<16xf32>
          %slice3A = vector.extract_strided_slice %get3A_46 {offsets = [0], sizes = [1], strides = [1]} : vector<16xf32> to vector<1xf32>
          %squeeze3A = vector.extract %slice3A[0] : f32 from vector<1xf32>
          %broadcast_in_dim3A = vector.broadcast %squeeze3A : f32 to vector<16xf32>
          %swap3A = arith.index_cast %scan3A_43 : i32 to index
          %swap3A_47 = arith.constant 0 : index
          %swap3A_48 = tpu.vector_load %arg7[%swap3A, %swap3A_47] {strides = array<i32>} : memref<128x128xf32, #tpu.memory_space<vmem>>, vector<1x16xf32>,
          %swap3A_49 = vector.shape_cast %swap3A_48 : vector<1x16xf32> to vector<16xf32>
          %swap3A_50 = vector.shape_cast %broadcast_in_dim3A : vector<16xf32> to vector<1x16xf32>
          tpu.vector_store %arg7[%swap3A, %swap3A_47], %swap3A_50 {strides = array<i32>} : memref<128x128xf32, #tpu.memory_space<vmem>>, vector<1x16xf32>,
          %slice3A_51 = vector.extract_strided_slice %get3A_46 {offsets = [1], sizes = [1], strides = [1]} : vector<16xf32> to vector<1xf32>
          %squeeze3A_52 = vector.extract %slice3A_51[0] : f32 from vector<1xf32>
          %broadcast_in_dim3A_53 = vector.broadcast %squeeze3A_52 : f32 to vector<16xf32>
          %swap3A_54 = arith.index_cast %scan3A_43 : i32 to index
          %swap3A_55 = arith.constant 16 : index
          %swap3A_56 = tpu.vector_load %arg7[%swap3A_54, %swap3A_55] {strides = array<i32>} : memref<128x128xf32, #tpu.memory_space<vmem>>, vector<1x16xf32>,
          %swap3A_57 = vector.shape_cast %swap3A_56 : vector<1x16xf32> to vector<16xf32>
          %swap3A_58 = vector.shape_cast %broadcast_in_dim3A_53 : vector<16xf32> to vector<1x16xf32>
          tpu.vector_store %arg7[%swap3A_54, %swap3A_55], %swap3A_58 {strides = array<i32>} : memref<128x128xf32, #tpu.memory_space<vmem>>, vector<1x16xf32>,
          %slice3A_59 = vector.extract_strided_slice %get3A_46 {offsets = [2], sizes = [1], strides = [1]} : vector<16xf32> to vector<1xf32>
          %squeeze3A_60 = vector.extract %slice3A_59[0] : f32 from vector<1xf32>
          %broadcast_in_dim3A_61 = vector.broadcast %squeeze3A_60 : f32 to vector<16xf32>
          %swap3A_62 = arith.index_cast %scan3A_43 : i32 to index
          %swap3A_63 = arith.constant 32 : index
          %swap3A_64 = tpu.vector_load %arg7[%swap3A_62, %swap3A_63] {strides = array<i32>} : memref<128x128xf32, #tpu.memory_space<vmem>>, vector<1x16xf32>,
          %swap3A_65 = vector.shape_cast %swap3A_64 : vector<1x16xf32> to vector<16xf32>
          %swap3A_66 = vector.shape_cast %broadcast_in_dim3A_61 : vector<16xf32> to vector<1x16xf32>
          tpu.vector_store %arg7[%swap3A_62, %swap3A_63], %swap3A_66 {strides = array<i32>} : memref<128x128xf32, #tpu.memory_space<vmem>>, vector<1x16xf32>,
          %slice3A_67 = vector.extract_strided_slice %get3A_46 {offsets = [3], sizes = [1], strides = [1]} : vector<16xf32> to vector<1xf32>
          %squeeze3A_68 = vector.extract %slice3A_67[0] : f32 from vector<1xf32>
          %broadcast_in_dim3A_69 = vector.broadcast %squeeze3A_68 : f32 to vector<16xf32>
          %swap3A_70 = arith.index_cast %scan3A_43 : i32 to index
          %swap3A_71 = arith.constant 48 : index
          %swap3A_72 = tpu.vector_load %arg7[%swap3A_70, %swap3A_71] {strides = array<i32>} : memref<128x128xf32, #tpu.memory_space<vmem>>, vector<1x16xf32>,
          %swap3A_73 = vector.shape_cast %swap3A_72 : vector<1x16xf32> to vector<16xf32>
          %swap3A_74 = vector.shape_cast %broadcast_in_dim3A_69 : vector<16xf32> to vector<1x16xf32>
          tpu.vector_store %arg7[%swap3A_70, %swap3A_71], %swap3A_74 {strides = array<i32>} : memref<128x128xf32, #tpu.memory_space<vmem>>, vector<1x16xf32>,
          %slice3A_75 = vector.extract_strided_slice %get3A_46 {offsets = [4], sizes = [1], strides = [1]} : vector<16xf32> to vector<1xf32>
          %squeeze3A_76 = vector.extract %slice3A_75[0] : f32 from vector<1xf32>
          %broadcast_in_dim3A_77 = vector.broadcast %squeeze3A_76 : f32 to vector<16xf32>
          %swap3A_78 = arith.index_cast %scan3A_43 : i32 to index
          %swap3A_79 = arith.constant 64 : index
          %swap3A_80 = tpu.vector_load %arg7[%swap3A_78, %swap3A_79] {strides = array<i32>} : memref<128x128xf32, #tpu.memory_space<vmem>>, vector<1x16xf32>,
          %swap3A_81 = vector.shape_cast %swap3A_80 : vector<1x16xf32> to vector<16xf32>
          %swap3A_82 = vector.shape_cast %broadcast_in_dim3A_77 : vector<16xf32> to vector<1x16xf32>
          tpu.vector_store %arg7[%swap3A_78, %swap3A_79], %swap3A_82 {strides = array<i32>} : memref<128x128xf32, #tpu.memory_space<vmem>>, vector<1x16xf32>,
          %slice3A_83 = vector.extract_strided_slice %get3A_46 {offsets = [5], sizes = [1], strides = [1]} : vector<16xf32> to vector<1xf32>
          %squeeze3A_84 = vector.extract %slice3A_83[0] : f32 from vector<1xf32>
          %broadcast_in_dim3A_85 = vector.broadcast %squeeze3A_84 : f32 to vector<16xf32>
          %swap3A_86 = arith.index_cast %scan3A_43 : i32 to index
          %swap3A_87 = arith.constant 80 : index
          %swap3A_88 = tpu.vector_load %arg7[%swap3A_86, %swap3A_87] {strides = array<i32>} : memref<128x128xf32, #tpu.memory_space<vmem>>, vector<1x16xf32>,
          %swap3A_89 = vector.shape_cast %swap3A_88 : vector<1x16xf32> to vector<16xf32>
          %swap3A_90 = vector.shape_cast %broadcast_in_dim3A_85 : vector<16xf32> to vector<1x16xf32>
          tpu.vector_store %arg7[%swap3A_86, %swap3A_87], %swap3A_90 {strides = array<i32>} : memref<128x128xf32, #tpu.memory_space<vmem>>, vector<1x16xf32>,
          %slice3A_91 = vector.extract_strided_slice %get3A_46 {offsets = [6], sizes = [1], strides = [1]} : vector<16xf32> to vector<1xf32>
          %squeeze3A_92 = vector.extract %slice3A_91[0] : f32 from vector<1xf32>
          %broadcast_in_dim3A_93 = vector.broadcast %squeeze3A_92 : f32 to vector<16xf32>
          %swap3A_94 = arith.index_cast %scan3A_43 : i32 to index
          %swap3A_95 = arith.constant 96 : index
          %swap3A_96 = tpu.vector_load %arg7[%swap3A_94, %swap3A_95] {strides = array<i32>} : memref<128x128xf32, #tpu.memory_space<vmem>>, vector<1x16xf32>,
          %swap3A_97 = vector.shape_cast %swap3A_96 : vector<1x16xf32> to vector<16xf32>
          %swap3A_98 = vector.shape_cast %broadcast_in_dim3A_93 : vector<16xf32> to vector<1x16xf32>
          tpu.vector_store %arg7[%swap3A_94, %swap3A_95], %swap3A_98 {strides = array<i32>} : memref<128x128xf32, #tpu.memory_space<vmem>>, vector<1x16xf32>,
          %slice3A_99 = vector.extract_strided_slice %get3A_46 {offsets = [7], sizes = [1], strides = [1]} : vector<16xf32> to vector<1xf32>
          %squeeze3A_100 = vector.extract %slice3A_99[0] : f32 from vector<1xf32>
          %broadcast_in_dim3A_101 = vector.broadcast %squeeze3A_100 : f32 to vector<16xf32>
          %swap3A_102 = arith.index_cast %scan3A_43 : i32 to index
          %swap3A_103 = arith.constant 112 : index
          %swap3A_104 = tpu.vector_load %arg7[%swap3A_102, %swap3A_103] {strides = array<i32>} : memref<128x128xf32, #tpu.memory_space<vmem>>, vector<1x16xf32>,
          %swap3A_105 = vector.shape_cast %swap3A_104 : vector<1x16xf32> to vector<16xf32>
          %swap3A_106 = vector.shape_cast %broadcast_in_dim3A_101 : vector<16xf32> to vector<1x16xf32>
          tpu.vector_store %arg7[%swap3A_102, %swap3A_103], %swap3A_106 {strides = array<i32>} : memref<128x128xf32, #tpu.memory_space<vmem>>, vector<1x16xf32>,
        }
        %scan3A_42 = arith.constant 128 : i32
        "tpu.region"() ({
          %run_scoped3A = tpu.sem_alloc : memref<!tpu.dma_semaphore, #tpu.memory_space<semaphore_mem>>
          %dma_start3A = arith.constant 0 : i32
          %dma_start3A_43 = tpu.memref_slice %arg5[%scan3A_34, %dma_start3A] : memref<16x128xi32, #tpu.memory_space<vmem>> -> memref<1x128xi32, #tpu.memory_space<vmem>>
          %dma_start3A_44 = tpu.memref_squeeze %dma_start3A_43 : memref<1x128xi32, #tpu.memory_space<vmem>> -> memref<128xi32, #tpu.memory_space<vmem>>
          %dma_start3A_45 = arith.constant 0 : i32
          %dma_start3A_46 = arith.constant 0 : i32
          %dma_start3A_47 = tpu.memref_slice %arg8[%dma_start3A_45, %dma_start3A_46] : memref<10240x128xf32, #tpu.memory_space<vmem_shared>> -> memref<10240x128xf32, #tpu.memory_space<vmem_shared>>
          tpu.enqueue_indirect_dma source(%arg7 : memref<128x128xf32, #tpu.memory_space<vmem>>) target(%dma_start3A_47 : memref<10240x128xf32, #tpu.memory_space<vmem_shared>>) offsets(%dma_start3A_44 : memref<128xi32, #tpu.memory_space<vmem>>) semaphore(%run_scoped3A : memref<!tpu.dma_semaphore, #tpu.memory_space<semaphore_mem>>) {add = true}
          %dma_wait3A = arith.constant 0 : i32
          %dma_wait3A_48 = tpu.memref_slice %arg5[%scan3A_34, %dma_wait3A] : memref<16x128xi32, #tpu.memory_space<vmem>> -> memref<1x128xi32, #tpu.memory_space<vmem>>
          %dma_wait3A_49 = tpu.memref_squeeze %dma_wait3A_48 : memref<1x128xi32, #tpu.memory_space<vmem>> -> memref<128xi32, #tpu.memory_space<vmem>>
          %dma_wait3A_50 = arith.constant 0 : i32
          %dma_wait3A_51 = arith.constant 0 : i32
          %dma_wait3A_52 = tpu.memref_slice %arg8[%dma_wait3A_50, %dma_wait3A_51] : memref<10240x128xf32, #tpu.memory_space<vmem_shared>> -> memref<10240x128xf32, #tpu.memory_space<vmem_shared>>
          tpu.wait_indirect_dma semaphore(%run_scoped3A : memref<!tpu.dma_semaphore, #tpu.memory_space<semaphore_mem>>) src(%arg7 : memref<128x128xf32, #tpu.memory_space<vmem>>) dst(%dma_wait3A_52 : memref<10240x128xf32, #tpu.memory_space<vmem_shared>>)
          tpu.yield
        }) : () -> ()
      }
      %scan3A_33 = arith.constant 16 : i32
    }
    %scan3A_16 = arith.constant 5 : i32
    %barrier3A_17 = arith.constant 0 : index
    tpu.barrier barrier_id(%barrier3A_17)
    %scan3A_18 = arith.constant 0 : i32
    %scan3A_19 = arith.constant 5 : i32
    %scan3A_20 = arith.addi %scan3A_18, %scan3A_19 : i32
    %scan3A_21 = arith.constant 1 : i32
    scf.for %scan3A_23 = %scan3A_18 to %scan3A_20 step %scan3A_21  : i32 {
      %mul3A_24 = arith.constant 128 : i32
      %mul3A_25 = arith.muli %scan3A_23, %mul3A_24 : i32
      %add3A_26 = arith.addi %mul3A_2, %mul3A_25 : i32
      "tpu.region"() ({
        %run_scoped3A = tpu.sem_alloc : memref<!tpu.dma_semaphore, #tpu.memory_space<semaphore_mem>>
        %dma_start3A = arith.constant 0 : i32
        %dma_start3A_30 = tpu.memref_slice %arg8[%add3A_26, %dma_start3A] : memref<10240x128xf32, #tpu.memory_space<vmem_shared>> -> memref<128x128xf32, #tpu.memory_space<vmem_shared>>
        %dma_start3A_31 = arith.constant 0 : i32
        %dma_start3A_32 = tpu.memref_slice %arg8[%add3A_26, %dma_start3A_31] : memref<10240x128xf32, #tpu.memory_space<vmem_shared>> -> memref<128x128xf32, #tpu.memory_space<vmem_shared>>
        tpu.enqueue_dma source(%dma_start3A_32 : memref<128x128xf32, #tpu.memory_space<vmem_shared>>) target(%arg7 : memref<128x128xf32, #tpu.memory_space<vmem>>) target_semaphore(%run_scoped3A : memref<!tpu.dma_semaphore, #tpu.memory_space<semaphore_mem>>)
        %dma_wait3A = arith.constant 0 : i32
        %dma_wait3A_33 = tpu.memref_slice %arg8[%add3A_26, %dma_wait3A] : memref<10240x128xf32, #tpu.memory_space<vmem_shared>> -> memref<128x128xf32, #tpu.memory_space<vmem_shared>>
        %dma_wait3A_34 = arith.constant 0 : i32
        %dma_wait3A_35 = tpu.memref_slice %arg8[%add3A_26, %dma_wait3A_34] : memref<10240x128xf32, #tpu.memory_space<vmem_shared>> -> memref<128x128xf32, #tpu.memory_space<vmem_shared>>
        tpu.wait_dma2 semaphore(%run_scoped3A : memref<!tpu.dma_semaphore, #tpu.memory_space<semaphore_mem>>) src(%dma_wait3A_35 : memref<128x128xf32, #tpu.memory_space<vmem_shared>>) dst(%arg7 : memref<128x128xf32, #tpu.memory_space<vmem>>)
        tpu.yield
      }) : () -> ()
      %mul3A_27 = arith.constant 10240 : i32
      %mul3A_28 = arith.muli %arg0, %mul3A_27 : i32
      %add3A_29 = arith.addi %mul3A_28, %add3A_26 : i32
      "tpu.region"() ({
        %run_scoped3A = tpu.sem_alloc : memref<!tpu.dma_semaphore, #tpu.memory_space<semaphore_mem>>
        %dma_start3A = arith.constant 0 : i32
        %dma_start3A_30 = tpu.memref_slice %arg4[%add3A_29, %dma_start3A] : memref<20480x128xf32, #tpu.memory_space<hbm>> -> memref<128x128xf32, #tpu.memory_space<hbm>>
        %dma_start3A_31 = arith.constant 0 : i32
        %dma_start3A_32 = tpu.memref_slice %arg4[%add3A_29, %dma_start3A_31] : memref<20480x128xf32, #tpu.memory_space<hbm>> -> memref<128x128xf32, #tpu.memory_space<hbm>>
        tpu.enqueue_dma source(%arg7 : memref<128x128xf32, #tpu.memory_space<vmem>>) target(%dma_start3A_32 : memref<128x128xf32, #tpu.memory_space<hbm>>) target_semaphore(%run_scoped3A : memref<!tpu.dma_semaphore, #tpu.memory_space<semaphore_mem>>)
        %dma_wait3A = arith.constant 0 : i32
        %dma_wait3A_33 = tpu.memref_slice %arg4[%add3A_29, %dma_wait3A] : memref<20480x128xf32, #tpu.memory_space<hbm>> -> memref<128x128xf32, #tpu.memory_space<hbm>>
        %dma_wait3A_34 = arith.constant 0 : i32
        %dma_wait3A_35 = tpu.memref_slice %arg4[%add3A_29, %dma_wait3A_34] : memref<20480x128xf32, #tpu.memory_space<hbm>> -> memref<128x128xf32, #tpu.memory_space<hbm>>
        tpu.wait_dma2 semaphore(%run_scoped3A : memref<!tpu.dma_semaphore, #tpu.memory_space<semaphore_mem>>) src(%arg7 : memref<128x128xf32, #tpu.memory_space<vmem>>) dst(%dma_wait3A_35 : memref<128x128xf32, #tpu.memory_space<hbm>>)
        tpu.yield
      }) : () -> ()
    }
    %scan3A_22 = arith.constant 5 : i32
    return
  }
}

#map = affine_map<(d0, d1) -> (0, 0)>
module attributes {stable_mosaic.version = 14 : i64} {
  func.func @_sc1_body(%arg0: i32, %arg1: i32, %arg2: memref<10240x128xf32, #tpu.memory_space<hbm>>, %arg3: memref<10240x128xf32, #tpu.memory_space<hbm>>, %arg4: memref<10240x128xf32, #tpu.memory_space<hbm>>, %arg5: memref<5120x64xi32, #tpu.memory_space<hbm>>, %arg6: memref<5120x64xi32, #tpu.memory_space<hbm>>, %arg7: memref<20480x128xf32, #tpu.memory_space<hbm>>, %arg8: memref<327680x16xf32, #tpu.memory_space<hbm>>, %arg9: memref<16x64xi32, #tpu.memory_space<vmem>>, %arg10: memref<16x64xi32, #tpu.memory_space<vmem>>, %arg11: memref<64x128xf32, #tpu.memory_space<vmem>>, %arg12: memref<64x128xf32, #tpu.memory_space<vmem>>, %arg13: memref<64x128xf32, #tpu.memory_space<vmem>>, %arg14: memref<64x16xf32, #tpu.memory_space<vmem>>, %arg15: memref<10240x128xf32, #tpu.memory_space<vmem_shared>>, %arg16: memref<!tpu.dma_semaphore, #tpu.memory_space<semaphore_mem>>, %arg17: memref<!tpu.dma_semaphore, #tpu.memory_space<semaphore_mem>>, %arg18: memref<!tpu.dma_semaphore, #tpu.memory_space<semaphore_mem>>) attributes {dimension_semantics = [#tpu.dimension_semantics<core_parallel>, #tpu.dimension_semantics<subcore_parallel>], iteration_bounds = array<i64: 2, 16>, scalar_prefetch = 0 : i64, scratch_operands = 10 : i64, tpu.core_type = #tpu.core_type<sc_vector_subcore>, window_params = [{transform_indices = #map}, {transform_indices = #map}, {transform_indices = #map}, {transform_indices = #map}, {transform_indices = #map}, {transform_indices = #map}, {transform_indices = #map}]} {
    %mul3A = arith.constant 2 : i32
    %mul3A_0 = arith.muli %arg1, %mul3A : i32
    %add3A = arith.addi %mul3A_0, %arg0 : i32
    %mul3A_1 = arith.constant 640 : i32
    %mul3A_2 = arith.muli %arg1, %mul3A_1 : i32
    %scan3A = arith.constant 0 : i32
    %scan3A_3 = arith.constant 64 : i32
    %scan3A_4 = arith.addi %scan3A, %scan3A_3 : i32
    %scan3A_5 = arith.constant 1 : i32
    scf.for %scan3A_23 = %scan3A to %scan3A_4 step %scan3A_5  : i32 {
      %broadcast_in_dim3A = arith.constant 0.000000e+00 : f32
      %broadcast_in_dim3A_24 = vector.broadcast %broadcast_in_dim3A : f32 to vector<16xf32>
      %swap3A = arith.index_cast %scan3A_23 : i32 to index
      %swap3A_25 = arith.constant 0 : index
      %swap3A_26 = tpu.vector_load %arg13[%swap3A, %swap3A_25] {strides = array<i32>} : memref<64x128xf32, #tpu.memory_space<vmem>>, vector<1x16xf32>,
      %swap3A_27 = vector.shape_cast %swap3A_26 : vector<1x16xf32> to vector<16xf32>
      %swap3A_28 = vector.shape_cast %broadcast_in_dim3A_24 : vector<16xf32> to vector<1x16xf32>
      tpu.vector_store %arg13[%swap3A, %swap3A_25], %swap3A_28 {strides = array<i32>} : memref<64x128xf32, #tpu.memory_space<vmem>>, vector<1x16xf32>,
      %broadcast_in_dim3A_29 = arith.constant 0.000000e+00 : f32
      %broadcast_in_dim3A_30 = vector.broadcast %broadcast_in_dim3A_29 : f32 to vector<16xf32>
      %swap3A_31 = arith.index_cast %scan3A_23 : i32 to index
      %swap3A_32 = arith.constant 16 : index
      %swap3A_33 = tpu.vector_load %arg13[%swap3A_31, %swap3A_32] {strides = array<i32>} : memref<64x128xf32, #tpu.memory_space<vmem>>, vector<1x16xf32>,
      %swap3A_34 = vector.shape_cast %swap3A_33 : vector<1x16xf32> to vector<16xf32>
      %swap3A_35 = vector.shape_cast %broadcast_in_dim3A_30 : vector<16xf32> to vector<1x16xf32>
      tpu.vector_store %arg13[%swap3A_31, %swap3A_32], %swap3A_35 {strides = array<i32>} : memref<64x128xf32, #tpu.memory_space<vmem>>, vector<1x16xf32>,
      %broadcast_in_dim3A_36 = arith.constant 0.000000e+00 : f32
      %broadcast_in_dim3A_37 = vector.broadcast %broadcast_in_dim3A_36 : f32 to vector<16xf32>
      %swap3A_38 = arith.index_cast %scan3A_23 : i32 to index
      %swap3A_39 = arith.constant 32 : index
      %swap3A_40 = tpu.vector_load %arg13[%swap3A_38, %swap3A_39] {strides = array<i32>} : memref<64x128xf32, #tpu.memory_space<vmem>>, vector<1x16xf32>,
      %swap3A_41 = vector.shape_cast %swap3A_40 : vector<1x16xf32> to vector<16xf32>
      %swap3A_42 = vector.shape_cast %broadcast_in_dim3A_37 : vector<16xf32> to vector<1x16xf32>
      tpu.vector_store %arg13[%swap3A_38, %swap3A_39], %swap3A_42 {strides = array<i32>} : memref<64x128xf32, #tpu.memory_space<vmem>>, vector<1x16xf32>,
      %broadcast_in_dim3A_43 = arith.constant 0.000000e+00 : f32
      %broadcast_in_dim3A_44 = vector.broadcast %broadcast_in_dim3A_43 : f32 to vector<16xf32>
      %swap3A_45 = arith.index_cast %scan3A_23 : i32 to index
      %swap3A_46 = arith.constant 48 : index
      %swap3A_47 = tpu.vector_load %arg13[%swap3A_45, %swap3A_46] {strides = array<i32>} : memref<64x128xf32, #tpu.memory_space<vmem>>, vector<1x16xf32>,
      %swap3A_48 = vector.shape_cast %swap3A_47 : vector<1x16xf32> to vector<16xf32>
      %swap3A_49 = vector.shape_cast %broadcast_in_dim3A_44 : vector<16xf32> to vector<1x16xf32>
      tpu.vector_store %arg13[%swap3A_45, %swap3A_46], %swap3A_49 {strides = array<i32>} : memref<64x128xf32, #tpu.memory_space<vmem>>, vector<1x16xf32>,
      %broadcast_in_dim3A_50 = arith.constant 0.000000e+00 : f32
      %broadcast_in_dim3A_51 = vector.broadcast %broadcast_in_dim3A_50 : f32 to vector<16xf32>
      %swap3A_52 = arith.index_cast %scan3A_23 : i32 to index
      %swap3A_53 = arith.constant 64 : index
      %swap3A_54 = tpu.vector_load %arg13[%swap3A_52, %swap3A_53] {strides = array<i32>} : memref<64x128xf32, #tpu.memory_space<vmem>>, vector<1x16xf32>,
      %swap3A_55 = vector.shape_cast %swap3A_54 : vector<1x16xf32> to vector<16xf32>
      %swap3A_56 = vector.shape_cast %broadcast_in_dim3A_51 : vector<16xf32> to vector<1x16xf32>
      tpu.vector_store %arg13[%swap3A_52, %swap3A_53], %swap3A_56 {strides = array<i32>} : memref<64x128xf32, #tpu.memory_space<vmem>>, vector<1x16xf32>,
      %broadcast_in_dim3A_57 = arith.constant 0.000000e+00 : f32
      %broadcast_in_dim3A_58 = vector.broadcast %broadcast_in_dim3A_57 : f32 to vector<16xf32>
      %swap3A_59 = arith.index_cast %scan3A_23 : i32 to index
      %swap3A_60 = arith.constant 80 : index
      %swap3A_61 = tpu.vector_load %arg13[%swap3A_59, %swap3A_60] {strides = array<i32>} : memref<64x128xf32, #tpu.memory_space<vmem>>, vector<1x16xf32>,
      %swap3A_62 = vector.shape_cast %swap3A_61 : vector<1x16xf32> to vector<16xf32>
      %swap3A_63 = vector.shape_cast %broadcast_in_dim3A_58 : vector<16xf32> to vector<1x16xf32>
      tpu.vector_store %arg13[%swap3A_59, %swap3A_60], %swap3A_63 {strides = array<i32>} : memref<64x128xf32, #tpu.memory_space<vmem>>, vector<1x16xf32>,
      %broadcast_in_dim3A_64 = arith.constant 0.000000e+00 : f32
      %broadcast_in_dim3A_65 = vector.broadcast %broadcast_in_dim3A_64 : f32 to vector<16xf32>
      %swap3A_66 = arith.index_cast %scan3A_23 : i32 to index
      %swap3A_67 = arith.constant 96 : index
      %swap3A_68 = tpu.vector_load %arg13[%swap3A_66, %swap3A_67] {strides = array<i32>} : memref<64x128xf32, #tpu.memory_space<vmem>>, vector<1x16xf32>,
      %swap3A_69 = vector.shape_cast %swap3A_68 : vector<1x16xf32> to vector<16xf32>
      %swap3A_70 = vector.shape_cast %broadcast_in_dim3A_65 : vector<16xf32> to vector<1x16xf32>
      tpu.vector_store %arg13[%swap3A_66, %swap3A_67], %swap3A_70 {strides = array<i32>} : memref<64x128xf32, #tpu.memory_space<vmem>>, vector<1x16xf32>,
      %broadcast_in_dim3A_71 = arith.constant 0.000000e+00 : f32
      %broadcast_in_dim3A_72 = vector.broadcast %broadcast_in_dim3A_71 : f32 to vector<16xf32>
      %swap3A_73 = arith.index_cast %scan3A_23 : i32 to index
      %swap3A_74 = arith.constant 112 : index
      %swap3A_75 = tpu.vector_load %arg13[%swap3A_73, %swap3A_74] {strides = array<i32>} : memref<64x128xf32, #tpu.memory_space<vmem>>, vector<1x16xf32>,
      %swap3A_76 = vector.shape_cast %swap3A_75 : vector<1x16xf32> to vector<16xf32>
      %swap3A_77 = vector.shape_cast %broadcast_in_dim3A_72 : vector<16xf32> to vector<1x16xf32>
      tpu.vector_store %arg13[%swap3A_73, %swap3A_74], %swap3A_77 {strides = array<i32>} : memref<64x128xf32, #tpu.memory_space<vmem>>, vector<1x16xf32>,
    }
    %scan3A_6 = arith.constant 64 : i32
    %scan3A_7 = arith.constant 0 : i32
    %scan3A_8 = arith.constant 10 : i32
    %scan3A_9 = arith.addi %scan3A_7, %scan3A_8 : i32
    %scan3A_10 = arith.constant 1 : i32
    scf.for %scan3A_23 = %scan3A_7 to %scan3A_9 step %scan3A_10  : i32 {
      %mul3A_24 = arith.constant 64 : i32
      %mul3A_25 = arith.muli %scan3A_23, %mul3A_24 : i32
      %add3A_26 = arith.addi %mul3A_2, %mul3A_25 : i32
      "tpu.region"() ({
        %run_scoped3A = tpu.sem_alloc : memref<!tpu.dma_semaphore, #tpu.memory_space<semaphore_mem>>
        %dma_start3A = arith.constant 0 : i32
        %dma_start3A_27 = tpu.memref_slice %arg15[%add3A_26, %dma_start3A] : memref<10240x128xf32, #tpu.memory_space<vmem_shared>> -> memref<64x128xf32, #tpu.memory_space<vmem_shared>>
        %dma_start3A_28 = arith.constant 0 : i32
        %dma_start3A_29 = tpu.memref_slice %arg15[%add3A_26, %dma_start3A_28] : memref<10240x128xf32, #tpu.memory_space<vmem_shared>> -> memref<64x128xf32, #tpu.memory_space<vmem_shared>>
        tpu.enqueue_dma source(%arg13 : memref<64x128xf32, #tpu.memory_space<vmem>>) target(%dma_start3A_29 : memref<64x128xf32, #tpu.memory_space<vmem_shared>>) target_semaphore(%run_scoped3A : memref<!tpu.dma_semaphore, #tpu.memory_space<semaphore_mem>>)
        %dma_wait3A = arith.constant 0 : i32
        %dma_wait3A_30 = tpu.memref_slice %arg15[%add3A_26, %dma_wait3A] : memref<10240x128xf32, #tpu.memory_space<vmem_shared>> -> memref<64x128xf32, #tpu.memory_space<vmem_shared>>
        %dma_wait3A_31 = arith.constant 0 : i32
        %dma_wait3A_32 = tpu.memref_slice %arg15[%add3A_26, %dma_wait3A_31] : memref<10240x128xf32, #tpu.memory_space<vmem_shared>> -> memref<64x128xf32, #tpu.memory_space<vmem_shared>>
        tpu.wait_dma2 semaphore(%run_scoped3A : memref<!tpu.dma_semaphore, #tpu.memory_space<semaphore_mem>>) src(%arg13 : memref<64x128xf32, #tpu.memory_space<vmem>>) dst(%dma_wait3A_32 : memref<64x128xf32, #tpu.memory_space<vmem_shared>>)
        tpu.yield
      }) : () -> ()
    }
    %scan3A_11 = arith.constant 10 : i32
    %barrier3A = arith.constant 0 : index
    tpu.barrier barrier_id(%barrier3A)
    %scan3A_12 = arith.constant 0 : i32
    %scan3A_13 = arith.constant 10 : i32
    %scan3A_14 = arith.addi %scan3A_12, %scan3A_13 : i32
    %scan3A_15 = arith.constant 1 : i32
    scf.for %scan3A_23 = %scan3A_12 to %scan3A_14 step %scan3A_15  : i32 {
      %mul3A_24 = arith.constant 160 : i32
      %mul3A_25 = arith.muli %add3A, %mul3A_24 : i32
      %mul3A_26 = arith.constant 16 : i32
      %mul3A_27 = arith.muli %scan3A_23, %mul3A_26 : i32
      %add3A_28 = arith.addi %mul3A_25, %mul3A_27 : i32
      "tpu.region"() ({
        %run_scoped3A = tpu.sem_alloc : memref<!tpu.dma_semaphore, #tpu.memory_space<semaphore_mem>>
        %dma_start3A = arith.constant 0 : i32
        %dma_start3A_34 = tpu.memref_slice %arg5[%add3A_28, %dma_start3A] : memref<5120x64xi32, #tpu.memory_space<hbm>> -> memref<16x64xi32, #tpu.memory_space<hbm>>
        %dma_start3A_35 = arith.constant 0 : i32
        %dma_start3A_36 = tpu.memref_slice %arg5[%add3A_28, %dma_start3A_35] : memref<5120x64xi32, #tpu.memory_space<hbm>> -> memref<16x64xi32, #tpu.memory_space<hbm>>
        tpu.enqueue_dma source(%dma_start3A_36 : memref<16x64xi32, #tpu.memory_space<hbm>>) target(%arg9 : memref<16x64xi32, #tpu.memory_space<vmem>>) target_semaphore(%run_scoped3A : memref<!tpu.dma_semaphore, #tpu.memory_space<semaphore_mem>>)
        %dma_wait3A = arith.constant 0 : i32
        %dma_wait3A_37 = tpu.memref_slice %arg5[%add3A_28, %dma_wait3A] : memref<5120x64xi32, #tpu.memory_space<hbm>> -> memref<16x64xi32, #tpu.memory_space<hbm>>
        %dma_wait3A_38 = arith.constant 0 : i32
        %dma_wait3A_39 = tpu.memref_slice %arg5[%add3A_28, %dma_wait3A_38] : memref<5120x64xi32, #tpu.memory_space<hbm>> -> memref<16x64xi32, #tpu.memory_space<hbm>>
        tpu.wait_dma2 semaphore(%run_scoped3A : memref<!tpu.dma_semaphore, #tpu.memory_space<semaphore_mem>>) src(%dma_wait3A_39 : memref<16x64xi32, #tpu.memory_space<hbm>>) dst(%arg9 : memref<16x64xi32, #tpu.memory_space<vmem>>)
        tpu.yield
      }) : () -> ()
      "tpu.region"() ({
        %run_scoped3A = tpu.sem_alloc : memref<!tpu.dma_semaphore, #tpu.memory_space<semaphore_mem>>
        %dma_start3A = arith.constant 0 : i32
        %dma_start3A_34 = tpu.memref_slice %arg6[%add3A_28, %dma_start3A] : memref<5120x64xi32, #tpu.memory_space<hbm>> -> memref<16x64xi32, #tpu.memory_space<hbm>>
        %dma_start3A_35 = arith.constant 0 : i32
        %dma_start3A_36 = tpu.memref_slice %arg6[%add3A_28, %dma_start3A_35] : memref<5120x64xi32, #tpu.memory_space<hbm>> -> memref<16x64xi32, #tpu.memory_space<hbm>>
        tpu.enqueue_dma source(%dma_start3A_36 : memref<16x64xi32, #tpu.memory_space<hbm>>) target(%arg10 : memref<16x64xi32, #tpu.memory_space<vmem>>) target_semaphore(%run_scoped3A : memref<!tpu.dma_semaphore, #tpu.memory_space<semaphore_mem>>)
        %dma_wait3A = arith.constant 0 : i32
        %dma_wait3A_37 = tpu.memref_slice %arg6[%add3A_28, %dma_wait3A] : memref<5120x64xi32, #tpu.memory_space<hbm>> -> memref<16x64xi32, #tpu.memory_space<hbm>>
        %dma_wait3A_38 = arith.constant 0 : i32
        %dma_wait3A_39 = tpu.memref_slice %arg6[%add3A_28, %dma_wait3A_38] : memref<5120x64xi32, #tpu.memory_space<hbm>> -> memref<16x64xi32, #tpu.memory_space<hbm>>
        tpu.wait_dma2 semaphore(%run_scoped3A : memref<!tpu.dma_semaphore, #tpu.memory_space<semaphore_mem>>) src(%dma_wait3A_39 : memref<16x64xi32, #tpu.memory_space<hbm>>) dst(%arg10 : memref<16x64xi32, #tpu.memory_space<vmem>>)
        tpu.yield
      }) : () -> ()
      %scan3A_29 = arith.constant 0 : i32
      %scan3A_30 = arith.constant 16 : i32
      %scan3A_31 = arith.addi %scan3A_29, %scan3A_30 : i32
      %scan3A_32 = arith.constant 1 : i32
      scf.for %scan3A_34 = %scan3A_29 to %scan3A_31 step %scan3A_32  : i32 {
        %dma_start3A = arith.constant 0 : i32
        %dma_start3A_35 = tpu.memref_slice %arg9[%scan3A_34, %dma_start3A] : memref<16x64xi32, #tpu.memory_space<vmem>> -> memref<1x64xi32, #tpu.memory_space<vmem>>
        %dma_start3A_36 = tpu.memref_squeeze %dma_start3A_35 : memref<1x64xi32, #tpu.memory_space<vmem>> -> memref<64xi32, #tpu.memory_space<vmem>>
        %dma_start3A_37 = arith.constant 0 : i32
        %dma_start3A_38 = arith.constant 0 : i32
        %dma_start3A_39 = tpu.memref_slice %arg3[%dma_start3A_37, %dma_start3A_38] : memref<10240x128xf32, #tpu.memory_space<hbm>> -> memref<10240x128xf32, #tpu.memory_space<hbm>>
        tpu.enqueue_indirect_dma source(%dma_start3A_39 : memref<10240x128xf32, #tpu.memory_space<hbm>>) target(%arg11 : memref<64x128xf32, #tpu.memory_space<vmem>>) offsets(%dma_start3A_36 : memref<64xi32, #tpu.memory_space<vmem>>) semaphore(%arg16 : memref<!tpu.dma_semaphore, #tpu.memory_space<semaphore_mem>>)
        %dma_start3A_40 = arith.constant 0 : i32
        %dma_start3A_41 = tpu.memref_slice %arg10[%scan3A_34, %dma_start3A_40] : memref<16x64xi32, #tpu.memory_space<vmem>> -> memref<1x64xi32, #tpu.memory_space<vmem>>
        %dma_start3A_42 = tpu.memref_squeeze %dma_start3A_41 : memref<1x64xi32, #tpu.memory_space<vmem>> -> memref<64xi32, #tpu.memory_space<vmem>>
        %dma_start3A_43 = arith.constant 0 : i32
        %dma_start3A_44 = arith.constant 0 : i32
        %dma_start3A_45 = tpu.memref_slice %arg4[%dma_start3A_43, %dma_start3A_44] : memref<10240x128xf32, #tpu.memory_space<hbm>> -> memref<10240x128xf32, #tpu.memory_space<hbm>>
        tpu.enqueue_indirect_dma source(%dma_start3A_45 : memref<10240x128xf32, #tpu.memory_space<hbm>>) target(%arg12 : memref<64x128xf32, #tpu.memory_space<vmem>>) offsets(%dma_start3A_42 : memref<64xi32, #tpu.memory_space<vmem>>) semaphore(%arg17 : memref<!tpu.dma_semaphore, #tpu.memory_space<semaphore_mem>>)
        %dma_start3A_46 = arith.constant 0 : i32
        %dma_start3A_47 = tpu.memref_slice %arg9[%scan3A_34, %dma_start3A_46] : memref<16x64xi32, #tpu.memory_space<vmem>> -> memref<1x64xi32, #tpu.memory_space<vmem>>
        %dma_start3A_48 = tpu.memref_squeeze %dma_start3A_47 : memref<1x64xi32, #tpu.memory_space<vmem>> -> memref<64xi32, #tpu.memory_space<vmem>>
        %dma_start3A_49 = arith.constant 0 : i32
        %dma_start3A_50 = arith.constant 0 : i32
        %dma_start3A_51 = tpu.memref_slice %arg2[%dma_start3A_49, %dma_start3A_50] : memref<10240x128xf32, #tpu.memory_space<hbm>> -> memref<10240x128xf32, #tpu.memory_space<hbm>>
        tpu.enqueue_indirect_dma source(%dma_start3A_51 : memref<10240x128xf32, #tpu.memory_space<hbm>>) target(%arg13 : memref<64x128xf32, #tpu.memory_space<vmem>>) offsets(%dma_start3A_48 : memref<64xi32, #tpu.memory_space<vmem>>) semaphore(%arg18 : memref<!tpu.dma_semaphore, #tpu.memory_space<semaphore_mem>>)
        %dma_wait3A = arith.constant 0 : i32
        %dma_wait3A_52 = tpu.memref_slice %arg9[%scan3A_34, %dma_wait3A] : memref<16x64xi32, #tpu.memory_space<vmem>> -> memref<1x64xi32, #tpu.memory_space<vmem>>
        %dma_wait3A_53 = tpu.memref_squeeze %dma_wait3A_52 : memref<1x64xi32, #tpu.memory_space<vmem>> -> memref<64xi32, #tpu.memory_space<vmem>>
        %dma_wait3A_54 = arith.constant 0 : i32
        %dma_wait3A_55 = arith.constant 0 : i32
        %dma_wait3A_56 = tpu.memref_slice %arg3[%dma_wait3A_54, %dma_wait3A_55] : memref<10240x128xf32, #tpu.memory_space<hbm>> -> memref<10240x128xf32, #tpu.memory_space<hbm>>
        tpu.wait_indirect_dma semaphore(%arg16 : memref<!tpu.dma_semaphore, #tpu.memory_space<semaphore_mem>>) src(%dma_wait3A_56 : memref<10240x128xf32, #tpu.memory_space<hbm>>) dst(%arg11 : memref<64x128xf32, #tpu.memory_space<vmem>>)
        %dma_wait3A_57 = arith.constant 0 : i32
        %dma_wait3A_58 = tpu.memref_slice %arg10[%scan3A_34, %dma_wait3A_57] : memref<16x64xi32, #tpu.memory_space<vmem>> -> memref<1x64xi32, #tpu.memory_space<vmem>>
        %dma_wait3A_59 = tpu.memref_squeeze %dma_wait3A_58 : memref<1x64xi32, #tpu.memory_space<vmem>> -> memref<64xi32, #tpu.memory_space<vmem>>
        %dma_wait3A_60 = arith.constant 0 : i32
        %dma_wait3A_61 = arith.constant 0 : i32
        %dma_wait3A_62 = tpu.memref_slice %arg4[%dma_wait3A_60, %dma_wait3A_61] : memref<10240x128xf32, #tpu.memory_space<hbm>> -> memref<10240x128xf32, #tpu.memory_space<hbm>>
        tpu.wait_indirect_dma semaphore(%arg17 : memref<!tpu.dma_semaphore, #tpu.memory_space<semaphore_mem>>) src(%dma_wait3A_62 : memref<10240x128xf32, #tpu.memory_space<hbm>>) dst(%arg12 : memref<64x128xf32, #tpu.memory_space<vmem>>)
        %dma_wait3A_63 = arith.constant 0 : i32
        %dma_wait3A_64 = tpu.memref_slice %arg9[%scan3A_34, %dma_wait3A_63] : memref<16x64xi32, #tpu.memory_space<vmem>> -> memref<1x64xi32, #tpu.memory_space<vmem>>
        %dma_wait3A_65 = tpu.memref_squeeze %dma_wait3A_64 : memref<1x64xi32, #tpu.memory_space<vmem>> -> memref<64xi32, #tpu.memory_space<vmem>>
        %dma_wait3A_66 = arith.constant 0 : i32
        %dma_wait3A_67 = arith.constant 0 : i32
        %dma_wait3A_68 = tpu.memref_slice %arg2[%dma_wait3A_66, %dma_wait3A_67] : memref<10240x128xf32, #tpu.memory_space<hbm>> -> memref<10240x128xf32, #tpu.memory_space<hbm>>
        tpu.wait_indirect_dma semaphore(%arg18 : memref<!tpu.dma_semaphore, #tpu.memory_space<semaphore_mem>>) src(%dma_wait3A_68 : memref<10240x128xf32, #tpu.memory_space<hbm>>) dst(%arg13 : memref<64x128xf32, #tpu.memory_space<vmem>>)
        %add3A_69 = arith.addi %add3A_28, %scan3A_34 : i32
        %scan3A_70 = arith.constant 0 : i32
        %scan3A_71 = arith.constant 64 : i32
        %scan3A_72 = arith.addi %scan3A_70, %scan3A_71 : i32
        %scan3A_73 = arith.constant 1 : i32
        scf.for %scan3A_77 = %scan3A_70 to %scan3A_72 step %scan3A_73  : i32 {
          %get3A = arith.index_cast %scan3A_77 : i32 to index
          %get3A_78 = arith.constant 0 : index
          %get3A_79 = tpu.vector_load %arg11[%get3A, %get3A_78] {strides = array<i32>} : memref<64x128xf32, #tpu.memory_space<vmem>>, vector<1x16xf32>,
          %get3A_80 = vector.shape_cast %get3A_79 : vector<1x16xf32> to vector<16xf32>
          %get3A_81 = arith.index_cast %scan3A_77 : i32 to index
          %get3A_82 = arith.constant 0 : index
          %get3A_83 = tpu.vector_load %arg12[%get3A_81, %get3A_82] {strides = array<i32>} : memref<64x128xf32, #tpu.memory_space<vmem>>, vector<1x16xf32>,
          %get3A_84 = vector.shape_cast %get3A_83 : vector<1x16xf32> to vector<16xf32>
          %add3A_85 = arith.addf %get3A_80, %get3A_84 : vector<16xf32>
          %mul3A_86 = arith.constant 2.000000e-01 : f32
          %mul3A_87 = vector.broadcast %mul3A_86 : f32 to vector<16xf32>
          %mul3A_88 = arith.mulf %mul3A_87, %add3A_85 : vector<16xf32>
          %max3A = arith.maximumf %add3A_85, %mul3A_88 : vector<16xf32>
          %exp3A = math.exp %max3A : vector<16xf32>
          %swap3A = arith.index_cast %scan3A_77 : i32 to index
          %swap3A_89 = arith.constant 0 : index
          %swap3A_90 = tpu.vector_load %arg14[%swap3A, %swap3A_89] {strides = array<i32>} : memref<64x16xf32, #tpu.memory_space<vmem>>, vector<1x16xf32>,
          %swap3A_91 = vector.shape_cast %swap3A_90 : vector<1x16xf32> to vector<16xf32>
          %swap3A_92 = vector.shape_cast %exp3A : vector<16xf32> to vector<1x16xf32>
          tpu.vector_store %arg14[%swap3A, %swap3A_89], %swap3A_92 {strides = array<i32>} : memref<64x16xf32, #tpu.memory_space<vmem>>, vector<1x16xf32>,
          %slice3A = vector.extract_strided_slice %exp3A {offsets = [0], sizes = [1], strides = [1]} : vector<16xf32> to vector<1xf32>
          %squeeze3A = vector.extract %slice3A[0] : f32 from vector<1xf32>
          %broadcast_in_dim3A = vector.broadcast %squeeze3A : f32 to vector<16xf32>
          %get3A_93 = arith.index_cast %scan3A_77 : i32 to index
          %get3A_94 = arith.constant 0 : index
          %get3A_95 = tpu.vector_load %arg13[%get3A_93, %get3A_94] {strides = array<i32>} : memref<64x128xf32, #tpu.memory_space<vmem>>, vector<1x16xf32>,
          %get3A_96 = vector.shape_cast %get3A_95 : vector<1x16xf32> to vector<16xf32>
          %mul3A_97 = arith.mulf %get3A_96, %broadcast_in_dim3A : vector<16xf32>
          %swap3A_98 = arith.index_cast %scan3A_77 : i32 to index
          %swap3A_99 = arith.constant 0 : index
          %swap3A_100 = tpu.vector_load %arg13[%swap3A_98, %swap3A_99] {strides = array<i32>} : memref<64x128xf32, #tpu.memory_space<vmem>>, vector<1x16xf32>,
          %swap3A_101 = vector.shape_cast %swap3A_100 : vector<1x16xf32> to vector<16xf32>
          %swap3A_102 = vector.shape_cast %mul3A_97 : vector<16xf32> to vector<1x16xf32>
          tpu.vector_store %arg13[%swap3A_98, %swap3A_99], %swap3A_102 {strides = array<i32>} : memref<64x128xf32, #tpu.memory_space<vmem>>, vector<1x16xf32>,
          %slice3A_103 = vector.extract_strided_slice %exp3A {offsets = [1], sizes = [1], strides = [1]} : vector<16xf32> to vector<1xf32>
          %squeeze3A_104 = vector.extract %slice3A_103[0] : f32 from vector<1xf32>
          %broadcast_in_dim3A_105 = vector.broadcast %squeeze3A_104 : f32 to vector<16xf32>
          %get3A_106 = arith.index_cast %scan3A_77 : i32 to index
          %get3A_107 = arith.constant 16 : index
          %get3A_108 = tpu.vector_load %arg13[%get3A_106, %get3A_107] {strides = array<i32>} : memref<64x128xf32, #tpu.memory_space<vmem>>, vector<1x16xf32>,
          %get3A_109 = vector.shape_cast %get3A_108 : vector<1x16xf32> to vector<16xf32>
          %mul3A_110 = arith.mulf %get3A_109, %broadcast_in_dim3A_105 : vector<16xf32>
          %swap3A_111 = arith.index_cast %scan3A_77 : i32 to index
          %swap3A_112 = arith.constant 16 : index
          %swap3A_113 = tpu.vector_load %arg13[%swap3A_111, %swap3A_112] {strides = array<i32>} : memref<64x128xf32, #tpu.memory_space<vmem>>, vector<1x16xf32>,
          %swap3A_114 = vector.shape_cast %swap3A_113 : vector<1x16xf32> to vector<16xf32>
          %swap3A_115 = vector.shape_cast %mul3A_110 : vector<16xf32> to vector<1x16xf32>
          tpu.vector_store %arg13[%swap3A_111, %swap3A_112], %swap3A_115 {strides = array<i32>} : memref<64x128xf32, #tpu.memory_space<vmem>>, vector<1x16xf32>,
          %slice3A_116 = vector.extract_strided_slice %exp3A {offsets = [2], sizes = [1], strides = [1]} : vector<16xf32> to vector<1xf32>
          %squeeze3A_117 = vector.extract %slice3A_116[0] : f32 from vector<1xf32>
          %broadcast_in_dim3A_118 = vector.broadcast %squeeze3A_117 : f32 to vector<16xf32>
          %get3A_119 = arith.index_cast %scan3A_77 : i32 to index
          %get3A_120 = arith.constant 32 : index
          %get3A_121 = tpu.vector_load %arg13[%get3A_119, %get3A_120] {strides = array<i32>} : memref<64x128xf32, #tpu.memory_space<vmem>>, vector<1x16xf32>,
          %get3A_122 = vector.shape_cast %get3A_121 : vector<1x16xf32> to vector<16xf32>
          %mul3A_123 = arith.mulf %get3A_122, %broadcast_in_dim3A_118 : vector<16xf32>
          %swap3A_124 = arith.index_cast %scan3A_77 : i32 to index
          %swap3A_125 = arith.constant 32 : index
          %swap3A_126 = tpu.vector_load %arg13[%swap3A_124, %swap3A_125] {strides = array<i32>} : memref<64x128xf32, #tpu.memory_space<vmem>>, vector<1x16xf32>,
          %swap3A_127 = vector.shape_cast %swap3A_126 : vector<1x16xf32> to vector<16xf32>
          %swap3A_128 = vector.shape_cast %mul3A_123 : vector<16xf32> to vector<1x16xf32>
          tpu.vector_store %arg13[%swap3A_124, %swap3A_125], %swap3A_128 {strides = array<i32>} : memref<64x128xf32, #tpu.memory_space<vmem>>, vector<1x16xf32>,
          %slice3A_129 = vector.extract_strided_slice %exp3A {offsets = [3], sizes = [1], strides = [1]} : vector<16xf32> to vector<1xf32>
          %squeeze3A_130 = vector.extract %slice3A_129[0] : f32 from vector<1xf32>
          %broadcast_in_dim3A_131 = vector.broadcast %squeeze3A_130 : f32 to vector<16xf32>
          %get3A_132 = arith.index_cast %scan3A_77 : i32 to index
          %get3A_133 = arith.constant 48 : index
          %get3A_134 = tpu.vector_load %arg13[%get3A_132, %get3A_133] {strides = array<i32>} : memref<64x128xf32, #tpu.memory_space<vmem>>, vector<1x16xf32>,
          %get3A_135 = vector.shape_cast %get3A_134 : vector<1x16xf32> to vector<16xf32>
          %mul3A_136 = arith.mulf %get3A_135, %broadcast_in_dim3A_131 : vector<16xf32>
          %swap3A_137 = arith.index_cast %scan3A_77 : i32 to index
          %swap3A_138 = arith.constant 48 : index
          %swap3A_139 = tpu.vector_load %arg13[%swap3A_137, %swap3A_138] {strides = array<i32>} : memref<64x128xf32, #tpu.memory_space<vmem>>, vector<1x16xf32>,
          %swap3A_140 = vector.shape_cast %swap3A_139 : vector<1x16xf32> to vector<16xf32>
          %swap3A_141 = vector.shape_cast %mul3A_136 : vector<16xf32> to vector<1x16xf32>
          tpu.vector_store %arg13[%swap3A_137, %swap3A_138], %swap3A_141 {strides = array<i32>} : memref<64x128xf32, #tpu.memory_space<vmem>>, vector<1x16xf32>,
          %slice3A_142 = vector.extract_strided_slice %exp3A {offsets = [4], sizes = [1], strides = [1]} : vector<16xf32> to vector<1xf32>
          %squeeze3A_143 = vector.extract %slice3A_142[0] : f32 from vector<1xf32>
          %broadcast_in_dim3A_144 = vector.broadcast %squeeze3A_143 : f32 to vector<16xf32>
          %get3A_145 = arith.index_cast %scan3A_77 : i32 to index
          %get3A_146 = arith.constant 64 : index
          %get3A_147 = tpu.vector_load %arg13[%get3A_145, %get3A_146] {strides = array<i32>} : memref<64x128xf32, #tpu.memory_space<vmem>>, vector<1x16xf32>,
          %get3A_148 = vector.shape_cast %get3A_147 : vector<1x16xf32> to vector<16xf32>
          %mul3A_149 = arith.mulf %get3A_148, %broadcast_in_dim3A_144 : vector<16xf32>
          %swap3A_150 = arith.index_cast %scan3A_77 : i32 to index
          %swap3A_151 = arith.constant 64 : index
          %swap3A_152 = tpu.vector_load %arg13[%swap3A_150, %swap3A_151] {strides = array<i32>} : memref<64x128xf32, #tpu.memory_space<vmem>>, vector<1x16xf32>,
          %swap3A_153 = vector.shape_cast %swap3A_152 : vector<1x16xf32> to vector<16xf32>
          %swap3A_154 = vector.shape_cast %mul3A_149 : vector<16xf32> to vector<1x16xf32>
          tpu.vector_store %arg13[%swap3A_150, %swap3A_151], %swap3A_154 {strides = array<i32>} : memref<64x128xf32, #tpu.memory_space<vmem>>, vector<1x16xf32>,
          %slice3A_155 = vector.extract_strided_slice %exp3A {offsets = [5], sizes = [1], strides = [1]} : vector<16xf32> to vector<1xf32>
          %squeeze3A_156 = vector.extract %slice3A_155[0] : f32 from vector<1xf32>
          %broadcast_in_dim3A_157 = vector.broadcast %squeeze3A_156 : f32 to vector<16xf32>
          %get3A_158 = arith.index_cast %scan3A_77 : i32 to index
          %get3A_159 = arith.constant 80 : index
          %get3A_160 = tpu.vector_load %arg13[%get3A_158, %get3A_159] {strides = array<i32>} : memref<64x128xf32, #tpu.memory_space<vmem>>, vector<1x16xf32>,
          %get3A_161 = vector.shape_cast %get3A_160 : vector<1x16xf32> to vector<16xf32>
          %mul3A_162 = arith.mulf %get3A_161, %broadcast_in_dim3A_157 : vector<16xf32>
          %swap3A_163 = arith.index_cast %scan3A_77 : i32 to index
          %swap3A_164 = arith.constant 80 : index
          %swap3A_165 = tpu.vector_load %arg13[%swap3A_163, %swap3A_164] {strides = array<i32>} : memref<64x128xf32, #tpu.memory_space<vmem>>, vector<1x16xf32>,
          %swap3A_166 = vector.shape_cast %swap3A_165 : vector<1x16xf32> to vector<16xf32>
          %swap3A_167 = vector.shape_cast %mul3A_162 : vector<16xf32> to vector<1x16xf32>
          tpu.vector_store %arg13[%swap3A_163, %swap3A_164], %swap3A_167 {strides = array<i32>} : memref<64x128xf32, #tpu.memory_space<vmem>>, vector<1x16xf32>,
          %slice3A_168 = vector.extract_strided_slice %exp3A {offsets = [6], sizes = [1], strides = [1]} : vector<16xf32> to vector<1xf32>
          %squeeze3A_169 = vector.extract %slice3A_168[0] : f32 from vector<1xf32>
          %broadcast_in_dim3A_170 = vector.broadcast %squeeze3A_169 : f32 to vector<16xf32>
          %get3A_171 = arith.index_cast %scan3A_77 : i32 to index
          %get3A_172 = arith.constant 96 : index
          %get3A_173 = tpu.vector_load %arg13[%get3A_171, %get3A_172] {strides = array<i32>} : memref<64x128xf32, #tpu.memory_space<vmem>>, vector<1x16xf32>,
          %get3A_174 = vector.shape_cast %get3A_173 : vector<1x16xf32> to vector<16xf32>
          %mul3A_175 = arith.mulf %get3A_174, %broadcast_in_dim3A_170 : vector<16xf32>
          %swap3A_176 = arith.index_cast %scan3A_77 : i32 to index
          %swap3A_177 = arith.constant 96 : index
          %swap3A_178 = tpu.vector_load %arg13[%swap3A_176, %swap3A_177] {strides = array<i32>} : memref<64x128xf32, #tpu.memory_space<vmem>>, vector<1x16xf32>,
          %swap3A_179 = vector.shape_cast %swap3A_178 : vector<1x16xf32> to vector<16xf32>
          %swap3A_180 = vector.shape_cast %mul3A_175 : vector<16xf32> to vector<1x16xf32>
          tpu.vector_store %arg13[%swap3A_176, %swap3A_177], %swap3A_180 {strides = array<i32>} : memref<64x128xf32, #tpu.memory_space<vmem>>, vector<1x16xf32>,
          %slice3A_181 = vector.extract_strided_slice %exp3A {offsets = [7], sizes = [1], strides = [1]} : vector<16xf32> to vector<1xf32>
          %squeeze3A_182 = vector.extract %slice3A_181[0] : f32 from vector<1xf32>
          %broadcast_in_dim3A_183 = vector.broadcast %squeeze3A_182 : f32 to vector<16xf32>
          %get3A_184 = arith.index_cast %scan3A_77 : i32 to index
          %get3A_185 = arith.constant 112 : index
          %get3A_186 = tpu.vector_load %arg13[%get3A_184, %get3A_185] {strides = array<i32>} : memref<64x128xf32, #tpu.memory_space<vmem>>, vector<1x16xf32>,
          %get3A_187 = vector.shape_cast %get3A_186 : vector<1x16xf32> to vector<16xf32>
          %mul3A_188 = arith.mulf %get3A_187, %broadcast_in_dim3A_183 : vector<16xf32>
          %swap3A_189 = arith.index_cast %scan3A_77 : i32 to index
          %swap3A_190 = arith.constant 112 : index
          %swap3A_191 = tpu.vector_load %arg13[%swap3A_189, %swap3A_190] {strides = array<i32>} : memref<64x128xf32, #tpu.memory_space<vmem>>, vector<1x16xf32>,
          %swap3A_192 = vector.shape_cast %swap3A_191 : vector<1x16xf32> to vector<16xf32>
          %swap3A_193 = vector.shape_cast %mul3A_188 : vector<16xf32> to vector<1x16xf32>
          tpu.vector_store %arg13[%swap3A_189, %swap3A_190], %swap3A_193 {strides = array<i32>} : memref<64x128xf32, #tpu.memory_space<vmem>>, vector<1x16xf32>,
        }
        %scan3A_74 = arith.constant 64 : i32
        "tpu.region"() ({
          %run_scoped3A = tpu.sem_alloc : memref<!tpu.dma_semaphore, #tpu.memory_space<semaphore_mem>>
          %dma_start3A_77 = arith.constant 0 : i32
          %dma_start3A_78 = tpu.memref_slice %arg10[%scan3A_34, %dma_start3A_77] : memref<16x64xi32, #tpu.memory_space<vmem>> -> memref<1x64xi32, #tpu.memory_space<vmem>>
          %dma_start3A_79 = tpu.memref_squeeze %dma_start3A_78 : memref<1x64xi32, #tpu.memory_space<vmem>> -> memref<64xi32, #tpu.memory_space<vmem>>
          %dma_start3A_80 = arith.constant 0 : i32
          %dma_start3A_81 = arith.constant 0 : i32
          %dma_start3A_82 = tpu.memref_slice %arg15[%dma_start3A_80, %dma_start3A_81] : memref<10240x128xf32, #tpu.memory_space<vmem_shared>> -> memref<10240x128xf32, #tpu.memory_space<vmem_shared>>
          tpu.enqueue_indirect_dma source(%arg13 : memref<64x128xf32, #tpu.memory_space<vmem>>) target(%dma_start3A_82 : memref<10240x128xf32, #tpu.memory_space<vmem_shared>>) offsets(%dma_start3A_79 : memref<64xi32, #tpu.memory_space<vmem>>) semaphore(%run_scoped3A : memref<!tpu.dma_semaphore, #tpu.memory_space<semaphore_mem>>) {add = true}
          %dma_wait3A_83 = arith.constant 0 : i32
          %dma_wait3A_84 = tpu.memref_slice %arg10[%scan3A_34, %dma_wait3A_83] : memref<16x64xi32, #tpu.memory_space<vmem>> -> memref<1x64xi32, #tpu.memory_space<vmem>>
          %dma_wait3A_85 = tpu.memref_squeeze %dma_wait3A_84 : memref<1x64xi32, #tpu.memory_space<vmem>> -> memref<64xi32, #tpu.memory_space<vmem>>
          %dma_wait3A_86 = arith.constant 0 : i32
          %dma_wait3A_87 = arith.constant 0 : i32
          %dma_wait3A_88 = tpu.memref_slice %arg15[%dma_wait3A_86, %dma_wait3A_87] : memref<10240x128xf32, #tpu.memory_space<vmem_shared>> -> memref<10240x128xf32, #tpu.memory_space<vmem_shared>>
          tpu.wait_indirect_dma semaphore(%run_scoped3A : memref<!tpu.dma_semaphore, #tpu.memory_space<semaphore_mem>>) src(%arg13 : memref<64x128xf32, #tpu.memory_space<vmem>>) dst(%dma_wait3A_88 : memref<10240x128xf32, #tpu.memory_space<vmem_shared>>)
          tpu.yield
        }) : () -> ()
        %mul3A_75 = arith.constant 64 : i32
        %mul3A_76 = arith.muli %add3A_69, %mul3A_75 : i32
        "tpu.region"() ({
          %run_scoped3A = tpu.sem_alloc : memref<!tpu.dma_semaphore, #tpu.memory_space<semaphore_mem>>
          %dma_start3A_77 = arith.constant 0 : i32
          %dma_start3A_78 = tpu.memref_slice %arg8[%mul3A_76, %dma_start3A_77] : memref<327680x16xf32, #tpu.memory_space<hbm>> -> memref<64x16xf32, #tpu.memory_space<hbm>>
          %dma_start3A_79 = arith.constant 0 : i32
          %dma_start3A_80 = tpu.memref_slice %arg8[%mul3A_76, %dma_start3A_79] : memref<327680x16xf32, #tpu.memory_space<hbm>> -> memref<64x16xf32, #tpu.memory_space<hbm>>
          tpu.enqueue_dma source(%arg14 : memref<64x16xf32, #tpu.memory_space<vmem>>) target(%dma_start3A_80 : memref<64x16xf32, #tpu.memory_space<hbm>>) target_semaphore(%run_scoped3A : memref<!tpu.dma_semaphore, #tpu.memory_space<semaphore_mem>>)
          %dma_wait3A_81 = arith.constant 0 : i32
          %dma_wait3A_82 = tpu.memref_slice %arg8[%mul3A_76, %dma_wait3A_81] : memref<327680x16xf32, #tpu.memory_space<hbm>> -> memref<64x16xf32, #tpu.memory_space<hbm>>
          %dma_wait3A_83 = arith.constant 0 : i32
          %dma_wait3A_84 = tpu.memref_slice %arg8[%mul3A_76, %dma_wait3A_83] : memref<327680x16xf32, #tpu.memory_space<hbm>> -> memref<64x16xf32, #tpu.memory_space<hbm>>
          tpu.wait_dma2 semaphore(%run_scoped3A : memref<!tpu.dma_semaphore, #tpu.memory_space<semaphore_mem>>) src(%arg14 : memref<64x16xf32, #tpu.memory_space<vmem>>) dst(%dma_wait3A_84 : memref<64x16xf32, #tpu.memory_space<hbm>>)
          tpu.yield
        }) : () -> ()
      }
      %scan3A_33 = arith.constant 16 : i32
    }
    %scan3A_16 = arith.constant 10 : i32
    %barrier3A_17 = arith.constant 0 : index
    tpu.barrier barrier_id(%barrier3A_17)
    %scan3A_18 = arith.constant 0 : i32
    %scan3A_19 = arith.constant 10 : i32
    %scan3A_20 = arith.addi %scan3A_18, %scan3A_19 : i32
    %scan3A_21 = arith.constant 1 : i32
    scf.for %scan3A_23 = %scan3A_18 to %scan3A_20 step %scan3A_21  : i32 {
      %mul3A_24 = arith.constant 64 : i32
      %mul3A_25 = arith.muli %scan3A_23, %mul3A_24 : i32
      %add3A_26 = arith.addi %mul3A_2, %mul3A_25 : i32
      "tpu.region"() ({
        %run_scoped3A = tpu.sem_alloc : memref<!tpu.dma_semaphore, #tpu.memory_space<semaphore_mem>>
        %dma_start3A = arith.constant 0 : i32
        %dma_start3A_30 = tpu.memref_slice %arg15[%add3A_26, %dma_start3A] : memref<10240x128xf32, #tpu.memory_space<vmem_shared>> -> memref<64x128xf32, #tpu.memory_space<vmem_shared>>
        %dma_start3A_31 = arith.constant 0 : i32
        %dma_start3A_32 = tpu.memref_slice %arg15[%add3A_26, %dma_start3A_31] : memref<10240x128xf32, #tpu.memory_space<vmem_shared>> -> memref<64x128xf32, #tpu.memory_space<vmem_shared>>
        tpu.enqueue_dma source(%dma_start3A_32 : memref<64x128xf32, #tpu.memory_space<vmem_shared>>) target(%arg13 : memref<64x128xf32, #tpu.memory_space<vmem>>) target_semaphore(%run_scoped3A : memref<!tpu.dma_semaphore, #tpu.memory_space<semaphore_mem>>)
        %dma_wait3A = arith.constant 0 : i32
        %dma_wait3A_33 = tpu.memref_slice %arg15[%add3A_26, %dma_wait3A] : memref<10240x128xf32, #tpu.memory_space<vmem_shared>> -> memref<64x128xf32, #tpu.memory_space<vmem_shared>>
        %dma_wait3A_34 = arith.constant 0 : i32
        %dma_wait3A_35 = tpu.memref_slice %arg15[%add3A_26, %dma_wait3A_34] : memref<10240x128xf32, #tpu.memory_space<vmem_shared>> -> memref<64x128xf32, #tpu.memory_space<vmem_shared>>
        tpu.wait_dma2 semaphore(%run_scoped3A : memref<!tpu.dma_semaphore, #tpu.memory_space<semaphore_mem>>) src(%dma_wait3A_35 : memref<64x128xf32, #tpu.memory_space<vmem_shared>>) dst(%arg13 : memref<64x128xf32, #tpu.memory_space<vmem>>)
        tpu.yield
      }) : () -> ()
      %mul3A_27 = arith.constant 10240 : i32
      %mul3A_28 = arith.muli %arg0, %mul3A_27 : i32
      %add3A_29 = arith.addi %mul3A_28, %add3A_26 : i32
      "tpu.region"() ({
        %run_scoped3A = tpu.sem_alloc : memref<!tpu.dma_semaphore, #tpu.memory_space<semaphore_mem>>
        %dma_start3A = arith.constant 0 : i32
        %dma_start3A_30 = tpu.memref_slice %arg7[%add3A_29, %dma_start3A] : memref<20480x128xf32, #tpu.memory_space<hbm>> -> memref<64x128xf32, #tpu.memory_space<hbm>>
        %dma_start3A_31 = arith.constant 0 : i32
        %dma_start3A_32 = tpu.memref_slice %arg7[%add3A_29, %dma_start3A_31] : memref<20480x128xf32, #tpu.memory_space<hbm>> -> memref<64x128xf32, #tpu.memory_space<hbm>>
        tpu.enqueue_dma source(%arg13 : memref<64x128xf32, #tpu.memory_space<vmem>>) target(%dma_start3A_32 : memref<64x128xf32, #tpu.memory_space<hbm>>) target_semaphore(%run_scoped3A : memref<!tpu.dma_semaphore, #tpu.memory_space<semaphore_mem>>)
        %dma_wait3A = arith.constant 0 : i32
        %dma_wait3A_33 = tpu.memref_slice %arg7[%add3A_29, %dma_wait3A] : memref<20480x128xf32, #tpu.memory_space<hbm>> -> memref<64x128xf32, #tpu.memory_space<hbm>>
        %dma_wait3A_34 = arith.constant 0 : i32
        %dma_wait3A_35 = tpu.memref_slice %arg7[%add3A_29, %dma_wait3A_34] : memref<20480x128xf32, #tpu.memory_space<hbm>> -> memref<64x128xf32, #tpu.memory_space<hbm>>
        tpu.wait_dma2 semaphore(%run_scoped3A : memref<!tpu.dma_semaphore, #tpu.memory_space<semaphore_mem>>) src(%arg13 : memref<64x128xf32, #tpu.memory_space<vmem>>) dst(%dma_wait3A_35 : memref<64x128xf32, #tpu.memory_space<hbm>>)
        tpu.yield
      }) : () -> ()
    }
    %scan3A_22 = arith.constant 10 : i32
    return
  }
}

#map = affine_map<(d0, d1) -> (0, 0)>
module attributes {stable_mosaic.version = 14 : i64} {
  func.func @_sc1_body(%arg0: i32, %arg1: i32, %arg2: memref<10240x128xf32, #tpu.memory_space<hbm>>, %arg3: memref<10240x128xf32, #tpu.memory_space<hbm>>, %arg4: memref<10240x128xf32, #tpu.memory_space<hbm>>, %arg5: memref<5120x64xi32, #tpu.memory_space<hbm>>, %arg6: memref<5120x64xi32, #tpu.memory_space<hbm>>, %arg7: memref<20480x128xf32, #tpu.memory_space<hbm>>, %arg8: memref<327680x16xf32, #tpu.memory_space<hbm>>, %arg9: memref<16x64xi32, #tpu.memory_space<vmem>>, %arg10: memref<16x64xi32, #tpu.memory_space<vmem>>, %arg11: memref<64x128xf32, #tpu.memory_space<vmem>>, %arg12: memref<64x128xf32, #tpu.memory_space<vmem>>, %arg13: memref<64x128xf32, #tpu.memory_space<vmem>>, %arg14: memref<64x16xf32, #tpu.memory_space<vmem>>, %arg15: memref<10240x128xf32, #tpu.memory_space<vmem_shared>>, %arg16: memref<!tpu.dma_semaphore, #tpu.memory_space<semaphore_mem>>, %arg17: memref<!tpu.dma_semaphore, #tpu.memory_space<semaphore_mem>>, %arg18: memref<!tpu.dma_semaphore, #tpu.memory_space<semaphore_mem>>) attributes {dimension_semantics = [#tpu.dimension_semantics<core_parallel>, #tpu.dimension_semantics<subcore_parallel>], iteration_bounds = array<i64: 2, 16>, scalar_prefetch = 0 : i64, scratch_operands = 10 : i64, tpu.core_type = #tpu.core_type<sc_vector_subcore>, window_params = [{transform_indices = #map}, {transform_indices = #map}, {transform_indices = #map}, {transform_indices = #map}, {transform_indices = #map}, {transform_indices = #map}, {transform_indices = #map}]} {
    %mul3A = arith.constant 2 : i32
    %mul3A_0 = arith.muli %arg1, %mul3A : i32
    %add3A = arith.addi %mul3A_0, %arg0 : i32
    %mul3A_1 = arith.constant 640 : i32
    %mul3A_2 = arith.muli %arg1, %mul3A_1 : i32
    %scan3A = arith.constant 0 : i32
    %scan3A_3 = arith.constant 64 : i32
    %scan3A_4 = arith.addi %scan3A, %scan3A_3 : i32
    %scan3A_5 = arith.constant 1 : i32
    scf.for %scan3A_23 = %scan3A to %scan3A_4 step %scan3A_5  : i32 {
      %broadcast_in_dim3A = arith.constant 0.000000e+00 : f32
      %broadcast_in_dim3A_24 = vector.broadcast %broadcast_in_dim3A : f32 to vector<16xf32>
      %swap3A = arith.index_cast %scan3A_23 : i32 to index
      %swap3A_25 = arith.constant 0 : index
      %swap3A_26 = tpu.vector_load %arg13[%swap3A, %swap3A_25] {strides = array<i32>} : memref<64x128xf32, #tpu.memory_space<vmem>>, vector<1x16xf32>,
      %swap3A_27 = vector.shape_cast %swap3A_26 : vector<1x16xf32> to vector<16xf32>
      %swap3A_28 = vector.shape_cast %broadcast_in_dim3A_24 : vector<16xf32> to vector<1x16xf32>
      tpu.vector_store %arg13[%swap3A, %swap3A_25], %swap3A_28 {strides = array<i32>} : memref<64x128xf32, #tpu.memory_space<vmem>>, vector<1x16xf32>,
      %broadcast_in_dim3A_29 = arith.constant 0.000000e+00 : f32
      %broadcast_in_dim3A_30 = vector.broadcast %broadcast_in_dim3A_29 : f32 to vector<16xf32>
      %swap3A_31 = arith.index_cast %scan3A_23 : i32 to index
      %swap3A_32 = arith.constant 16 : index
      %swap3A_33 = tpu.vector_load %arg13[%swap3A_31, %swap3A_32] {strides = array<i32>} : memref<64x128xf32, #tpu.memory_space<vmem>>, vector<1x16xf32>,
      %swap3A_34 = vector.shape_cast %swap3A_33 : vector<1x16xf32> to vector<16xf32>
      %swap3A_35 = vector.shape_cast %broadcast_in_dim3A_30 : vector<16xf32> to vector<1x16xf32>
      tpu.vector_store %arg13[%swap3A_31, %swap3A_32], %swap3A_35 {strides = array<i32>} : memref<64x128xf32, #tpu.memory_space<vmem>>, vector<1x16xf32>,
      %broadcast_in_dim3A_36 = arith.constant 0.000000e+00 : f32
      %broadcast_in_dim3A_37 = vector.broadcast %broadcast_in_dim3A_36 : f32 to vector<16xf32>
      %swap3A_38 = arith.index_cast %scan3A_23 : i32 to index
      %swap3A_39 = arith.constant 32 : index
      %swap3A_40 = tpu.vector_load %arg13[%swap3A_38, %swap3A_39] {strides = array<i32>} : memref<64x128xf32, #tpu.memory_space<vmem>>, vector<1x16xf32>,
      %swap3A_41 = vector.shape_cast %swap3A_40 : vector<1x16xf32> to vector<16xf32>
      %swap3A_42 = vector.shape_cast %broadcast_in_dim3A_37 : vector<16xf32> to vector<1x16xf32>
      tpu.vector_store %arg13[%swap3A_38, %swap3A_39], %swap3A_42 {strides = array<i32>} : memref<64x128xf32, #tpu.memory_space<vmem>>, vector<1x16xf32>,
      %broadcast_in_dim3A_43 = arith.constant 0.000000e+00 : f32
      %broadcast_in_dim3A_44 = vector.broadcast %broadcast_in_dim3A_43 : f32 to vector<16xf32>
      %swap3A_45 = arith.index_cast %scan3A_23 : i32 to index
      %swap3A_46 = arith.constant 48 : index
      %swap3A_47 = tpu.vector_load %arg13[%swap3A_45, %swap3A_46] {strides = array<i32>} : memref<64x128xf32, #tpu.memory_space<vmem>>, vector<1x16xf32>,
      %swap3A_48 = vector.shape_cast %swap3A_47 : vector<1x16xf32> to vector<16xf32>
      %swap3A_49 = vector.shape_cast %broadcast_in_dim3A_44 : vector<16xf32> to vector<1x16xf32>
      tpu.vector_store %arg13[%swap3A_45, %swap3A_46], %swap3A_49 {strides = array<i32>} : memref<64x128xf32, #tpu.memory_space<vmem>>, vector<1x16xf32>,
      %broadcast_in_dim3A_50 = arith.constant 0.000000e+00 : f32
      %broadcast_in_dim3A_51 = vector.broadcast %broadcast_in_dim3A_50 : f32 to vector<16xf32>
      %swap3A_52 = arith.index_cast %scan3A_23 : i32 to index
      %swap3A_53 = arith.constant 64 : index
      %swap3A_54 = tpu.vector_load %arg13[%swap3A_52, %swap3A_53] {strides = array<i32>} : memref<64x128xf32, #tpu.memory_space<vmem>>, vector<1x16xf32>,
      %swap3A_55 = vector.shape_cast %swap3A_54 : vector<1x16xf32> to vector<16xf32>
      %swap3A_56 = vector.shape_cast %broadcast_in_dim3A_51 : vector<16xf32> to vector<1x16xf32>
      tpu.vector_store %arg13[%swap3A_52, %swap3A_53], %swap3A_56 {strides = array<i32>} : memref<64x128xf32, #tpu.memory_space<vmem>>, vector<1x16xf32>,
      %broadcast_in_dim3A_57 = arith.constant 0.000000e+00 : f32
      %broadcast_in_dim3A_58 = vector.broadcast %broadcast_in_dim3A_57 : f32 to vector<16xf32>
      %swap3A_59 = arith.index_cast %scan3A_23 : i32 to index
      %swap3A_60 = arith.constant 80 : index
      %swap3A_61 = tpu.vector_load %arg13[%swap3A_59, %swap3A_60] {strides = array<i32>} : memref<64x128xf32, #tpu.memory_space<vmem>>, vector<1x16xf32>,
      %swap3A_62 = vector.shape_cast %swap3A_61 : vector<1x16xf32> to vector<16xf32>
      %swap3A_63 = vector.shape_cast %broadcast_in_dim3A_58 : vector<16xf32> to vector<1x16xf32>
      tpu.vector_store %arg13[%swap3A_59, %swap3A_60], %swap3A_63 {strides = array<i32>} : memref<64x128xf32, #tpu.memory_space<vmem>>, vector<1x16xf32>,
      %broadcast_in_dim3A_64 = arith.constant 0.000000e+00 : f32
      %broadcast_in_dim3A_65 = vector.broadcast %broadcast_in_dim3A_64 : f32 to vector<16xf32>
      %swap3A_66 = arith.index_cast %scan3A_23 : i32 to index
      %swap3A_67 = arith.constant 96 : index
      %swap3A_68 = tpu.vector_load %arg13[%swap3A_66, %swap3A_67] {strides = array<i32>} : memref<64x128xf32, #tpu.memory_space<vmem>>, vector<1x16xf32>,
      %swap3A_69 = vector.shape_cast %swap3A_68 : vector<1x16xf32> to vector<16xf32>
      %swap3A_70 = vector.shape_cast %broadcast_in_dim3A_65 : vector<16xf32> to vector<1x16xf32>
      tpu.vector_store %arg13[%swap3A_66, %swap3A_67], %swap3A_70 {strides = array<i32>} : memref<64x128xf32, #tpu.memory_space<vmem>>, vector<1x16xf32>,
      %broadcast_in_dim3A_71 = arith.constant 0.000000e+00 : f32
      %broadcast_in_dim3A_72 = vector.broadcast %broadcast_in_dim3A_71 : f32 to vector<16xf32>
      %swap3A_73 = arith.index_cast %scan3A_23 : i32 to index
      %swap3A_74 = arith.constant 112 : index
      %swap3A_75 = tpu.vector_load %arg13[%swap3A_73, %swap3A_74] {strides = array<i32>} : memref<64x128xf32, #tpu.memory_space<vmem>>, vector<1x16xf32>,
      %swap3A_76 = vector.shape_cast %swap3A_75 : vector<1x16xf32> to vector<16xf32>
      %swap3A_77 = vector.shape_cast %broadcast_in_dim3A_72 : vector<16xf32> to vector<1x16xf32>
      tpu.vector_store %arg13[%swap3A_73, %swap3A_74], %swap3A_77 {strides = array<i32>} : memref<64x128xf32, #tpu.memory_space<vmem>>, vector<1x16xf32>,
    }
    %scan3A_6 = arith.constant 64 : i32
    %scan3A_7 = arith.constant 0 : i32
    %scan3A_8 = arith.constant 10 : i32
    %scan3A_9 = arith.addi %scan3A_7, %scan3A_8 : i32
    %scan3A_10 = arith.constant 1 : i32
    scf.for %scan3A_23 = %scan3A_7 to %scan3A_9 step %scan3A_10  : i32 {
      %mul3A_24 = arith.constant 64 : i32
      %mul3A_25 = arith.muli %scan3A_23, %mul3A_24 : i32
      %add3A_26 = arith.addi %mul3A_2, %mul3A_25 : i32
      "tpu.region"() ({
        %run_scoped3A = tpu.sem_alloc : memref<!tpu.dma_semaphore, #tpu.memory_space<semaphore_mem>>
        %dma_start3A = arith.constant 0 : i32
        %dma_start3A_27 = tpu.memref_slice %arg15[%add3A_26, %dma_start3A] : memref<10240x128xf32, #tpu.memory_space<vmem_shared>> -> memref<64x128xf32, #tpu.memory_space<vmem_shared>>
        %dma_start3A_28 = arith.constant 0 : i32
        %dma_start3A_29 = tpu.memref_slice %arg15[%add3A_26, %dma_start3A_28] : memref<10240x128xf32, #tpu.memory_space<vmem_shared>> -> memref<64x128xf32, #tpu.memory_space<vmem_shared>>
        tpu.enqueue_dma source(%arg13 : memref<64x128xf32, #tpu.memory_space<vmem>>) target(%dma_start3A_29 : memref<64x128xf32, #tpu.memory_space<vmem_shared>>) target_semaphore(%run_scoped3A : memref<!tpu.dma_semaphore, #tpu.memory_space<semaphore_mem>>)
        %dma_wait3A = arith.constant 0 : i32
        %dma_wait3A_30 = tpu.memref_slice %arg15[%add3A_26, %dma_wait3A] : memref<10240x128xf32, #tpu.memory_space<vmem_shared>> -> memref<64x128xf32, #tpu.memory_space<vmem_shared>>
        %dma_wait3A_31 = arith.constant 0 : i32
        %dma_wait3A_32 = tpu.memref_slice %arg15[%add3A_26, %dma_wait3A_31] : memref<10240x128xf32, #tpu.memory_space<vmem_shared>> -> memref<64x128xf32, #tpu.memory_space<vmem_shared>>
        tpu.wait_dma2 semaphore(%run_scoped3A : memref<!tpu.dma_semaphore, #tpu.memory_space<semaphore_mem>>) src(%arg13 : memref<64x128xf32, #tpu.memory_space<vmem>>) dst(%dma_wait3A_32 : memref<64x128xf32, #tpu.memory_space<vmem_shared>>)
        tpu.yield
      }) : () -> ()
    }
    %scan3A_11 = arith.constant 10 : i32
    %barrier3A = arith.constant 0 : index
    tpu.barrier barrier_id(%barrier3A)
    %scan3A_12 = arith.constant 0 : i32
    %scan3A_13 = arith.constant 10 : i32
    %scan3A_14 = arith.addi %scan3A_12, %scan3A_13 : i32
    %scan3A_15 = arith.constant 1 : i32
    scf.for %scan3A_23 = %scan3A_12 to %scan3A_14 step %scan3A_15  : i32 {
      %mul3A_24 = arith.constant 160 : i32
      %mul3A_25 = arith.muli %add3A, %mul3A_24 : i32
      %mul3A_26 = arith.constant 16 : i32
      %mul3A_27 = arith.muli %scan3A_23, %mul3A_26 : i32
      %add3A_28 = arith.addi %mul3A_25, %mul3A_27 : i32
      "tpu.region"() ({
        %run_scoped3A = tpu.sem_alloc : memref<!tpu.dma_semaphore, #tpu.memory_space<semaphore_mem>>
        %dma_start3A = arith.constant 0 : i32
        %dma_start3A_34 = tpu.memref_slice %arg5[%add3A_28, %dma_start3A] : memref<5120x64xi32, #tpu.memory_space<hbm>> -> memref<16x64xi32, #tpu.memory_space<hbm>>
        %dma_start3A_35 = arith.constant 0 : i32
        %dma_start3A_36 = tpu.memref_slice %arg5[%add3A_28, %dma_start3A_35] : memref<5120x64xi32, #tpu.memory_space<hbm>> -> memref<16x64xi32, #tpu.memory_space<hbm>>
        tpu.enqueue_dma source(%dma_start3A_36 : memref<16x64xi32, #tpu.memory_space<hbm>>) target(%arg9 : memref<16x64xi32, #tpu.memory_space<vmem>>) target_semaphore(%run_scoped3A : memref<!tpu.dma_semaphore, #tpu.memory_space<semaphore_mem>>)
        %dma_wait3A = arith.constant 0 : i32
        %dma_wait3A_37 = tpu.memref_slice %arg5[%add3A_28, %dma_wait3A] : memref<5120x64xi32, #tpu.memory_space<hbm>> -> memref<16x64xi32, #tpu.memory_space<hbm>>
        %dma_wait3A_38 = arith.constant 0 : i32
        %dma_wait3A_39 = tpu.memref_slice %arg5[%add3A_28, %dma_wait3A_38] : memref<5120x64xi32, #tpu.memory_space<hbm>> -> memref<16x64xi32, #tpu.memory_space<hbm>>
        tpu.wait_dma2 semaphore(%run_scoped3A : memref<!tpu.dma_semaphore, #tpu.memory_space<semaphore_mem>>) src(%dma_wait3A_39 : memref<16x64xi32, #tpu.memory_space<hbm>>) dst(%arg9 : memref<16x64xi32, #tpu.memory_space<vmem>>)
        tpu.yield
      }) : () -> ()
      "tpu.region"() ({
        %run_scoped3A = tpu.sem_alloc : memref<!tpu.dma_semaphore, #tpu.memory_space<semaphore_mem>>
        %dma_start3A = arith.constant 0 : i32
        %dma_start3A_34 = tpu.memref_slice %arg6[%add3A_28, %dma_start3A] : memref<5120x64xi32, #tpu.memory_space<hbm>> -> memref<16x64xi32, #tpu.memory_space<hbm>>
        %dma_start3A_35 = arith.constant 0 : i32
        %dma_start3A_36 = tpu.memref_slice %arg6[%add3A_28, %dma_start3A_35] : memref<5120x64xi32, #tpu.memory_space<hbm>> -> memref<16x64xi32, #tpu.memory_space<hbm>>
        tpu.enqueue_dma source(%dma_start3A_36 : memref<16x64xi32, #tpu.memory_space<hbm>>) target(%arg10 : memref<16x64xi32, #tpu.memory_space<vmem>>) target_semaphore(%run_scoped3A : memref<!tpu.dma_semaphore, #tpu.memory_space<semaphore_mem>>)
        %dma_wait3A = arith.constant 0 : i32
        %dma_wait3A_37 = tpu.memref_slice %arg6[%add3A_28, %dma_wait3A] : memref<5120x64xi32, #tpu.memory_space<hbm>> -> memref<16x64xi32, #tpu.memory_space<hbm>>
        %dma_wait3A_38 = arith.constant 0 : i32
        %dma_wait3A_39 = tpu.memref_slice %arg6[%add3A_28, %dma_wait3A_38] : memref<5120x64xi32, #tpu.memory_space<hbm>> -> memref<16x64xi32, #tpu.memory_space<hbm>>
        tpu.wait_dma2 semaphore(%run_scoped3A : memref<!tpu.dma_semaphore, #tpu.memory_space<semaphore_mem>>) src(%dma_wait3A_39 : memref<16x64xi32, #tpu.memory_space<hbm>>) dst(%arg10 : memref<16x64xi32, #tpu.memory_space<vmem>>)
        tpu.yield
      }) : () -> ()
      %scan3A_29 = arith.constant 0 : i32
      %scan3A_30 = arith.constant 16 : i32
      %scan3A_31 = arith.addi %scan3A_29, %scan3A_30 : i32
      %scan3A_32 = arith.constant 1 : i32
      scf.for %scan3A_34 = %scan3A_29 to %scan3A_31 step %scan3A_32  : i32 {
        %dma_start3A = arith.constant 0 : i32
        %dma_start3A_35 = tpu.memref_slice %arg9[%scan3A_34, %dma_start3A] : memref<16x64xi32, #tpu.memory_space<vmem>> -> memref<1x64xi32, #tpu.memory_space<vmem>>
        %dma_start3A_36 = tpu.memref_squeeze %dma_start3A_35 : memref<1x64xi32, #tpu.memory_space<vmem>> -> memref<64xi32, #tpu.memory_space<vmem>>
        %dma_start3A_37 = arith.constant 0 : i32
        %dma_start3A_38 = arith.constant 0 : i32
        %dma_start3A_39 = tpu.memref_slice %arg3[%dma_start3A_37, %dma_start3A_38] : memref<10240x128xf32, #tpu.memory_space<hbm>> -> memref<10240x128xf32, #tpu.memory_space<hbm>>
        tpu.enqueue_indirect_dma source(%dma_start3A_39 : memref<10240x128xf32, #tpu.memory_space<hbm>>) target(%arg11 : memref<64x128xf32, #tpu.memory_space<vmem>>) offsets(%dma_start3A_36 : memref<64xi32, #tpu.memory_space<vmem>>) semaphore(%arg16 : memref<!tpu.dma_semaphore, #tpu.memory_space<semaphore_mem>>)
        %dma_start3A_40 = arith.constant 0 : i32
        %dma_start3A_41 = tpu.memref_slice %arg10[%scan3A_34, %dma_start3A_40] : memref<16x64xi32, #tpu.memory_space<vmem>> -> memref<1x64xi32, #tpu.memory_space<vmem>>
        %dma_start3A_42 = tpu.memref_squeeze %dma_start3A_41 : memref<1x64xi32, #tpu.memory_space<vmem>> -> memref<64xi32, #tpu.memory_space<vmem>>
        %dma_start3A_43 = arith.constant 0 : i32
        %dma_start3A_44 = arith.constant 0 : i32
        %dma_start3A_45 = tpu.memref_slice %arg4[%dma_start3A_43, %dma_start3A_44] : memref<10240x128xf32, #tpu.memory_space<hbm>> -> memref<10240x128xf32, #tpu.memory_space<hbm>>
        tpu.enqueue_indirect_dma source(%dma_start3A_45 : memref<10240x128xf32, #tpu.memory_space<hbm>>) target(%arg12 : memref<64x128xf32, #tpu.memory_space<vmem>>) offsets(%dma_start3A_42 : memref<64xi32, #tpu.memory_space<vmem>>) semaphore(%arg17 : memref<!tpu.dma_semaphore, #tpu.memory_space<semaphore_mem>>)
        %dma_start3A_46 = arith.constant 0 : i32
        %dma_start3A_47 = tpu.memref_slice %arg9[%scan3A_34, %dma_start3A_46] : memref<16x64xi32, #tpu.memory_space<vmem>> -> memref<1x64xi32, #tpu.memory_space<vmem>>
        %dma_start3A_48 = tpu.memref_squeeze %dma_start3A_47 : memref<1x64xi32, #tpu.memory_space<vmem>> -> memref<64xi32, #tpu.memory_space<vmem>>
        %dma_start3A_49 = arith.constant 0 : i32
        %dma_start3A_50 = arith.constant 0 : i32
        %dma_start3A_51 = tpu.memref_slice %arg2[%dma_start3A_49, %dma_start3A_50] : memref<10240x128xf32, #tpu.memory_space<hbm>> -> memref<10240x128xf32, #tpu.memory_space<hbm>>
        tpu.enqueue_indirect_dma source(%dma_start3A_51 : memref<10240x128xf32, #tpu.memory_space<hbm>>) target(%arg13 : memref<64x128xf32, #tpu.memory_space<vmem>>) offsets(%dma_start3A_48 : memref<64xi32, #tpu.memory_space<vmem>>) semaphore(%arg18 : memref<!tpu.dma_semaphore, #tpu.memory_space<semaphore_mem>>)
        %dma_wait3A = arith.constant 0 : i32
        %dma_wait3A_52 = tpu.memref_slice %arg9[%scan3A_34, %dma_wait3A] : memref<16x64xi32, #tpu.memory_space<vmem>> -> memref<1x64xi32, #tpu.memory_space<vmem>>
        %dma_wait3A_53 = tpu.memref_squeeze %dma_wait3A_52 : memref<1x64xi32, #tpu.memory_space<vmem>> -> memref<64xi32, #tpu.memory_space<vmem>>
        %dma_wait3A_54 = arith.constant 0 : i32
        %dma_wait3A_55 = arith.constant 0 : i32
        %dma_wait3A_56 = tpu.memref_slice %arg3[%dma_wait3A_54, %dma_wait3A_55] : memref<10240x128xf32, #tpu.memory_space<hbm>> -> memref<10240x128xf32, #tpu.memory_space<hbm>>
        tpu.wait_indirect_dma semaphore(%arg16 : memref<!tpu.dma_semaphore, #tpu.memory_space<semaphore_mem>>) src(%dma_wait3A_56 : memref<10240x128xf32, #tpu.memory_space<hbm>>) dst(%arg11 : memref<64x128xf32, #tpu.memory_space<vmem>>)
        %dma_wait3A_57 = arith.constant 0 : i32
        %dma_wait3A_58 = tpu.memref_slice %arg10[%scan3A_34, %dma_wait3A_57] : memref<16x64xi32, #tpu.memory_space<vmem>> -> memref<1x64xi32, #tpu.memory_space<vmem>>
        %dma_wait3A_59 = tpu.memref_squeeze %dma_wait3A_58 : memref<1x64xi32, #tpu.memory_space<vmem>> -> memref<64xi32, #tpu.memory_space<vmem>>
        %dma_wait3A_60 = arith.constant 0 : i32
        %dma_wait3A_61 = arith.constant 0 : i32
        %dma_wait3A_62 = tpu.memref_slice %arg4[%dma_wait3A_60, %dma_wait3A_61] : memref<10240x128xf32, #tpu.memory_space<hbm>> -> memref<10240x128xf32, #tpu.memory_space<hbm>>
        tpu.wait_indirect_dma semaphore(%arg17 : memref<!tpu.dma_semaphore, #tpu.memory_space<semaphore_mem>>) src(%dma_wait3A_62 : memref<10240x128xf32, #tpu.memory_space<hbm>>) dst(%arg12 : memref<64x128xf32, #tpu.memory_space<vmem>>)
        %dma_wait3A_63 = arith.constant 0 : i32
        %dma_wait3A_64 = tpu.memref_slice %arg9[%scan3A_34, %dma_wait3A_63] : memref<16x64xi32, #tpu.memory_space<vmem>> -> memref<1x64xi32, #tpu.memory_space<vmem>>
        %dma_wait3A_65 = tpu.memref_squeeze %dma_wait3A_64 : memref<1x64xi32, #tpu.memory_space<vmem>> -> memref<64xi32, #tpu.memory_space<vmem>>
        %dma_wait3A_66 = arith.constant 0 : i32
        %dma_wait3A_67 = arith.constant 0 : i32
        %dma_wait3A_68 = tpu.memref_slice %arg2[%dma_wait3A_66, %dma_wait3A_67] : memref<10240x128xf32, #tpu.memory_space<hbm>> -> memref<10240x128xf32, #tpu.memory_space<hbm>>
        tpu.wait_indirect_dma semaphore(%arg18 : memref<!tpu.dma_semaphore, #tpu.memory_space<semaphore_mem>>) src(%dma_wait3A_68 : memref<10240x128xf32, #tpu.memory_space<hbm>>) dst(%arg13 : memref<64x128xf32, #tpu.memory_space<vmem>>)
        %add3A_69 = arith.addi %add3A_28, %scan3A_34 : i32
        %scan3A_70 = arith.constant 0 : i32
        %scan3A_71 = arith.constant 64 : i32
        %scan3A_72 = arith.addi %scan3A_70, %scan3A_71 : i32
        %scan3A_73 = arith.constant 1 : i32
        scf.for %scan3A_77 = %scan3A_70 to %scan3A_72 step %scan3A_73  : i32 {
          %get3A = arith.index_cast %scan3A_77 : i32 to index
          %get3A_78 = arith.constant 0 : index
          %get3A_79 = tpu.vector_load %arg11[%get3A, %get3A_78] {strides = array<i32>} : memref<64x128xf32, #tpu.memory_space<vmem>>, vector<1x16xf32>,
          %get3A_80 = vector.shape_cast %get3A_79 : vector<1x16xf32> to vector<16xf32>
          %get3A_81 = arith.index_cast %scan3A_77 : i32 to index
          %get3A_82 = arith.constant 0 : index
          %get3A_83 = tpu.vector_load %arg12[%get3A_81, %get3A_82] {strides = array<i32>} : memref<64x128xf32, #tpu.memory_space<vmem>>, vector<1x16xf32>,
          %get3A_84 = vector.shape_cast %get3A_83 : vector<1x16xf32> to vector<16xf32>
          %add3A_85 = arith.addf %get3A_80, %get3A_84 : vector<16xf32>
          %mul3A_86 = arith.constant 2.000000e-01 : f32
          %mul3A_87 = vector.broadcast %mul3A_86 : f32 to vector<16xf32>
          %mul3A_88 = arith.mulf %mul3A_87, %add3A_85 : vector<16xf32>
          %max3A = arith.maximumf %add3A_85, %mul3A_88 : vector<16xf32>
          %exp3A = math.exp %max3A : vector<16xf32>
          %swap3A = arith.index_cast %scan3A_77 : i32 to index
          %swap3A_89 = arith.constant 0 : index
          %swap3A_90 = tpu.vector_load %arg14[%swap3A, %swap3A_89] {strides = array<i32>} : memref<64x16xf32, #tpu.memory_space<vmem>>, vector<1x16xf32>,
          %swap3A_91 = vector.shape_cast %swap3A_90 : vector<1x16xf32> to vector<16xf32>
          %swap3A_92 = vector.shape_cast %exp3A : vector<16xf32> to vector<1x16xf32>
          tpu.vector_store %arg14[%swap3A, %swap3A_89], %swap3A_92 {strides = array<i32>} : memref<64x16xf32, #tpu.memory_space<vmem>>, vector<1x16xf32>,
          %slice3A = vector.extract_strided_slice %exp3A {offsets = [0], sizes = [1], strides = [1]} : vector<16xf32> to vector<1xf32>
          %squeeze3A = vector.extract %slice3A[0] : f32 from vector<1xf32>
          %broadcast_in_dim3A = vector.broadcast %squeeze3A : f32 to vector<16xf32>
          %get3A_93 = arith.index_cast %scan3A_77 : i32 to index
          %get3A_94 = arith.constant 0 : index
          %get3A_95 = tpu.vector_load %arg13[%get3A_93, %get3A_94] {strides = array<i32>} : memref<64x128xf32, #tpu.memory_space<vmem>>, vector<1x16xf32>,
          %get3A_96 = vector.shape_cast %get3A_95 : vector<1x16xf32> to vector<16xf32>
          %mul3A_97 = arith.mulf %get3A_96, %broadcast_in_dim3A : vector<16xf32>
          %swap3A_98 = arith.index_cast %scan3A_77 : i32 to index
          %swap3A_99 = arith.constant 0 : index
          %swap3A_100 = tpu.vector_load %arg13[%swap3A_98, %swap3A_99] {strides = array<i32>} : memref<64x128xf32, #tpu.memory_space<vmem>>, vector<1x16xf32>,
          %swap3A_101 = vector.shape_cast %swap3A_100 : vector<1x16xf32> to vector<16xf32>
          %swap3A_102 = vector.shape_cast %mul3A_97 : vector<16xf32> to vector<1x16xf32>
          tpu.vector_store %arg13[%swap3A_98, %swap3A_99], %swap3A_102 {strides = array<i32>} : memref<64x128xf32, #tpu.memory_space<vmem>>, vector<1x16xf32>,
          %slice3A_103 = vector.extract_strided_slice %exp3A {offsets = [1], sizes = [1], strides = [1]} : vector<16xf32> to vector<1xf32>
          %squeeze3A_104 = vector.extract %slice3A_103[0] : f32 from vector<1xf32>
          %broadcast_in_dim3A_105 = vector.broadcast %squeeze3A_104 : f32 to vector<16xf32>
          %get3A_106 = arith.index_cast %scan3A_77 : i32 to index
          %get3A_107 = arith.constant 16 : index
          %get3A_108 = tpu.vector_load %arg13[%get3A_106, %get3A_107] {strides = array<i32>} : memref<64x128xf32, #tpu.memory_space<vmem>>, vector<1x16xf32>,
          %get3A_109 = vector.shape_cast %get3A_108 : vector<1x16xf32> to vector<16xf32>
          %mul3A_110 = arith.mulf %get3A_109, %broadcast_in_dim3A_105 : vector<16xf32>
          %swap3A_111 = arith.index_cast %scan3A_77 : i32 to index
          %swap3A_112 = arith.constant 16 : index
          %swap3A_113 = tpu.vector_load %arg13[%swap3A_111, %swap3A_112] {strides = array<i32>} : memref<64x128xf32, #tpu.memory_space<vmem>>, vector<1x16xf32>,
          %swap3A_114 = vector.shape_cast %swap3A_113 : vector<1x16xf32> to vector<16xf32>
          %swap3A_115 = vector.shape_cast %mul3A_110 : vector<16xf32> to vector<1x16xf32>
          tpu.vector_store %arg13[%swap3A_111, %swap3A_112], %swap3A_115 {strides = array<i32>} : memref<64x128xf32, #tpu.memory_space<vmem>>, vector<1x16xf32>,
          %slice3A_116 = vector.extract_strided_slice %exp3A {offsets = [2], sizes = [1], strides = [1]} : vector<16xf32> to vector<1xf32>
          %squeeze3A_117 = vector.extract %slice3A_116[0] : f32 from vector<1xf32>
          %broadcast_in_dim3A_118 = vector.broadcast %squeeze3A_117 : f32 to vector<16xf32>
          %get3A_119 = arith.index_cast %scan3A_77 : i32 to index
          %get3A_120 = arith.constant 32 : index
          %get3A_121 = tpu.vector_load %arg13[%get3A_119, %get3A_120] {strides = array<i32>} : memref<64x128xf32, #tpu.memory_space<vmem>>, vector<1x16xf32>,
          %get3A_122 = vector.shape_cast %get3A_121 : vector<1x16xf32> to vector<16xf32>
          %mul3A_123 = arith.mulf %get3A_122, %broadcast_in_dim3A_118 : vector<16xf32>
          %swap3A_124 = arith.index_cast %scan3A_77 : i32 to index
          %swap3A_125 = arith.constant 32 : index
          %swap3A_126 = tpu.vector_load %arg13[%swap3A_124, %swap3A_125] {strides = array<i32>} : memref<64x128xf32, #tpu.memory_space<vmem>>, vector<1x16xf32>,
          %swap3A_127 = vector.shape_cast %swap3A_126 : vector<1x16xf32> to vector<16xf32>
          %swap3A_128 = vector.shape_cast %mul3A_123 : vector<16xf32> to vector<1x16xf32>
          tpu.vector_store %arg13[%swap3A_124, %swap3A_125], %swap3A_128 {strides = array<i32>} : memref<64x128xf32, #tpu.memory_space<vmem>>, vector<1x16xf32>,
          %slice3A_129 = vector.extract_strided_slice %exp3A {offsets = [3], sizes = [1], strides = [1]} : vector<16xf32> to vector<1xf32>
          %squeeze3A_130 = vector.extract %slice3A_129[0] : f32 from vector<1xf32>
          %broadcast_in_dim3A_131 = vector.broadcast %squeeze3A_130 : f32 to vector<16xf32>
          %get3A_132 = arith.index_cast %scan3A_77 : i32 to index
          %get3A_133 = arith.constant 48 : index
          %get3A_134 = tpu.vector_load %arg13[%get3A_132, %get3A_133] {strides = array<i32>} : memref<64x128xf32, #tpu.memory_space<vmem>>, vector<1x16xf32>,
          %get3A_135 = vector.shape_cast %get3A_134 : vector<1x16xf32> to vector<16xf32>
          %mul3A_136 = arith.mulf %get3A_135, %broadcast_in_dim3A_131 : vector<16xf32>
          %swap3A_137 = arith.index_cast %scan3A_77 : i32 to index
          %swap3A_138 = arith.constant 48 : index
          %swap3A_139 = tpu.vector_load %arg13[%swap3A_137, %swap3A_138] {strides = array<i32>} : memref<64x128xf32, #tpu.memory_space<vmem>>, vector<1x16xf32>,
          %swap3A_140 = vector.shape_cast %swap3A_139 : vector<1x16xf32> to vector<16xf32>
          %swap3A_141 = vector.shape_cast %mul3A_136 : vector<16xf32> to vector<1x16xf32>
          tpu.vector_store %arg13[%swap3A_137, %swap3A_138], %swap3A_141 {strides = array<i32>} : memref<64x128xf32, #tpu.memory_space<vmem>>, vector<1x16xf32>,
          %slice3A_142 = vector.extract_strided_slice %exp3A {offsets = [4], sizes = [1], strides = [1]} : vector<16xf32> to vector<1xf32>
          %squeeze3A_143 = vector.extract %slice3A_142[0] : f32 from vector<1xf32>
          %broadcast_in_dim3A_144 = vector.broadcast %squeeze3A_143 : f32 to vector<16xf32>
          %get3A_145 = arith.index_cast %scan3A_77 : i32 to index
          %get3A_146 = arith.constant 64 : index
          %get3A_147 = tpu.vector_load %arg13[%get3A_145, %get3A_146] {strides = array<i32>} : memref<64x128xf32, #tpu.memory_space<vmem>>, vector<1x16xf32>,
          %get3A_148 = vector.shape_cast %get3A_147 : vector<1x16xf32> to vector<16xf32>
          %mul3A_149 = arith.mulf %get3A_148, %broadcast_in_dim3A_144 : vector<16xf32>
          %swap3A_150 = arith.index_cast %scan3A_77 : i32 to index
          %swap3A_151 = arith.constant 64 : index
          %swap3A_152 = tpu.vector_load %arg13[%swap3A_150, %swap3A_151] {strides = array<i32>} : memref<64x128xf32, #tpu.memory_space<vmem>>, vector<1x16xf32>,
          %swap3A_153 = vector.shape_cast %swap3A_152 : vector<1x16xf32> to vector<16xf32>
          %swap3A_154 = vector.shape_cast %mul3A_149 : vector<16xf32> to vector<1x16xf32>
          tpu.vector_store %arg13[%swap3A_150, %swap3A_151], %swap3A_154 {strides = array<i32>} : memref<64x128xf32, #tpu.memory_space<vmem>>, vector<1x16xf32>,
          %slice3A_155 = vector.extract_strided_slice %exp3A {offsets = [5], sizes = [1], strides = [1]} : vector<16xf32> to vector<1xf32>
          %squeeze3A_156 = vector.extract %slice3A_155[0] : f32 from vector<1xf32>
          %broadcast_in_dim3A_157 = vector.broadcast %squeeze3A_156 : f32 to vector<16xf32>
          %get3A_158 = arith.index_cast %scan3A_77 : i32 to index
          %get3A_159 = arith.constant 80 : index
          %get3A_160 = tpu.vector_load %arg13[%get3A_158, %get3A_159] {strides = array<i32>} : memref<64x128xf32, #tpu.memory_space<vmem>>, vector<1x16xf32>,
          %get3A_161 = vector.shape_cast %get3A_160 : vector<1x16xf32> to vector<16xf32>
          %mul3A_162 = arith.mulf %get3A_161, %broadcast_in_dim3A_157 : vector<16xf32>
          %swap3A_163 = arith.index_cast %scan3A_77 : i32 to index
          %swap3A_164 = arith.constant 80 : index
          %swap3A_165 = tpu.vector_load %arg13[%swap3A_163, %swap3A_164] {strides = array<i32>} : memref<64x128xf32, #tpu.memory_space<vmem>>, vector<1x16xf32>,
          %swap3A_166 = vector.shape_cast %swap3A_165 : vector<1x16xf32> to vector<16xf32>
          %swap3A_167 = vector.shape_cast %mul3A_162 : vector<16xf32> to vector<1x16xf32>
          tpu.vector_store %arg13[%swap3A_163, %swap3A_164], %swap3A_167 {strides = array<i32>} : memref<64x128xf32, #tpu.memory_space<vmem>>, vector<1x16xf32>,
          %slice3A_168 = vector.extract_strided_slice %exp3A {offsets = [6], sizes = [1], strides = [1]} : vector<16xf32> to vector<1xf32>
          %squeeze3A_169 = vector.extract %slice3A_168[0] : f32 from vector<1xf32>
          %broadcast_in_dim3A_170 = vector.broadcast %squeeze3A_169 : f32 to vector<16xf32>
          %get3A_171 = arith.index_cast %scan3A_77 : i32 to index
          %get3A_172 = arith.constant 96 : index
          %get3A_173 = tpu.vector_load %arg13[%get3A_171, %get3A_172] {strides = array<i32>} : memref<64x128xf32, #tpu.memory_space<vmem>>, vector<1x16xf32>,
          %get3A_174 = vector.shape_cast %get3A_173 : vector<1x16xf32> to vector<16xf32>
          %mul3A_175 = arith.mulf %get3A_174, %broadcast_in_dim3A_170 : vector<16xf32>
          %swap3A_176 = arith.index_cast %scan3A_77 : i32 to index
          %swap3A_177 = arith.constant 96 : index
          %swap3A_178 = tpu.vector_load %arg13[%swap3A_176, %swap3A_177] {strides = array<i32>} : memref<64x128xf32, #tpu.memory_space<vmem>>, vector<1x16xf32>,
          %swap3A_179 = vector.shape_cast %swap3A_178 : vector<1x16xf32> to vector<16xf32>
          %swap3A_180 = vector.shape_cast %mul3A_175 : vector<16xf32> to vector<1x16xf32>
          tpu.vector_store %arg13[%swap3A_176, %swap3A_177], %swap3A_180 {strides = array<i32>} : memref<64x128xf32, #tpu.memory_space<vmem>>, vector<1x16xf32>,
          %slice3A_181 = vector.extract_strided_slice %exp3A {offsets = [7], sizes = [1], strides = [1]} : vector<16xf32> to vector<1xf32>
          %squeeze3A_182 = vector.extract %slice3A_181[0] : f32 from vector<1xf32>
          %broadcast_in_dim3A_183 = vector.broadcast %squeeze3A_182 : f32 to vector<16xf32>
          %get3A_184 = arith.index_cast %scan3A_77 : i32 to index
          %get3A_185 = arith.constant 112 : index
          %get3A_186 = tpu.vector_load %arg13[%get3A_184, %get3A_185] {strides = array<i32>} : memref<64x128xf32, #tpu.memory_space<vmem>>, vector<1x16xf32>,
          %get3A_187 = vector.shape_cast %get3A_186 : vector<1x16xf32> to vector<16xf32>
          %mul3A_188 = arith.mulf %get3A_187, %broadcast_in_dim3A_183 : vector<16xf32>
          %swap3A_189 = arith.index_cast %scan3A_77 : i32 to index
          %swap3A_190 = arith.constant 112 : index
          %swap3A_191 = tpu.vector_load %arg13[%swap3A_189, %swap3A_190] {strides = array<i32>} : memref<64x128xf32, #tpu.memory_space<vmem>>, vector<1x16xf32>,
          %swap3A_192 = vector.shape_cast %swap3A_191 : vector<1x16xf32> to vector<16xf32>
          %swap3A_193 = vector.shape_cast %mul3A_188 : vector<16xf32> to vector<1x16xf32>
          tpu.vector_store %arg13[%swap3A_189, %swap3A_190], %swap3A_193 {strides = array<i32>} : memref<64x128xf32, #tpu.memory_space<vmem>>, vector<1x16xf32>,
        }
        %scan3A_74 = arith.constant 64 : i32
        "tpu.region"() ({
          %run_scoped3A = tpu.sem_alloc : memref<!tpu.dma_semaphore, #tpu.memory_space<semaphore_mem>>
          %dma_start3A_77 = arith.constant 0 : i32
          %dma_start3A_78 = tpu.memref_slice %arg10[%scan3A_34, %dma_start3A_77] : memref<16x64xi32, #tpu.memory_space<vmem>> -> memref<1x64xi32, #tpu.memory_space<vmem>>
          %dma_start3A_79 = tpu.memref_squeeze %dma_start3A_78 : memref<1x64xi32, #tpu.memory_space<vmem>> -> memref<64xi32, #tpu.memory_space<vmem>>
          %dma_start3A_80 = arith.constant 0 : i32
          %dma_start3A_81 = arith.constant 0 : i32
          %dma_start3A_82 = tpu.memref_slice %arg15[%dma_start3A_80, %dma_start3A_81] : memref<10240x128xf32, #tpu.memory_space<vmem_shared>> -> memref<10240x128xf32, #tpu.memory_space<vmem_shared>>
          tpu.enqueue_indirect_dma source(%arg13 : memref<64x128xf32, #tpu.memory_space<vmem>>) target(%dma_start3A_82 : memref<10240x128xf32, #tpu.memory_space<vmem_shared>>) offsets(%dma_start3A_79 : memref<64xi32, #tpu.memory_space<vmem>>) semaphore(%run_scoped3A : memref<!tpu.dma_semaphore, #tpu.memory_space<semaphore_mem>>) {add = true}
          %dma_wait3A_83 = arith.constant 0 : i32
          %dma_wait3A_84 = tpu.memref_slice %arg10[%scan3A_34, %dma_wait3A_83] : memref<16x64xi32, #tpu.memory_space<vmem>> -> memref<1x64xi32, #tpu.memory_space<vmem>>
          %dma_wait3A_85 = tpu.memref_squeeze %dma_wait3A_84 : memref<1x64xi32, #tpu.memory_space<vmem>> -> memref<64xi32, #tpu.memory_space<vmem>>
          %dma_wait3A_86 = arith.constant 0 : i32
          %dma_wait3A_87 = arith.constant 0 : i32
          %dma_wait3A_88 = tpu.memref_slice %arg15[%dma_wait3A_86, %dma_wait3A_87] : memref<10240x128xf32, #tpu.memory_space<vmem_shared>> -> memref<10240x128xf32, #tpu.memory_space<vmem_shared>>
          tpu.wait_indirect_dma semaphore(%run_scoped3A : memref<!tpu.dma_semaphore, #tpu.memory_space<semaphore_mem>>) src(%arg13 : memref<64x128xf32, #tpu.memory_space<vmem>>) dst(%dma_wait3A_88 : memref<10240x128xf32, #tpu.memory_space<vmem_shared>>)
          tpu.yield
        }) : () -> ()
        %mul3A_75 = arith.constant 64 : i32
        %mul3A_76 = arith.muli %add3A_69, %mul3A_75 : i32
        "tpu.region"() ({
          %run_scoped3A = tpu.sem_alloc : memref<!tpu.dma_semaphore, #tpu.memory_space<semaphore_mem>>
          %dma_start3A_77 = arith.constant 0 : i32
          %dma_start3A_78 = tpu.memref_slice %arg8[%mul3A_76, %dma_start3A_77] : memref<327680x16xf32, #tpu.memory_space<hbm>> -> memref<64x16xf32, #tpu.memory_space<hbm>>
          %dma_start3A_79 = arith.constant 0 : i32
          %dma_start3A_80 = tpu.memref_slice %arg8[%mul3A_76, %dma_start3A_79] : memref<327680x16xf32, #tpu.memory_space<hbm>> -> memref<64x16xf32, #tpu.memory_space<hbm>>
          tpu.enqueue_dma source(%arg14 : memref<64x16xf32, #tpu.memory_space<vmem>>) target(%dma_start3A_80 : memref<64x16xf32, #tpu.memory_space<hbm>>) target_semaphore(%run_scoped3A : memref<!tpu.dma_semaphore, #tpu.memory_space<semaphore_mem>>)
          %dma_wait3A_81 = arith.constant 0 : i32
          %dma_wait3A_82 = tpu.memref_slice %arg8[%mul3A_76, %dma_wait3A_81] : memref<327680x16xf32, #tpu.memory_space<hbm>> -> memref<64x16xf32, #tpu.memory_space<hbm>>
          %dma_wait3A_83 = arith.constant 0 : i32
          %dma_wait3A_84 = tpu.memref_slice %arg8[%mul3A_76, %dma_wait3A_83] : memref<327680x16xf32, #tpu.memory_space<hbm>> -> memref<64x16xf32, #tpu.memory_space<hbm>>
          tpu.wait_dma2 semaphore(%run_scoped3A : memref<!tpu.dma_semaphore, #tpu.memory_space<semaphore_mem>>) src(%arg14 : memref<64x16xf32, #tpu.memory_space<vmem>>) dst(%dma_wait3A_84 : memref<64x16xf32, #tpu.memory_space<hbm>>)
          tpu.yield
        }) : () -> ()
      }
      %scan3A_33 = arith.constant 16 : i32
    }
    %scan3A_16 = arith.constant 10 : i32
    %barrier3A_17 = arith.constant 0 : index
    tpu.barrier barrier_id(%barrier3A_17)
    %scan3A_18 = arith.constant 0 : i32
    %scan3A_19 = arith.constant 10 : i32
    %scan3A_20 = arith.addi %scan3A_18, %scan3A_19 : i32
    %scan3A_21 = arith.constant 1 : i32
    scf.for %scan3A_23 = %scan3A_18 to %scan3A_20 step %scan3A_21  : i32 {
      %mul3A_24 = arith.constant 64 : i32
      %mul3A_25 = arith.muli %scan3A_23, %mul3A_24 : i32
      %add3A_26 = arith.addi %mul3A_2, %mul3A_25 : i32
      "tpu.region"() ({
        %run_scoped3A = tpu.sem_alloc : memref<!tpu.dma_semaphore, #tpu.memory_space<semaphore_mem>>
        %dma_start3A = arith.constant 0 : i32
        %dma_start3A_30 = tpu.memref_slice %arg15[%add3A_26, %dma_start3A] : memref<10240x128xf32, #tpu.memory_space<vmem_shared>> -> memref<64x128xf32, #tpu.memory_space<vmem_shared>>
        %dma_start3A_31 = arith.constant 0 : i32
        %dma_start3A_32 = tpu.memref_slice %arg15[%add3A_26, %dma_start3A_31] : memref<10240x128xf32, #tpu.memory_space<vmem_shared>> -> memref<64x128xf32, #tpu.memory_space<vmem_shared>>
        tpu.enqueue_dma source(%dma_start3A_32 : memref<64x128xf32, #tpu.memory_space<vmem_shared>>) target(%arg13 : memref<64x128xf32, #tpu.memory_space<vmem>>) target_semaphore(%run_scoped3A : memref<!tpu.dma_semaphore, #tpu.memory_space<semaphore_mem>>)
        %dma_wait3A = arith.constant 0 : i32
        %dma_wait3A_33 = tpu.memref_slice %arg15[%add3A_26, %dma_wait3A] : memref<10240x128xf32, #tpu.memory_space<vmem_shared>> -> memref<64x128xf32, #tpu.memory_space<vmem_shared>>
        %dma_wait3A_34 = arith.constant 0 : i32
        %dma_wait3A_35 = tpu.memref_slice %arg15[%add3A_26, %dma_wait3A_34] : memref<10240x128xf32, #tpu.memory_space<vmem_shared>> -> memref<64x128xf32, #tpu.memory_space<vmem_shared>>
        tpu.wait_dma2 semaphore(%run_scoped3A : memref<!tpu.dma_semaphore, #tpu.memory_space<semaphore_mem>>) src(%dma_wait3A_35 : memref<64x128xf32, #tpu.memory_space<vmem_shared>>) dst(%arg13 : memref<64x128xf32, #tpu.memory_space<vmem>>)
        tpu.yield
      }) : () -> ()
      %mul3A_27 = arith.constant 10240 : i32
      %mul3A_28 = arith.muli %arg0, %mul3A_27 : i32
      %add3A_29 = arith.addi %mul3A_28, %add3A_26 : i32
      "tpu.region"() ({
        %run_scoped3A = tpu.sem_alloc : memref<!tpu.dma_semaphore, #tpu.memory_space<semaphore_mem>>
        %dma_start3A = arith.constant 0 : i32
        %dma_start3A_30 = tpu.memref_slice %arg7[%add3A_29, %dma_start3A] : memref<20480x128xf32, #tpu.memory_space<hbm>> -> memref<64x128xf32, #tpu.memory_space<hbm>>
        %dma_start3A_31 = arith.constant 0 : i32
        %dma_start3A_32 = tpu.memref_slice %arg7[%add3A_29, %dma_start3A_31] : memref<20480x128xf32, #tpu.memory_space<hbm>> -> memref<64x128xf32, #tpu.memory_space<hbm>>
        tpu.enqueue_dma source(%arg13 : memref<64x128xf32, #tpu.memory_space<vmem>>) target(%dma_start3A_32 : memref<64x128xf32, #tpu.memory_space<hbm>>) target_semaphore(%run_scoped3A : memref<!tpu.dma_semaphore, #tpu.memory_space<semaphore_mem>>)
        %dma_wait3A = arith.constant 0 : i32
        %dma_wait3A_33 = tpu.memref_slice %arg7[%add3A_29, %dma_wait3A] : memref<20480x128xf32, #tpu.memory_space<hbm>> -> memref<64x128xf32, #tpu.memory_space<hbm>>
        %dma_wait3A_34 = arith.constant 0 : i32
        %dma_wait3A_35 = tpu.memref_slice %arg7[%add3A_29, %dma_wait3A_34] : memref<20480x128xf32, #tpu.memory_space<hbm>> -> memref<64x128xf32, #tpu.memory_space<hbm>>
        tpu.wait_dma2 semaphore(%run_scoped3A : memref<!tpu.dma_semaphore, #tpu.memory_space<semaphore_mem>>) src(%arg13 : memref<64x128xf32, #tpu.memory_space<vmem>>) dst(%dma_wait3A_35 : memref<64x128xf32, #tpu.memory_space<hbm>>)
        tpu.yield
      }) : () -> ()
    }
    %scan3A_22 = arith.constant 10 : i32
    return
  }
}

#map = affine_map<(d0, d1) -> (0, 0)>
module attributes {stable_mosaic.version = 14 : i64} {
  func.func @_sc2_body(%arg0: i32, %arg1: i32, %arg2: memref<327680x16xf32, #tpu.memory_space<hbm>>, %arg3: memref<2560x128xi32, #tpu.memory_space<hbm>>, %arg4: memref<20480x128xf32, #tpu.memory_space<hbm>>, %arg5: memref<16x128xi32, #tpu.memory_space<vmem>>, %arg6: memref<128x16xf32, #tpu.memory_space<vmem>>, %arg7: memref<128x128xf32, #tpu.memory_space<vmem>>, %arg8: memref<10240x128xf32, #tpu.memory_space<vmem_shared>>) attributes {dimension_semantics = [#tpu.dimension_semantics<core_parallel>, #tpu.dimension_semantics<subcore_parallel>], iteration_bounds = array<i64: 2, 16>, scalar_prefetch = 0 : i64, scratch_operands = 4 : i64, tpu.core_type = #tpu.core_type<sc_vector_subcore>, window_params = [{transform_indices = #map}, {transform_indices = #map}, {transform_indices = #map}]} {
    %mul3A = arith.constant 2 : i32
    %mul3A_0 = arith.muli %arg1, %mul3A : i32
    %add3A = arith.addi %mul3A_0, %arg0 : i32
    %mul3A_1 = arith.constant 640 : i32
    %mul3A_2 = arith.muli %arg1, %mul3A_1 : i32
    %scan3A = arith.constant 0 : i32
    %scan3A_3 = arith.constant 128 : i32
    %scan3A_4 = arith.addi %scan3A, %scan3A_3 : i32
    %scan3A_5 = arith.constant 1 : i32
    scf.for %scan3A_23 = %scan3A to %scan3A_4 step %scan3A_5  : i32 {
      %broadcast_in_dim3A = arith.constant 0.000000e+00 : f32
      %broadcast_in_dim3A_24 = vector.broadcast %broadcast_in_dim3A : f32 to vector<16xf32>
      %swap3A = arith.index_cast %scan3A_23 : i32 to index
      %swap3A_25 = arith.constant 0 : index
      %swap3A_26 = tpu.vector_load %arg7[%swap3A, %swap3A_25] {strides = array<i32>} : memref<128x128xf32, #tpu.memory_space<vmem>>, vector<1x16xf32>,
      %swap3A_27 = vector.shape_cast %swap3A_26 : vector<1x16xf32> to vector<16xf32>
      %swap3A_28 = vector.shape_cast %broadcast_in_dim3A_24 : vector<16xf32> to vector<1x16xf32>
      tpu.vector_store %arg7[%swap3A, %swap3A_25], %swap3A_28 {strides = array<i32>} : memref<128x128xf32, #tpu.memory_space<vmem>>, vector<1x16xf32>,
      %broadcast_in_dim3A_29 = arith.constant 0.000000e+00 : f32
      %broadcast_in_dim3A_30 = vector.broadcast %broadcast_in_dim3A_29 : f32 to vector<16xf32>
      %swap3A_31 = arith.index_cast %scan3A_23 : i32 to index
      %swap3A_32 = arith.constant 16 : index
      %swap3A_33 = tpu.vector_load %arg7[%swap3A_31, %swap3A_32] {strides = array<i32>} : memref<128x128xf32, #tpu.memory_space<vmem>>, vector<1x16xf32>,
      %swap3A_34 = vector.shape_cast %swap3A_33 : vector<1x16xf32> to vector<16xf32>
      %swap3A_35 = vector.shape_cast %broadcast_in_dim3A_30 : vector<16xf32> to vector<1x16xf32>
      tpu.vector_store %arg7[%swap3A_31, %swap3A_32], %swap3A_35 {strides = array<i32>} : memref<128x128xf32, #tpu.memory_space<vmem>>, vector<1x16xf32>,
      %broadcast_in_dim3A_36 = arith.constant 0.000000e+00 : f32
      %broadcast_in_dim3A_37 = vector.broadcast %broadcast_in_dim3A_36 : f32 to vector<16xf32>
      %swap3A_38 = arith.index_cast %scan3A_23 : i32 to index
      %swap3A_39 = arith.constant 32 : index
      %swap3A_40 = tpu.vector_load %arg7[%swap3A_38, %swap3A_39] {strides = array<i32>} : memref<128x128xf32, #tpu.memory_space<vmem>>, vector<1x16xf32>,
      %swap3A_41 = vector.shape_cast %swap3A_40 : vector<1x16xf32> to vector<16xf32>
      %swap3A_42 = vector.shape_cast %broadcast_in_dim3A_37 : vector<16xf32> to vector<1x16xf32>
      tpu.vector_store %arg7[%swap3A_38, %swap3A_39], %swap3A_42 {strides = array<i32>} : memref<128x128xf32, #tpu.memory_space<vmem>>, vector<1x16xf32>,
      %broadcast_in_dim3A_43 = arith.constant 0.000000e+00 : f32
      %broadcast_in_dim3A_44 = vector.broadcast %broadcast_in_dim3A_43 : f32 to vector<16xf32>
      %swap3A_45 = arith.index_cast %scan3A_23 : i32 to index
      %swap3A_46 = arith.constant 48 : index
      %swap3A_47 = tpu.vector_load %arg7[%swap3A_45, %swap3A_46] {strides = array<i32>} : memref<128x128xf32, #tpu.memory_space<vmem>>, vector<1x16xf32>,
      %swap3A_48 = vector.shape_cast %swap3A_47 : vector<1x16xf32> to vector<16xf32>
      %swap3A_49 = vector.shape_cast %broadcast_in_dim3A_44 : vector<16xf32> to vector<1x16xf32>
      tpu.vector_store %arg7[%swap3A_45, %swap3A_46], %swap3A_49 {strides = array<i32>} : memref<128x128xf32, #tpu.memory_space<vmem>>, vector<1x16xf32>,
      %broadcast_in_dim3A_50 = arith.constant 0.000000e+00 : f32
      %broadcast_in_dim3A_51 = vector.broadcast %broadcast_in_dim3A_50 : f32 to vector<16xf32>
      %swap3A_52 = arith.index_cast %scan3A_23 : i32 to index
      %swap3A_53 = arith.constant 64 : index
      %swap3A_54 = tpu.vector_load %arg7[%swap3A_52, %swap3A_53] {strides = array<i32>} : memref<128x128xf32, #tpu.memory_space<vmem>>, vector<1x16xf32>,
      %swap3A_55 = vector.shape_cast %swap3A_54 : vector<1x16xf32> to vector<16xf32>
      %swap3A_56 = vector.shape_cast %broadcast_in_dim3A_51 : vector<16xf32> to vector<1x16xf32>
      tpu.vector_store %arg7[%swap3A_52, %swap3A_53], %swap3A_56 {strides = array<i32>} : memref<128x128xf32, #tpu.memory_space<vmem>>, vector<1x16xf32>,
      %broadcast_in_dim3A_57 = arith.constant 0.000000e+00 : f32
      %broadcast_in_dim3A_58 = vector.broadcast %broadcast_in_dim3A_57 : f32 to vector<16xf32>
      %swap3A_59 = arith.index_cast %scan3A_23 : i32 to index
      %swap3A_60 = arith.constant 80 : index
      %swap3A_61 = tpu.vector_load %arg7[%swap3A_59, %swap3A_60] {strides = array<i32>} : memref<128x128xf32, #tpu.memory_space<vmem>>, vector<1x16xf32>,
      %swap3A_62 = vector.shape_cast %swap3A_61 : vector<1x16xf32> to vector<16xf32>
      %swap3A_63 = vector.shape_cast %broadcast_in_dim3A_58 : vector<16xf32> to vector<1x16xf32>
      tpu.vector_store %arg7[%swap3A_59, %swap3A_60], %swap3A_63 {strides = array<i32>} : memref<128x128xf32, #tpu.memory_space<vmem>>, vector<1x16xf32>,
      %broadcast_in_dim3A_64 = arith.constant 0.000000e+00 : f32
      %broadcast_in_dim3A_65 = vector.broadcast %broadcast_in_dim3A_64 : f32 to vector<16xf32>
      %swap3A_66 = arith.index_cast %scan3A_23 : i32 to index
      %swap3A_67 = arith.constant 96 : index
      %swap3A_68 = tpu.vector_load %arg7[%swap3A_66, %swap3A_67] {strides = array<i32>} : memref<128x128xf32, #tpu.memory_space<vmem>>, vector<1x16xf32>,
      %swap3A_69 = vector.shape_cast %swap3A_68 : vector<1x16xf32> to vector<16xf32>
      %swap3A_70 = vector.shape_cast %broadcast_in_dim3A_65 : vector<16xf32> to vector<1x16xf32>
      tpu.vector_store %arg7[%swap3A_66, %swap3A_67], %swap3A_70 {strides = array<i32>} : memref<128x128xf32, #tpu.memory_space<vmem>>, vector<1x16xf32>,
      %broadcast_in_dim3A_71 = arith.constant 0.000000e+00 : f32
      %broadcast_in_dim3A_72 = vector.broadcast %broadcast_in_dim3A_71 : f32 to vector<16xf32>
      %swap3A_73 = arith.index_cast %scan3A_23 : i32 to index
      %swap3A_74 = arith.constant 112 : index
      %swap3A_75 = tpu.vector_load %arg7[%swap3A_73, %swap3A_74] {strides = array<i32>} : memref<128x128xf32, #tpu.memory_space<vmem>>, vector<1x16xf32>,
      %swap3A_76 = vector.shape_cast %swap3A_75 : vector<1x16xf32> to vector<16xf32>
      %swap3A_77 = vector.shape_cast %broadcast_in_dim3A_72 : vector<16xf32> to vector<1x16xf32>
      tpu.vector_store %arg7[%swap3A_73, %swap3A_74], %swap3A_77 {strides = array<i32>} : memref<128x128xf32, #tpu.memory_space<vmem>>, vector<1x16xf32>,
    }
    %scan3A_6 = arith.constant 128 : i32
    %scan3A_7 = arith.constant 0 : i32
    %scan3A_8 = arith.constant 5 : i32
    %scan3A_9 = arith.addi %scan3A_7, %scan3A_8 : i32
    %scan3A_10 = arith.constant 1 : i32
    scf.for %scan3A_23 = %scan3A_7 to %scan3A_9 step %scan3A_10  : i32 {
      %mul3A_24 = arith.constant 128 : i32
      %mul3A_25 = arith.muli %scan3A_23, %mul3A_24 : i32
      %add3A_26 = arith.addi %mul3A_2, %mul3A_25 : i32
      "tpu.region"() ({
        %run_scoped3A = tpu.sem_alloc : memref<!tpu.dma_semaphore, #tpu.memory_space<semaphore_mem>>
        %dma_start3A = arith.constant 0 : i32
        %dma_start3A_27 = tpu.memref_slice %arg8[%add3A_26, %dma_start3A] : memref<10240x128xf32, #tpu.memory_space<vmem_shared>> -> memref<128x128xf32, #tpu.memory_space<vmem_shared>>
        %dma_start3A_28 = arith.constant 0 : i32
        %dma_start3A_29 = tpu.memref_slice %arg8[%add3A_26, %dma_start3A_28] : memref<10240x128xf32, #tpu.memory_space<vmem_shared>> -> memref<128x128xf32, #tpu.memory_space<vmem_shared>>
        tpu.enqueue_dma source(%arg7 : memref<128x128xf32, #tpu.memory_space<vmem>>) target(%dma_start3A_29 : memref<128x128xf32, #tpu.memory_space<vmem_shared>>) target_semaphore(%run_scoped3A : memref<!tpu.dma_semaphore, #tpu.memory_space<semaphore_mem>>)
        %dma_wait3A = arith.constant 0 : i32
        %dma_wait3A_30 = tpu.memref_slice %arg8[%add3A_26, %dma_wait3A] : memref<10240x128xf32, #tpu.memory_space<vmem_shared>> -> memref<128x128xf32, #tpu.memory_space<vmem_shared>>
        %dma_wait3A_31 = arith.constant 0 : i32
        %dma_wait3A_32 = tpu.memref_slice %arg8[%add3A_26, %dma_wait3A_31] : memref<10240x128xf32, #tpu.memory_space<vmem_shared>> -> memref<128x128xf32, #tpu.memory_space<vmem_shared>>
        tpu.wait_dma2 semaphore(%run_scoped3A : memref<!tpu.dma_semaphore, #tpu.memory_space<semaphore_mem>>) src(%arg7 : memref<128x128xf32, #tpu.memory_space<vmem>>) dst(%dma_wait3A_32 : memref<128x128xf32, #tpu.memory_space<vmem_shared>>)
        tpu.yield
      }) : () -> ()
    }
    %scan3A_11 = arith.constant 5 : i32
    %barrier3A = arith.constant 0 : index
    tpu.barrier barrier_id(%barrier3A)
    %scan3A_12 = arith.constant 0 : i32
    %scan3A_13 = arith.constant 5 : i32
    %scan3A_14 = arith.addi %scan3A_12, %scan3A_13 : i32
    %scan3A_15 = arith.constant 1 : i32
    scf.for %scan3A_23 = %scan3A_12 to %scan3A_14 step %scan3A_15  : i32 {
      %mul3A_24 = arith.constant 80 : i32
      %mul3A_25 = arith.muli %add3A, %mul3A_24 : i32
      %mul3A_26 = arith.constant 16 : i32
      %mul3A_27 = arith.muli %scan3A_23, %mul3A_26 : i32
      %add3A_28 = arith.addi %mul3A_25, %mul3A_27 : i32
      "tpu.region"() ({
        %run_scoped3A = tpu.sem_alloc : memref<!tpu.dma_semaphore, #tpu.memory_space<semaphore_mem>>
        %dma_start3A = arith.constant 0 : i32
        %dma_start3A_34 = tpu.memref_slice %arg3[%add3A_28, %dma_start3A] : memref<2560x128xi32, #tpu.memory_space<hbm>> -> memref<16x128xi32, #tpu.memory_space<hbm>>
        %dma_start3A_35 = arith.constant 0 : i32
        %dma_start3A_36 = tpu.memref_slice %arg3[%add3A_28, %dma_start3A_35] : memref<2560x128xi32, #tpu.memory_space<hbm>> -> memref<16x128xi32, #tpu.memory_space<hbm>>
        tpu.enqueue_dma source(%dma_start3A_36 : memref<16x128xi32, #tpu.memory_space<hbm>>) target(%arg5 : memref<16x128xi32, #tpu.memory_space<vmem>>) target_semaphore(%run_scoped3A : memref<!tpu.dma_semaphore, #tpu.memory_space<semaphore_mem>>)
        %dma_wait3A = arith.constant 0 : i32
        %dma_wait3A_37 = tpu.memref_slice %arg3[%add3A_28, %dma_wait3A] : memref<2560x128xi32, #tpu.memory_space<hbm>> -> memref<16x128xi32, #tpu.memory_space<hbm>>
        %dma_wait3A_38 = arith.constant 0 : i32
        %dma_wait3A_39 = tpu.memref_slice %arg3[%add3A_28, %dma_wait3A_38] : memref<2560x128xi32, #tpu.memory_space<hbm>> -> memref<16x128xi32, #tpu.memory_space<hbm>>
        tpu.wait_dma2 semaphore(%run_scoped3A : memref<!tpu.dma_semaphore, #tpu.memory_space<semaphore_mem>>) src(%dma_wait3A_39 : memref<16x128xi32, #tpu.memory_space<hbm>>) dst(%arg5 : memref<16x128xi32, #tpu.memory_space<vmem>>)
        tpu.yield
      }) : () -> ()
      %scan3A_29 = arith.constant 0 : i32
      %scan3A_30 = arith.constant 16 : i32
      %scan3A_31 = arith.addi %scan3A_29, %scan3A_30 : i32
      %scan3A_32 = arith.constant 1 : i32
      scf.for %scan3A_34 = %scan3A_29 to %scan3A_31 step %scan3A_32  : i32 {
        %add3A_35 = arith.addi %add3A_28, %scan3A_34 : i32
        %mul3A_36 = arith.constant 128 : i32
        %mul3A_37 = arith.muli %add3A_35, %mul3A_36 : i32
        "tpu.region"() ({
          %run_scoped3A = tpu.sem_alloc : memref<!tpu.dma_semaphore, #tpu.memory_space<semaphore_mem>>
          %dma_start3A = arith.constant 0 : i32
          %dma_start3A_43 = tpu.memref_slice %arg2[%mul3A_37, %dma_start3A] : memref<327680x16xf32, #tpu.memory_space<hbm>> -> memref<128x16xf32, #tpu.memory_space<hbm>>
          %dma_start3A_44 = arith.constant 0 : i32
          %dma_start3A_45 = tpu.memref_slice %arg2[%mul3A_37, %dma_start3A_44] : memref<327680x16xf32, #tpu.memory_space<hbm>> -> memref<128x16xf32, #tpu.memory_space<hbm>>
          tpu.enqueue_dma source(%dma_start3A_45 : memref<128x16xf32, #tpu.memory_space<hbm>>) target(%arg6 : memref<128x16xf32, #tpu.memory_space<vmem>>) target_semaphore(%run_scoped3A : memref<!tpu.dma_semaphore, #tpu.memory_space<semaphore_mem>>)
          %dma_wait3A = arith.constant 0 : i32
          %dma_wait3A_46 = tpu.memref_slice %arg2[%mul3A_37, %dma_wait3A] : memref<327680x16xf32, #tpu.memory_space<hbm>> -> memref<128x16xf32, #tpu.memory_space<hbm>>
          %dma_wait3A_47 = arith.constant 0 : i32
          %dma_wait3A_48 = tpu.memref_slice %arg2[%mul3A_37, %dma_wait3A_47] : memref<327680x16xf32, #tpu.memory_space<hbm>> -> memref<128x16xf32, #tpu.memory_space<hbm>>
          tpu.wait_dma2 semaphore(%run_scoped3A : memref<!tpu.dma_semaphore, #tpu.memory_space<semaphore_mem>>) src(%dma_wait3A_48 : memref<128x16xf32, #tpu.memory_space<hbm>>) dst(%arg6 : memref<128x16xf32, #tpu.memory_space<vmem>>)
          tpu.yield
        }) : () -> ()
        %scan3A_38 = arith.constant 0 : i32
        %scan3A_39 = arith.constant 128 : i32
        %scan3A_40 = arith.addi %scan3A_38, %scan3A_39 : i32
        %scan3A_41 = arith.constant 1 : i32
        scf.for %scan3A_43 = %scan3A_38 to %scan3A_40 step %scan3A_41  : i32 {
          %get3A = arith.index_cast %scan3A_43 : i32 to index
          %get3A_44 = arith.constant 0 : index
          %get3A_45 = tpu.vector_load %arg6[%get3A, %get3A_44] {strides = array<i32>} : memref<128x16xf32, #tpu.memory_space<vmem>>, vector<1x16xf32>,
          %get3A_46 = vector.shape_cast %get3A_45 : vector<1x16xf32> to vector<16xf32>
          %slice3A = vector.extract_strided_slice %get3A_46 {offsets = [0], sizes = [1], strides = [1]} : vector<16xf32> to vector<1xf32>
          %squeeze3A = vector.extract %slice3A[0] : f32 from vector<1xf32>
          %broadcast_in_dim3A = vector.broadcast %squeeze3A : f32 to vector<16xf32>
          %swap3A = arith.index_cast %scan3A_43 : i32 to index
          %swap3A_47 = arith.constant 0 : index
          %swap3A_48 = tpu.vector_load %arg7[%swap3A, %swap3A_47] {strides = array<i32>} : memref<128x128xf32, #tpu.memory_space<vmem>>, vector<1x16xf32>,
          %swap3A_49 = vector.shape_cast %swap3A_48 : vector<1x16xf32> to vector<16xf32>
          %swap3A_50 = vector.shape_cast %broadcast_in_dim3A : vector<16xf32> to vector<1x16xf32>
          tpu.vector_store %arg7[%swap3A, %swap3A_47], %swap3A_50 {strides = array<i32>} : memref<128x128xf32, #tpu.memory_space<vmem>>, vector<1x16xf32>,
          %slice3A_51 = vector.extract_strided_slice %get3A_46 {offsets = [1], sizes = [1], strides = [1]} : vector<16xf32> to vector<1xf32>
          %squeeze3A_52 = vector.extract %slice3A_51[0] : f32 from vector<1xf32>
          %broadcast_in_dim3A_53 = vector.broadcast %squeeze3A_52 : f32 to vector<16xf32>
          %swap3A_54 = arith.index_cast %scan3A_43 : i32 to index
          %swap3A_55 = arith.constant 16 : index
          %swap3A_56 = tpu.vector_load %arg7[%swap3A_54, %swap3A_55] {strides = array<i32>} : memref<128x128xf32, #tpu.memory_space<vmem>>, vector<1x16xf32>,
          %swap3A_57 = vector.shape_cast %swap3A_56 : vector<1x16xf32> to vector<16xf32>
          %swap3A_58 = vector.shape_cast %broadcast_in_dim3A_53 : vector<16xf32> to vector<1x16xf32>
          tpu.vector_store %arg7[%swap3A_54, %swap3A_55], %swap3A_58 {strides = array<i32>} : memref<128x128xf32, #tpu.memory_space<vmem>>, vector<1x16xf32>,
          %slice3A_59 = vector.extract_strided_slice %get3A_46 {offsets = [2], sizes = [1], strides = [1]} : vector<16xf32> to vector<1xf32>
          %squeeze3A_60 = vector.extract %slice3A_59[0] : f32 from vector<1xf32>
          %broadcast_in_dim3A_61 = vector.broadcast %squeeze3A_60 : f32 to vector<16xf32>
          %swap3A_62 = arith.index_cast %scan3A_43 : i32 to index
          %swap3A_63 = arith.constant 32 : index
          %swap3A_64 = tpu.vector_load %arg7[%swap3A_62, %swap3A_63] {strides = array<i32>} : memref<128x128xf32, #tpu.memory_space<vmem>>, vector<1x16xf32>,
          %swap3A_65 = vector.shape_cast %swap3A_64 : vector<1x16xf32> to vector<16xf32>
          %swap3A_66 = vector.shape_cast %broadcast_in_dim3A_61 : vector<16xf32> to vector<1x16xf32>
          tpu.vector_store %arg7[%swap3A_62, %swap3A_63], %swap3A_66 {strides = array<i32>} : memref<128x128xf32, #tpu.memory_space<vmem>>, vector<1x16xf32>,
          %slice3A_67 = vector.extract_strided_slice %get3A_46 {offsets = [3], sizes = [1], strides = [1]} : vector<16xf32> to vector<1xf32>
          %squeeze3A_68 = vector.extract %slice3A_67[0] : f32 from vector<1xf32>
          %broadcast_in_dim3A_69 = vector.broadcast %squeeze3A_68 : f32 to vector<16xf32>
          %swap3A_70 = arith.index_cast %scan3A_43 : i32 to index
          %swap3A_71 = arith.constant 48 : index
          %swap3A_72 = tpu.vector_load %arg7[%swap3A_70, %swap3A_71] {strides = array<i32>} : memref<128x128xf32, #tpu.memory_space<vmem>>, vector<1x16xf32>,
          %swap3A_73 = vector.shape_cast %swap3A_72 : vector<1x16xf32> to vector<16xf32>
          %swap3A_74 = vector.shape_cast %broadcast_in_dim3A_69 : vector<16xf32> to vector<1x16xf32>
          tpu.vector_store %arg7[%swap3A_70, %swap3A_71], %swap3A_74 {strides = array<i32>} : memref<128x128xf32, #tpu.memory_space<vmem>>, vector<1x16xf32>,
          %slice3A_75 = vector.extract_strided_slice %get3A_46 {offsets = [4], sizes = [1], strides = [1]} : vector<16xf32> to vector<1xf32>
          %squeeze3A_76 = vector.extract %slice3A_75[0] : f32 from vector<1xf32>
          %broadcast_in_dim3A_77 = vector.broadcast %squeeze3A_76 : f32 to vector<16xf32>
          %swap3A_78 = arith.index_cast %scan3A_43 : i32 to index
          %swap3A_79 = arith.constant 64 : index
          %swap3A_80 = tpu.vector_load %arg7[%swap3A_78, %swap3A_79] {strides = array<i32>} : memref<128x128xf32, #tpu.memory_space<vmem>>, vector<1x16xf32>,
          %swap3A_81 = vector.shape_cast %swap3A_80 : vector<1x16xf32> to vector<16xf32>
          %swap3A_82 = vector.shape_cast %broadcast_in_dim3A_77 : vector<16xf32> to vector<1x16xf32>
          tpu.vector_store %arg7[%swap3A_78, %swap3A_79], %swap3A_82 {strides = array<i32>} : memref<128x128xf32, #tpu.memory_space<vmem>>, vector<1x16xf32>,
          %slice3A_83 = vector.extract_strided_slice %get3A_46 {offsets = [5], sizes = [1], strides = [1]} : vector<16xf32> to vector<1xf32>
          %squeeze3A_84 = vector.extract %slice3A_83[0] : f32 from vector<1xf32>
          %broadcast_in_dim3A_85 = vector.broadcast %squeeze3A_84 : f32 to vector<16xf32>
          %swap3A_86 = arith.index_cast %scan3A_43 : i32 to index
          %swap3A_87 = arith.constant 80 : index
          %swap3A_88 = tpu.vector_load %arg7[%swap3A_86, %swap3A_87] {strides = array<i32>} : memref<128x128xf32, #tpu.memory_space<vmem>>, vector<1x16xf32>,
          %swap3A_89 = vector.shape_cast %swap3A_88 : vector<1x16xf32> to vector<16xf32>
          %swap3A_90 = vector.shape_cast %broadcast_in_dim3A_85 : vector<16xf32> to vector<1x16xf32>
          tpu.vector_store %arg7[%swap3A_86, %swap3A_87], %swap3A_90 {strides = array<i32>} : memref<128x128xf32, #tpu.memory_space<vmem>>, vector<1x16xf32>,
          %slice3A_91 = vector.extract_strided_slice %get3A_46 {offsets = [6], sizes = [1], strides = [1]} : vector<16xf32> to vector<1xf32>
          %squeeze3A_92 = vector.extract %slice3A_91[0] : f32 from vector<1xf32>
          %broadcast_in_dim3A_93 = vector.broadcast %squeeze3A_92 : f32 to vector<16xf32>
          %swap3A_94 = arith.index_cast %scan3A_43 : i32 to index
          %swap3A_95 = arith.constant 96 : index
          %swap3A_96 = tpu.vector_load %arg7[%swap3A_94, %swap3A_95] {strides = array<i32>} : memref<128x128xf32, #tpu.memory_space<vmem>>, vector<1x16xf32>,
          %swap3A_97 = vector.shape_cast %swap3A_96 : vector<1x16xf32> to vector<16xf32>
          %swap3A_98 = vector.shape_cast %broadcast_in_dim3A_93 : vector<16xf32> to vector<1x16xf32>
          tpu.vector_store %arg7[%swap3A_94, %swap3A_95], %swap3A_98 {strides = array<i32>} : memref<128x128xf32, #tpu.memory_space<vmem>>, vector<1x16xf32>,
          %slice3A_99 = vector.extract_strided_slice %get3A_46 {offsets = [7], sizes = [1], strides = [1]} : vector<16xf32> to vector<1xf32>
          %squeeze3A_100 = vector.extract %slice3A_99[0] : f32 from vector<1xf32>
          %broadcast_in_dim3A_101 = vector.broadcast %squeeze3A_100 : f32 to vector<16xf32>
          %swap3A_102 = arith.index_cast %scan3A_43 : i32 to index
          %swap3A_103 = arith.constant 112 : index
          %swap3A_104 = tpu.vector_load %arg7[%swap3A_102, %swap3A_103] {strides = array<i32>} : memref<128x128xf32, #tpu.memory_space<vmem>>, vector<1x16xf32>,
          %swap3A_105 = vector.shape_cast %swap3A_104 : vector<1x16xf32> to vector<16xf32>
          %swap3A_106 = vector.shape_cast %broadcast_in_dim3A_101 : vector<16xf32> to vector<1x16xf32>
          tpu.vector_store %arg7[%swap3A_102, %swap3A_103], %swap3A_106 {strides = array<i32>} : memref<128x128xf32, #tpu.memory_space<vmem>>, vector<1x16xf32>,
        }
        %scan3A_42 = arith.constant 128 : i32
        "tpu.region"() ({
          %run_scoped3A = tpu.sem_alloc : memref<!tpu.dma_semaphore, #tpu.memory_space<semaphore_mem>>
          %dma_start3A = arith.constant 0 : i32
          %dma_start3A_43 = tpu.memref_slice %arg5[%scan3A_34, %dma_start3A] : memref<16x128xi32, #tpu.memory_space<vmem>> -> memref<1x128xi32, #tpu.memory_space<vmem>>
          %dma_start3A_44 = tpu.memref_squeeze %dma_start3A_43 : memref<1x128xi32, #tpu.memory_space<vmem>> -> memref<128xi32, #tpu.memory_space<vmem>>
          %dma_start3A_45 = arith.constant 0 : i32
          %dma_start3A_46 = arith.constant 0 : i32
          %dma_start3A_47 = tpu.memref_slice %arg8[%dma_start3A_45, %dma_start3A_46] : memref<10240x128xf32, #tpu.memory_space<vmem_shared>> -> memref<10240x128xf32, #tpu.memory_space<vmem_shared>>
          tpu.enqueue_indirect_dma source(%arg7 : memref<128x128xf32, #tpu.memory_space<vmem>>) target(%dma_start3A_47 : memref<10240x128xf32, #tpu.memory_space<vmem_shared>>) offsets(%dma_start3A_44 : memref<128xi32, #tpu.memory_space<vmem>>) semaphore(%run_scoped3A : memref<!tpu.dma_semaphore, #tpu.memory_space<semaphore_mem>>) {add = true}
          %dma_wait3A = arith.constant 0 : i32
          %dma_wait3A_48 = tpu.memref_slice %arg5[%scan3A_34, %dma_wait3A] : memref<16x128xi32, #tpu.memory_space<vmem>> -> memref<1x128xi32, #tpu.memory_space<vmem>>
          %dma_wait3A_49 = tpu.memref_squeeze %dma_wait3A_48 : memref<1x128xi32, #tpu.memory_space<vmem>> -> memref<128xi32, #tpu.memory_space<vmem>>
          %dma_wait3A_50 = arith.constant 0 : i32
          %dma_wait3A_51 = arith.constant 0 : i32
          %dma_wait3A_52 = tpu.memref_slice %arg8[%dma_wait3A_50, %dma_wait3A_51] : memref<10240x128xf32, #tpu.memory_space<vmem_shared>> -> memref<10240x128xf32, #tpu.memory_space<vmem_shared>>
          tpu.wait_indirect_dma semaphore(%run_scoped3A : memref<!tpu.dma_semaphore, #tpu.memory_space<semaphore_mem>>) src(%arg7 : memref<128x128xf32, #tpu.memory_space<vmem>>) dst(%dma_wait3A_52 : memref<10240x128xf32, #tpu.memory_space<vmem_shared>>)
          tpu.yield
        }) : () -> ()
      }
      %scan3A_33 = arith.constant 16 : i32
    }
    %scan3A_16 = arith.constant 5 : i32
    %barrier3A_17 = arith.constant 0 : index
    tpu.barrier barrier_id(%barrier3A_17)
    %scan3A_18 = arith.constant 0 : i32
    %scan3A_19 = arith.constant 5 : i32
    %scan3A_20 = arith.addi %scan3A_18, %scan3A_19 : i32
    %scan3A_21 = arith.constant 1 : i32
    scf.for %scan3A_23 = %scan3A_18 to %scan3A_20 step %scan3A_21  : i32 {
      %mul3A_24 = arith.constant 128 : i32
      %mul3A_25 = arith.muli %scan3A_23, %mul3A_24 : i32
      %add3A_26 = arith.addi %mul3A_2, %mul3A_25 : i32
      "tpu.region"() ({
        %run_scoped3A = tpu.sem_alloc : memref<!tpu.dma_semaphore, #tpu.memory_space<semaphore_mem>>
        %dma_start3A = arith.constant 0 : i32
        %dma_start3A_30 = tpu.memref_slice %arg8[%add3A_26, %dma_start3A] : memref<10240x128xf32, #tpu.memory_space<vmem_shared>> -> memref<128x128xf32, #tpu.memory_space<vmem_shared>>
        %dma_start3A_31 = arith.constant 0 : i32
        %dma_start3A_32 = tpu.memref_slice %arg8[%add3A_26, %dma_start3A_31] : memref<10240x128xf32, #tpu.memory_space<vmem_shared>> -> memref<128x128xf32, #tpu.memory_space<vmem_shared>>
        tpu.enqueue_dma source(%dma_start3A_32 : memref<128x128xf32, #tpu.memory_space<vmem_shared>>) target(%arg7 : memref<128x128xf32, #tpu.memory_space<vmem>>) target_semaphore(%run_scoped3A : memref<!tpu.dma_semaphore, #tpu.memory_space<semaphore_mem>>)
        %dma_wait3A = arith.constant 0 : i32
        %dma_wait3A_33 = tpu.memref_slice %arg8[%add3A_26, %dma_wait3A] : memref<10240x128xf32, #tpu.memory_space<vmem_shared>> -> memref<128x128xf32, #tpu.memory_space<vmem_shared>>
        %dma_wait3A_34 = arith.constant 0 : i32
        %dma_wait3A_35 = tpu.memref_slice %arg8[%add3A_26, %dma_wait3A_34] : memref<10240x128xf32, #tpu.memory_space<vmem_shared>> -> memref<128x128xf32, #tpu.memory_space<vmem_shared>>
        tpu.wait_dma2 semaphore(%run_scoped3A : memref<!tpu.dma_semaphore, #tpu.memory_space<semaphore_mem>>) src(%dma_wait3A_35 : memref<128x128xf32, #tpu.memory_space<vmem_shared>>) dst(%arg7 : memref<128x128xf32, #tpu.memory_space<vmem>>)
        tpu.yield
      }) : () -> ()
      %mul3A_27 = arith.constant 10240 : i32
      %mul3A_28 = arith.muli %arg0, %mul3A_27 : i32
      %add3A_29 = arith.addi %mul3A_28, %add3A_26 : i32
      "tpu.region"() ({
        %run_scoped3A = tpu.sem_alloc : memref<!tpu.dma_semaphore, #tpu.memory_space<semaphore_mem>>
        %dma_start3A = arith.constant 0 : i32
        %dma_start3A_30 = tpu.memref_slice %arg4[%add3A_29, %dma_start3A] : memref<20480x128xf32, #tpu.memory_space<hbm>> -> memref<128x128xf32, #tpu.memory_space<hbm>>
        %dma_start3A_31 = arith.constant 0 : i32
        %dma_start3A_32 = tpu.memref_slice %arg4[%add3A_29, %dma_start3A_31] : memref<20480x128xf32, #tpu.memory_space<hbm>> -> memref<128x128xf32, #tpu.memory_space<hbm>>
        tpu.enqueue_dma source(%arg7 : memref<128x128xf32, #tpu.memory_space<vmem>>) target(%dma_start3A_32 : memref<128x128xf32, #tpu.memory_space<hbm>>) target_semaphore(%run_scoped3A : memref<!tpu.dma_semaphore, #tpu.memory_space<semaphore_mem>>)
        %dma_wait3A = arith.constant 0 : i32
        %dma_wait3A_33 = tpu.memref_slice %arg4[%add3A_29, %dma_wait3A] : memref<20480x128xf32, #tpu.memory_space<hbm>> -> memref<128x128xf32, #tpu.memory_space<hbm>>
        %dma_wait3A_34 = arith.constant 0 : i32
        %dma_wait3A_35 = tpu.memref_slice %arg4[%add3A_29, %dma_wait3A_34] : memref<20480x128xf32, #tpu.memory_space<hbm>> -> memref<128x128xf32, #tpu.memory_space<hbm>>
        tpu.wait_dma2 semaphore(%run_scoped3A : memref<!tpu.dma_semaphore, #tpu.memory_space<semaphore_mem>>) src(%arg7 : memref<128x128xf32, #tpu.memory_space<vmem>>) dst(%dma_wait3A_35 : memref<128x128xf32, #tpu.memory_space<hbm>>)
        tpu.yield
      }) : () -> ()
    }
    %scan3A_22 = arith.constant 5 : i32
    return
  }
}

module attributes {stable_mosaic.version = 14 : i64} {
  func.func @_pre_body(%arg0: i32, %arg1: memref<1024x128xf32, #tpu.memory_space<vmem>>, %arg2: memref<128x128xf32, #tpu.memory_space<vmem>>, %arg3: memref<128x128xf32, #tpu.memory_space<vmem>>, %arg4: memref<128x128xf32, #tpu.memory_space<vmem>>, %arg5: memref<1024x128xf32, #tpu.memory_space<vmem>>, %arg6: memref<1024x128xf32, #tpu.memory_space<vmem>>, %arg7: memref<1024x128xf32, #tpu.memory_space<vmem>>) attributes {dimension_semantics = [#tpu.dimension_semantics<arbitrary>], iteration_bounds = array<i64: 10>, scalar_prefetch = 0 : i64, scratch_operands = 0 : i64, tpu.core_type = #tpu.core_type<tc>, window_params = [{transform_indices = @transform_0, window_bounds = array<i64: 1024, 128>}, {pipeline_mode = #tpu.pipeline_mode<synchronous>, transform_indices = @transform_1, window_bounds = array<i64: 128, 128>}, {pipeline_mode = #tpu.pipeline_mode<synchronous>, transform_indices = @transform_2, window_bounds = array<i64: 128, 128>}, {pipeline_mode = #tpu.pipeline_mode<synchronous>, transform_indices = @transform_3, window_bounds = array<i64: 128, 128>}, {transform_indices = @transform_4, window_bounds = array<i64: 1024, 128>}, {transform_indices = @transform_5, window_bounds = array<i64: 1024, 128>}, {transform_indices = @transform_6, window_bounds = array<i64: 1024, 128>}]} {
    %get3A = arith.constant 0 : index
    %get3A_0 = arith.constant 0 : index
    %get3A_1 = vector.load %arg1[%get3A, %get3A_0] : memref<1024x128xf32, #tpu.memory_space<vmem>>, vector<1024x128xf32>
    %get3A_2 = arith.constant 0 : index
    %get3A_3 = arith.constant 0 : index
    %get3A_4 = vector.load %arg2[%get3A_2, %get3A_3] : memref<128x128xf32, #tpu.memory_space<vmem>>, vector<128x128xf32>
    %dot_general3A = arith.constant dense<0.000000e+00> : vector<1024x128xf32>
    %dot_general3A_5 = tpu.matmul %get3A_1, %get3A_4, %dot_general3A {dimension_numbers = #tpu.dot_dimension_numbers<[1], [0], [0], [1], [0, 0, 1, 1], [], []>, transpose_lhs_hint = false} : vector<1024x128xf32>, vector<128x128xf32>, vector<1024x128xf32> -> vector<1024x128xf32>
    %swap3A = arith.constant 0 : index
    %swap3A_6 = arith.constant 0 : index
    %swap3A_7 = vector.load %arg5[%swap3A, %swap3A_6] : memref<1024x128xf32, #tpu.memory_space<vmem>>, vector<1024x128xf32>
    tpu.vector_store %arg5[%swap3A, %swap3A_6], %dot_general3A_5 {strides = array<i32>} : memref<1024x128xf32, #tpu.memory_space<vmem>>, vector<1024x128xf32>,
    %get3A_8 = arith.constant 0 : index
    %get3A_9 = arith.constant 0 : index
    %get3A_10 = vector.load %arg3[%get3A_8, %get3A_9] : memref<128x128xf32, #tpu.memory_space<vmem>>, vector<128x128xf32>
    %dot_general3A_11 = arith.constant dense<0.000000e+00> : vector<1024x128xf32>
    %dot_general3A_12 = tpu.matmul %dot_general3A_5, %get3A_10, %dot_general3A_11 {dimension_numbers = #tpu.dot_dimension_numbers<[1], [0], [0], [1], [0, 0, 1, 1], [], []>, transpose_lhs_hint = false} : vector<1024x128xf32>, vector<128x128xf32>, vector<1024x128xf32> -> vector<1024x128xf32>
    %swap3A_13 = arith.constant 0 : index
    %swap3A_14 = arith.constant 0 : index
    %swap3A_15 = vector.load %arg6[%swap3A_13, %swap3A_14] : memref<1024x128xf32, #tpu.memory_space<vmem>>, vector<1024x128xf32>
    tpu.vector_store %arg6[%swap3A_13, %swap3A_14], %dot_general3A_12 {strides = array<i32>} : memref<1024x128xf32, #tpu.memory_space<vmem>>, vector<1024x128xf32>,
    %get3A_16 = arith.constant 0 : index
    %get3A_17 = arith.constant 0 : index
    %get3A_18 = vector.load %arg4[%get3A_16, %get3A_17] : memref<128x128xf32, #tpu.memory_space<vmem>>, vector<128x128xf32>
    %dot_general3A_19 = arith.constant dense<0.000000e+00> : vector<1024x128xf32>
    %dot_general3A_20 = tpu.matmul %dot_general3A_5, %get3A_18, %dot_general3A_19 {dimension_numbers = #tpu.dot_dimension_numbers<[1], [0], [0], [1], [0, 0, 1, 1], [], []>, transpose_lhs_hint = false} : vector<1024x128xf32>, vector<128x128xf32>, vector<1024x128xf32> -> vector<1024x128xf32>
    %swap3A_21 = arith.constant 0 : index
    %swap3A_22 = arith.constant 0 : index
    %swap3A_23 = vector.load %arg7[%swap3A_21, %swap3A_22] : memref<1024x128xf32, #tpu.memory_space<vmem>>, vector<1024x128xf32>
    tpu.vector_store %arg7[%swap3A_21, %swap3A_22], %dot_general3A_20 {strides = array<i32>} : memref<1024x128xf32, #tpu.memory_space<vmem>>, vector<1024x128xf32>,
    return
  }
  func.func @transform_0(%arg0: i32) -> (i32, i32) {
    %c0_i32 = arith.constant 0 : i32
    %c0_i32_0 = arith.constant 0 : i32
    return %arg0, %c0_i32 : i32, i32
  }
  func.func @transform_1(%arg0: i32) -> (i32, i32) {
    %c0_i32 = arith.constant 0 : i32
    %c0_i32_0 = arith.constant 0 : i32
    %c0_i32_1 = arith.constant 0 : i32
    return %c0_i32, %c0_i32_0 : i32, i32
  }
  func.func @transform_2(%arg0: i32) -> (i32, i32) {
    %c0_i32 = arith.constant 0 : i32
    %c0_i32_0 = arith.constant 0 : i32
    %c0_i32_1 = arith.constant 0 : i32
    return %c0_i32, %c0_i32_0 : i32, i32
  }
  func.func @transform_3(%arg0: i32) -> (i32, i32) {
    %c0_i32 = arith.constant 0 : i32
    %c0_i32_0 = arith.constant 0 : i32
    %c0_i32_1 = arith.constant 0 : i32
    return %c0_i32, %c0_i32_0 : i32, i32
  }
  func.func @transform_4(%arg0: i32) -> (i32, i32) {
    %c0_i32 = arith.constant 0 : i32
    %c0_i32_0 = arith.constant 0 : i32
    return %arg0, %c0_i32 : i32, i32
  }
  func.func @transform_5(%arg0: i32) -> (i32, i32) {
    %c0_i32 = arith.constant 0 : i32
    %c0_i32_0 = arith.constant 0 : i32
    return %arg0, %c0_i32 : i32, i32
  }
  func.func @transform_6(%arg0: i32) -> (i32, i32) {
    %c0_i32 = arith.constant 0 : i32
    %c0_i32_0 = arith.constant 0 : i32
    return %arg0, %c0_i32 : i32, i32
  }
}

module attributes {stable_mosaic.version = 14 : i64} {
  func.func @_post_body(%arg0: i32, %arg1: memref<1024x128xf32, #tpu.memory_space<vmem>>, %arg2: memref<1024x128xf32, #tpu.memory_space<vmem>>, %arg3: memref<1024x128xf32, #tpu.memory_space<vmem>>, %arg4: memref<2x1024x128xf32, #tpu.memory_space<vmem>>, %arg5: memref<2x1024x128xf32, #tpu.memory_space<vmem>>, %arg6: memref<1x128xf32, #tpu.memory_space<vmem>>, %arg7: memref<128x128xf32, #tpu.memory_space<vmem>>, %arg8: memref<1024x128xf32, #tpu.memory_space<vmem>>) attributes {dimension_semantics = [#tpu.dimension_semantics<arbitrary>], iteration_bounds = array<i64: 10>, scalar_prefetch = 0 : i64, scratch_operands = 0 : i64, tpu.core_type = #tpu.core_type<tc>, window_params = [{transform_indices = @transform_0, window_bounds = array<i64: 1024, 128>}, {transform_indices = @transform_1, window_bounds = array<i64: 1024, 128>}, {transform_indices = @transform_2, window_bounds = array<i64: 1024, 128>}, {transform_indices = @transform_3, window_bounds = array<i64: 2, 1024, 128>}, {transform_indices = @transform_4, window_bounds = array<i64: 2, 1024, 128>}, {pipeline_mode = #tpu.pipeline_mode<synchronous>, transform_indices = @transform_5, window_bounds = array<i64: 1, 128>}, {pipeline_mode = #tpu.pipeline_mode<synchronous>, transform_indices = @transform_6, window_bounds = array<i64: 128, 128>}, {transform_indices = @transform_7, window_bounds = array<i64: 1024, 128>}]} {
    %get3A = arith.constant 0 : index
    %get3A_0 = arith.constant 0 : index
    %get3A_1 = vector.load %arg2[%get3A, %get3A_0] : memref<1024x128xf32, #tpu.memory_space<vmem>>, vector<1024x128xf32>
    %get3A_2 = arith.constant 0 : index
    %get3A_3 = arith.constant 0 : index
    %get3A_4 = vector.load %arg3[%get3A_2, %get3A_3] : memref<1024x128xf32, #tpu.memory_space<vmem>>, vector<1024x128xf32>
    %add3A = arith.addf %get3A_1, %get3A_4 : vector<1024x128xf32>
    %mul3A = arith.constant 2.000000e-01 : f32
    %mul3A_5 = vector.broadcast %mul3A : f32 to vector<1024x128xf32>
    %mul3A_6 = arith.mulf %mul3A_5, %add3A : vector<1024x128xf32>
    %max3A = arith.maximumf %add3A, %mul3A_6 : vector<1024x128xf32>
    %exp3A = math.exp %max3A : vector<1024x128xf32>
    %get3A_7 = arith.constant 0 : index
    %get3A_8 = arith.constant 0 : index
    %get3A_9 = vector.load %arg7[%get3A_7, %get3A_8] : memref<128x128xf32, #tpu.memory_space<vmem>>, vector<128x128xf32>
    %dot_general3A = arith.constant dense<0.000000e+00> : vector<1024x128xf32>
    %dot_general3A_10 = tpu.matmul %exp3A, %get3A_9, %dot_general3A {dimension_numbers = #tpu.dot_dimension_numbers<[1], [0], [0], [1], [0, 0, 1, 1], [], []>, transpose_lhs_hint = false} : vector<1024x128xf32>, vector<128x128xf32>, vector<1024x128xf32> -> vector<1024x128xf32>
    %get3A_11 = arith.constant 0 : index
    %get3A_12 = arith.constant 0 : index
    %get3A_13 = arith.constant 0 : index
    %get3A_14 = vector.load %arg5[%get3A_11, %get3A_12, %get3A_13] : memref<2x1024x128xf32, #tpu.memory_space<vmem>>, vector<1x1024x128xf32>
    %get3A_15 = vector.shape_cast %get3A_14 : vector<1x1024x128xf32> to vector<1024x128xf32>
    %get3A_16 = arith.constant 1 : index
    %get3A_17 = arith.constant 0 : index
    %get3A_18 = arith.constant 0 : index
    %get3A_19 = vector.load %arg5[%get3A_16, %get3A_17, %get3A_18] : memref<2x1024x128xf32, #tpu.memory_space<vmem>>, vector<1x1024x128xf32>
    %get3A_20 = vector.shape_cast %get3A_19 : vector<1x1024x128xf32> to vector<1024x128xf32>
    %add3A_21 = arith.addf %get3A_15, %get3A_20 : vector<1024x128xf32>
    %add3A_22 = arith.addf %add3A_21, %dot_general3A_10 : vector<1024x128xf32>
    %get3A_23 = arith.constant 0 : index
    %get3A_24 = arith.constant 0 : index
    %get3A_25 = arith.constant 0 : index
    %get3A_26 = vector.load %arg4[%get3A_23, %get3A_24, %get3A_25] : memref<2x1024x128xf32, #tpu.memory_space<vmem>>, vector<1x1024x128xf32>
    %get3A_27 = vector.shape_cast %get3A_26 : vector<1x1024x128xf32> to vector<1024x128xf32>
    %get3A_28 = arith.constant 1 : index
    %get3A_29 = arith.constant 0 : index
    %get3A_30 = arith.constant 0 : index
    %get3A_31 = vector.load %arg4[%get3A_28, %get3A_29, %get3A_30] : memref<2x1024x128xf32, #tpu.memory_space<vmem>>, vector<1x1024x128xf32>
    %get3A_32 = vector.shape_cast %get3A_31 : vector<1x1024x128xf32> to vector<1024x128xf32>
    %add3A_33 = arith.addf %get3A_27, %get3A_32 : vector<1024x128xf32>
    %get3A_34 = arith.constant 0 : index
    %get3A_35 = arith.constant 0 : index
    %get3A_36 = vector.load %arg1[%get3A_34, %get3A_35] : memref<1024x128xf32, #tpu.memory_space<vmem>>, vector<1024x128xf32>
    %mul3A_37 = arith.mulf %get3A_36, %dot_general3A_10 : vector<1024x128xf32>
    %add3A_38 = arith.addf %add3A_33, %mul3A_37 : vector<1024x128xf32>
    %add3A_39 = arith.constant 1.000000e-16 : f32
    %add3A_40 = vector.broadcast %add3A_39 : f32 to vector<1024x128xf32>
    %add3A_41 = arith.addf %add3A_22, %add3A_40 : vector<1024x128xf32>
    %div3A = arith.divf %add3A_38, %add3A_41 : vector<1024x128xf32>
    %get3A_42 = arith.constant 0 : index
    %get3A_43 = arith.constant 0 : index
    %get3A_44 = vector.load %arg6[%get3A_42, %get3A_43] : memref<1x128xf32, #tpu.memory_space<vmem>>, vector<1x128xf32>
    %add3A_45 = vector.broadcast %get3A_44 : vector<1x128xf32> to vector<1024x128xf32>
    %add3A_46 = arith.addf %div3A, %add3A_45 : vector<1024x128xf32>
    %swap3A = arith.constant 0 : index
    %swap3A_47 = arith.constant 0 : index
    %swap3A_48 = vector.load %arg8[%swap3A, %swap3A_47] : memref<1024x128xf32, #tpu.memory_space<vmem>>, vector<1024x128xf32>
    tpu.vector_store %arg8[%swap3A, %swap3A_47], %add3A_46 {strides = array<i32>} : memref<1024x128xf32, #tpu.memory_space<vmem>>, vector<1024x128xf32>,
    return
  }
  func.func @transform_0(%arg0: i32) -> (i32, i32) {
    %c0_i32 = arith.constant 0 : i32
    %c0_i32_0 = arith.constant 0 : i32
    return %arg0, %c0_i32 : i32, i32
  }
  func.func @transform_1(%arg0: i32) -> (i32, i32) {
    %c0_i32 = arith.constant 0 : i32
    %c0_i32_0 = arith.constant 0 : i32
    return %arg0, %c0_i32 : i32, i32
  }
  func.func @transform_2(%arg0: i32) -> (i32, i32) {
    %c0_i32 = arith.constant 0 : i32
    %c0_i32_0 = arith.constant 0 : i32
    return %arg0, %c0_i32 : i32, i32
  }
  func.func @transform_3(%arg0: i32) -> (i32, i32, i32) {
    %c0_i32 = arith.constant 0 : i32
    %c0_i32_0 = arith.constant 0 : i32
    %c0_i32_1 = arith.constant 0 : i32
    return %c0_i32, %arg0, %c0_i32_0 : i32, i32, i32
  }
  func.func @transform_4(%arg0: i32) -> (i32, i32, i32) {
    %c0_i32 = arith.constant 0 : i32
    %c0_i32_0 = arith.constant 0 : i32
    %c0_i32_1 = arith.constant 0 : i32
    return %c0_i32, %arg0, %c0_i32_0 : i32, i32, i32
  }
  func.func @transform_5(%arg0: i32) -> (i32, i32) {
    %c0_i32 = arith.constant 0 : i32
    %c0_i32_0 = arith.constant 0 : i32
    %c0_i32_1 = arith.constant 0 : i32
    return %c0_i32, %c0_i32_0 : i32, i32
  }
  func.func @transform_6(%arg0: i32) -> (i32, i32) {
    %c0_i32 = arith.constant 0 : i32
    %c0_i32_0 = arith.constant 0 : i32
    %c0_i32_1 = arith.constant 0 : i32
    return %c0_i32, %c0_i32_0 : i32, i32
  }
  func.func @transform_7(%arg0: i32) -> (i32, i32) {
    %c0_i32 = arith.constant 0 : i32
    %c0_i32_0 = arith.constant 0 : i32
    return %arg0, %c0_i32 : i32, i32
  }
}

module attributes {stable_mosaic.version = 14 : i64} {
  func.func @_mid_body(%arg0: i32, %arg1: memref<1024x128xf32, #tpu.memory_space<vmem>>, %arg2: memref<1024x128xf32, #tpu.memory_space<vmem>>, %arg3: memref<1024x128xf32, #tpu.memory_space<vmem>>, %arg4: memref<2x1024x128xf32, #tpu.memory_space<vmem>>, %arg5: memref<2x1024x128xf32, #tpu.memory_space<vmem>>, %arg6: memref<1x128xf32, #tpu.memory_space<vmem>>, %arg7: memref<128x128xf32, #tpu.memory_space<vmem>>, %arg8: memref<128x128xf32, #tpu.memory_space<vmem>>, %arg9: memref<128x128xf32, #tpu.memory_space<vmem>>, %arg10: memref<128x128xf32, #tpu.memory_space<vmem>>, %arg11: memref<1024x128xf32, #tpu.memory_space<vmem>>, %arg12: memref<1024x128xf32, #tpu.memory_space<vmem>>, %arg13: memref<1024x128xf32, #tpu.memory_space<vmem>>) attributes {dimension_semantics = [#tpu.dimension_semantics<arbitrary>], iteration_bounds = array<i64: 10>, scalar_prefetch = 0 : i64, scratch_operands = 0 : i64, tpu.core_type = #tpu.core_type<tc>, window_params = [{transform_indices = @transform_0, window_bounds = array<i64: 1024, 128>}, {transform_indices = @transform_1, window_bounds = array<i64: 1024, 128>}, {transform_indices = @transform_2, window_bounds = array<i64: 1024, 128>}, {transform_indices = @transform_3, window_bounds = array<i64: 2, 1024, 128>}, {transform_indices = @transform_4, window_bounds = array<i64: 2, 1024, 128>}, {pipeline_mode = #tpu.pipeline_mode<synchronous>, transform_indices = @transform_5, window_bounds = array<i64: 1, 128>}, {pipeline_mode = #tpu.pipeline_mode<synchronous>, transform_indices = @transform_6, window_bounds = array<i64: 128, 128>}, {pipeline_mode = #tpu.pipeline_mode<synchronous>, transform_indices = @transform_7, window_bounds = array<i64: 128, 128>}, {pipeline_mode = #tpu.pipeline_mode<synchronous>, transform_indices = @transform_8, window_bounds = array<i64: 128, 128>}, {pipeline_mode = #tpu.pipeline_mode<synchronous>, transform_indices = @transform_9, window_bounds = array<i64: 128, 128>}, {transform_indices = @transform_10, window_bounds = array<i64: 1024, 128>}, {transform_indices = @transform_11, window_bounds = array<i64: 1024, 128>}, {transform_indices = @transform_12, window_bounds = array<i64: 1024, 128>}]} {
    %get3A = arith.constant 0 : index
    %get3A_0 = arith.constant 0 : index
    %get3A_1 = vector.load %arg2[%get3A, %get3A_0] : memref<1024x128xf32, #tpu.memory_space<vmem>>, vector<1024x128xf32>
    %get3A_2 = arith.constant 0 : index
    %get3A_3 = arith.constant 0 : index
    %get3A_4 = vector.load %arg3[%get3A_2, %get3A_3] : memref<1024x128xf32, #tpu.memory_space<vmem>>, vector<1024x128xf32>
    %add3A = arith.addf %get3A_1, %get3A_4 : vector<1024x128xf32>
    %mul3A = arith.constant 2.000000e-01 : f32
    %mul3A_5 = vector.broadcast %mul3A : f32 to vector<1024x128xf32>
    %mul3A_6 = arith.mulf %mul3A_5, %add3A : vector<1024x128xf32>
    %max3A = arith.maximumf %add3A, %mul3A_6 : vector<1024x128xf32>
    %exp3A = math.exp %max3A : vector<1024x128xf32>
    %get3A_7 = arith.constant 0 : index
    %get3A_8 = arith.constant 0 : index
    %get3A_9 = vector.load %arg7[%get3A_7, %get3A_8] : memref<128x128xf32, #tpu.memory_space<vmem>>, vector<128x128xf32>
    %dot_general3A = arith.constant dense<0.000000e+00> : vector<1024x128xf32>
    %dot_general3A_10 = tpu.matmul %exp3A, %get3A_9, %dot_general3A {dimension_numbers = #tpu.dot_dimension_numbers<[1], [0], [0], [1], [0, 0, 1, 1], [], []>, transpose_lhs_hint = false} : vector<1024x128xf32>, vector<128x128xf32>, vector<1024x128xf32> -> vector<1024x128xf32>
    %get3A_11 = arith.constant 0 : index
    %get3A_12 = arith.constant 0 : index
    %get3A_13 = arith.constant 0 : index
    %get3A_14 = vector.load %arg5[%get3A_11, %get3A_12, %get3A_13] : memref<2x1024x128xf32, #tpu.memory_space<vmem>>, vector<1x1024x128xf32>
    %get3A_15 = vector.shape_cast %get3A_14 : vector<1x1024x128xf32> to vector<1024x128xf32>
    %get3A_16 = arith.constant 1 : index
    %get3A_17 = arith.constant 0 : index
    %get3A_18 = arith.constant 0 : index
    %get3A_19 = vector.load %arg5[%get3A_16, %get3A_17, %get3A_18] : memref<2x1024x128xf32, #tpu.memory_space<vmem>>, vector<1x1024x128xf32>
    %get3A_20 = vector.shape_cast %get3A_19 : vector<1x1024x128xf32> to vector<1024x128xf32>
    %add3A_21 = arith.addf %get3A_15, %get3A_20 : vector<1024x128xf32>
    %add3A_22 = arith.addf %add3A_21, %dot_general3A_10 : vector<1024x128xf32>
    %get3A_23 = arith.constant 0 : index
    %get3A_24 = arith.constant 0 : index
    %get3A_25 = arith.constant 0 : index
    %get3A_26 = vector.load %arg4[%get3A_23, %get3A_24, %get3A_25] : memref<2x1024x128xf32, #tpu.memory_space<vmem>>, vector<1x1024x128xf32>
    %get3A_27 = vector.shape_cast %get3A_26 : vector<1x1024x128xf32> to vector<1024x128xf32>
    %get3A_28 = arith.constant 1 : index
    %get3A_29 = arith.constant 0 : index
    %get3A_30 = arith.constant 0 : index
    %get3A_31 = vector.load %arg4[%get3A_28, %get3A_29, %get3A_30] : memref<2x1024x128xf32, #tpu.memory_space<vmem>>, vector<1x1024x128xf32>
    %get3A_32 = vector.shape_cast %get3A_31 : vector<1x1024x128xf32> to vector<1024x128xf32>
    %add3A_33 = arith.addf %get3A_27, %get3A_32 : vector<1024x128xf32>
    %get3A_34 = arith.constant 0 : index
    %get3A_35 = arith.constant 0 : index
    %get3A_36 = vector.load %arg1[%get3A_34, %get3A_35] : memref<1024x128xf32, #tpu.memory_space<vmem>>, vector<1024x128xf32>
    %mul3A_37 = arith.mulf %get3A_36, %dot_general3A_10 : vector<1024x128xf32>
    %add3A_38 = arith.addf %add3A_33, %mul3A_37 : vector<1024x128xf32>
    %add3A_39 = arith.constant 1.000000e-16 : f32
    %add3A_40 = vector.broadcast %add3A_39 : f32 to vector<1024x128xf32>
    %add3A_41 = arith.addf %add3A_22, %add3A_40 : vector<1024x128xf32>
    %div3A = arith.divf %add3A_38, %add3A_41 : vector<1024x128xf32>
    %get3A_42 = arith.constant 0 : index
    %get3A_43 = arith.constant 0 : index
    %get3A_44 = vector.load %arg6[%get3A_42, %get3A_43] : memref<1x128xf32, #tpu.memory_space<vmem>>, vector<1x128xf32>
    %add3A_45 = vector.broadcast %get3A_44 : vector<1x128xf32> to vector<1024x128xf32>
    %add3A_46 = arith.addf %div3A, %add3A_45 : vector<1024x128xf32>
    %max3A_47 = arith.constant 0.000000e+00 : f32
    %max3A_48 = vector.broadcast %max3A_47 : f32 to vector<1024x128xf32>
    %max3A_49 = arith.maximumf %add3A_46, %max3A_48 : vector<1024x128xf32>
    %get3A_50 = arith.constant 0 : index
    %get3A_51 = arith.constant 0 : index
    %get3A_52 = vector.load %arg8[%get3A_50, %get3A_51] : memref<128x128xf32, #tpu.memory_space<vmem>>, vector<128x128xf32>
    %dot_general3A_53 = arith.constant dense<0.000000e+00> : vector<1024x128xf32>
    %dot_general3A_54 = tpu.matmul %max3A_49, %get3A_52, %dot_general3A_53 {dimension_numbers = #tpu.dot_dimension_numbers<[1], [0], [0], [1], [0, 0, 1, 1], [], []>, transpose_lhs_hint = false} : vector<1024x128xf32>, vector<128x128xf32>, vector<1024x128xf32> -> vector<1024x128xf32>
    %swap3A = arith.constant 0 : index
    %swap3A_55 = arith.constant 0 : index
    %swap3A_56 = vector.load %arg11[%swap3A, %swap3A_55] : memref<1024x128xf32, #tpu.memory_space<vmem>>, vector<1024x128xf32>
    tpu.vector_store %arg11[%swap3A, %swap3A_55], %dot_general3A_54 {strides = array<i32>} : memref<1024x128xf32, #tpu.memory_space<vmem>>, vector<1024x128xf32>,
    %get3A_57 = arith.constant 0 : index
    %get3A_58 = arith.constant 0 : index
    %get3A_59 = vector.load %arg9[%get3A_57, %get3A_58] : memref<128x128xf32, #tpu.memory_space<vmem>>, vector<128x128xf32>
    %dot_general3A_60 = arith.constant dense<0.000000e+00> : vector<1024x128xf32>
    %dot_general3A_61 = tpu.matmul %dot_general3A_54, %get3A_59, %dot_general3A_60 {dimension_numbers = #tpu.dot_dimension_numbers<[1], [0], [0], [1], [0, 0, 1, 1], [], []>, transpose_lhs_hint = false} : vector<1024x128xf32>, vector<128x128xf32>, vector<1024x128xf32> -> vector<1024x128xf32>
    %swap3A_62 = arith.constant 0 : index
    %swap3A_63 = arith.constant 0 : index
    %swap3A_64 = vector.load %arg12[%swap3A_62, %swap3A_63] : memref<1024x128xf32, #tpu.memory_space<vmem>>, vector<1024x128xf32>
    tpu.vector_store %arg12[%swap3A_62, %swap3A_63], %dot_general3A_61 {strides = array<i32>} : memref<1024x128xf32, #tpu.memory_space<vmem>>, vector<1024x128xf32>,
    %get3A_65 = arith.constant 0 : index
    %get3A_66 = arith.constant 0 : index
    %get3A_67 = vector.load %arg10[%get3A_65, %get3A_66] : memref<128x128xf32, #tpu.memory_space<vmem>>, vector<128x128xf32>
    %dot_general3A_68 = arith.constant dense<0.000000e+00> : vector<1024x128xf32>
    %dot_general3A_69 = tpu.matmul %dot_general3A_54, %get3A_67, %dot_general3A_68 {dimension_numbers = #tpu.dot_dimension_numbers<[1], [0], [0], [1], [0, 0, 1, 1], [], []>, transpose_lhs_hint = false} : vector<1024x128xf32>, vector<128x128xf32>, vector<1024x128xf32> -> vector<1024x128xf32>
    %swap3A_70 = arith.constant 0 : index
    %swap3A_71 = arith.constant 0 : index
    %swap3A_72 = vector.load %arg13[%swap3A_70, %swap3A_71] : memref<1024x128xf32, #tpu.memory_space<vmem>>, vector<1024x128xf32>
    tpu.vector_store %arg13[%swap3A_70, %swap3A_71], %dot_general3A_69 {strides = array<i32>} : memref<1024x128xf32, #tpu.memory_space<vmem>>, vector<1024x128xf32>,
    return
  }
  func.func @transform_0(%arg0: i32) -> (i32, i32) {
    %c0_i32 = arith.constant 0 : i32
    %c0_i32_0 = arith.constant 0 : i32
    return %arg0, %c0_i32 : i32, i32
  }
  func.func @transform_1(%arg0: i32) -> (i32, i32) {
    %c0_i32 = arith.constant 0 : i32
    %c0_i32_0 = arith.constant 0 : i32
    return %arg0, %c0_i32 : i32, i32
  }
  func.func @transform_2(%arg0: i32) -> (i32, i32) {
    %c0_i32 = arith.constant 0 : i32
    %c0_i32_0 = arith.constant 0 : i32
    return %arg0, %c0_i32 : i32, i32
  }
  func.func @transform_3(%arg0: i32) -> (i32, i32, i32) {
    %c0_i32 = arith.constant 0 : i32
    %c0_i32_0 = arith.constant 0 : i32
    %c0_i32_1 = arith.constant 0 : i32
    return %c0_i32, %arg0, %c0_i32_0 : i32, i32, i32
  }
  func.func @transform_4(%arg0: i32) -> (i32, i32, i32) {
    %c0_i32 = arith.constant 0 : i32
    %c0_i32_0 = arith.constant 0 : i32
    %c0_i32_1 = arith.constant 0 : i32
    return %c0_i32, %arg0, %c0_i32_0 : i32, i32, i32
  }
  func.func @transform_5(%arg0: i32) -> (i32, i32) {
    %c0_i32 = arith.constant 0 : i32
    %c0_i32_0 = arith.constant 0 : i32
    %c0_i32_1 = arith.constant 0 : i32
    return %c0_i32, %c0_i32_0 : i32, i32
  }
  func.func @transform_6(%arg0: i32) -> (i32, i32) {
    %c0_i32 = arith.constant 0 : i32
    %c0_i32_0 = arith.constant 0 : i32
    %c0_i32_1 = arith.constant 0 : i32
    return %c0_i32, %c0_i32_0 : i32, i32
  }
  func.func @transform_7(%arg0: i32) -> (i32, i32) {
    %c0_i32 = arith.constant 0 : i32
    %c0_i32_0 = arith.constant 0 : i32
    %c0_i32_1 = arith.constant 0 : i32
    return %c0_i32, %c0_i32_0 : i32, i32
  }
  func.func @transform_8(%arg0: i32) -> (i32, i32) {
    %c0_i32 = arith.constant 0 : i32
    %c0_i32_0 = arith.constant 0 : i32
    %c0_i32_1 = arith.constant 0 : i32
    return %c0_i32, %c0_i32_0 : i32, i32
  }
  func.func @transform_9(%arg0: i32) -> (i32, i32) {
    %c0_i32 = arith.constant 0 : i32
    %c0_i32_0 = arith.constant 0 : i32
    %c0_i32_1 = arith.constant 0 : i32
    return %c0_i32, %c0_i32_0 : i32, i32
  }
  func.func @transform_10(%arg0: i32) -> (i32, i32) {
    %c0_i32 = arith.constant 0 : i32
    %c0_i32_0 = arith.constant 0 : i32
    return %arg0, %c0_i32 : i32, i32
  }
  func.func @transform_11(%arg0: i32) -> (i32, i32) {
    %c0_i32 = arith.constant 0 : i32
    %c0_i32_0 = arith.constant 0 : i32
    return %arg0, %c0_i32 : i32, i32
  }
  func.func @transform_12(%arg0: i32) -> (i32, i32) {
    %c0_i32 = arith.constant 0 : i32
    %c0_i32_0 = arith.constant 0 : i32
    return %arg0, %c0_i32 : i32, i32
  }
}

</mosaic_0001>

<sc_bundles>
// kernel: kernel.12.cloned.1.call-start
scs
__scs_entry_jumppad:
0x0: {  	(pc) =	sbr.rel $0x88, $3  }
0x1: {  	(tag) =	ssettag $0x0;
	lr =	simm.s32 $0x1  }
0x2: {  	[smem:$0x3F97] =	sst lr;
	_ =	strace $0xD0000000  }
0x3: {  	_ = 	snop  }
0x4: {  	_ = 	snop  }
0x5: {  	_ = 	snop  }
0x6: {  	_ = 	snop  }
0x7: {  	_ = 	snop  }
__scs_overlays_trampoline_lowered:
0x8: {  	[smem:$0x3FA6] =	sst s0  }
0x9: {  	[smem:$0x3FA7] =	sst s1  }
0xa: {  	[smem:$0x3FA8] =	sst s2  }
0xb: {  	[smem:$0x3FA9] =	sst s3  }
0xc: {  	[smem:$0x3FAA] =	sst s4  }
0xd: {  	[smem:$0x3FAB] =	sst s5  }
0xe: {  	[smem:$0x3FAC] =	sst s6  }
0xf: {  	[smem:$0x3FAD] =	sst s7  }
0x10: {  	[smem:$0x3FAE] =	sst s8  }
0x11: {  	[smem:$0x3FAF] =	sst s9;
	s0 =	simm.s32 @!p0 $0x0  }
0x12: {  	s1 =	sld [smem:$0x3F95];
	s0 =	simm.s32 @p0 $0x1  }
0x13: {  	[smem:$0x3FB0] =	sst s0;
	s0 =	simm.s32 @!p1 $0x0  }
0x14: {  	s2 =	sld [smem:$0x3F94];
	s0 =	simm.s32 @p1 $0x1  }
0x15: {  	[smem:$0x3FB1] =	sst s0;
	s0 =	simm.s32 @!p2 $0x0  }
0x16: {  	s3 =	sld [smem:$0x3FDB];
	s0 =	simm.s32 @p2 $0x1  }
0x17: {  	s4 =	simm.s32 $0x1BF5;
	[smem:$0x3FB3] =	sst s0  }
0x18: {  	s0 =	sld [smem:$0x3F96];
	_ =	swait.ge [sflag:s4], $0x0  }
0x19: {  	s7 =	sld [smem:$0x3F97]  }
0x1a: {  	s8 =	sadd.s32 $0xFFFFE003, lr  }
0x1b: {  	s9 =	sadd.s32 $0xFFFFFEF7, lr;
	s5 =	simm.s32 $0xFFFFFFFF;
	p2 =	slt.u32 s8, $0xFFFFF086  }
0x1c: {  	p1 =	slt.u32 s9, $0xF7A;
	s5 =	simm.s32 @!p2 $0x0  }
0x1d: {  	s5 =	simm.s32 @p1 $0x1;
	p0 =	seq.s32 s7, s2  }
0x1e: {  	s7 =	smul.u32 @!p0 $0xF7A, s2;
	p2 =	seq.s32 @!p0 s5, $0x0  }
0x1f: {  	s9 =	smul.u32 $0xF7A, s1;
	s8 =	simm.s32 @!p0 $0x1BF5;
	p2 =	por !p2, p0  }
0x20: {  	[sflag:s8] =	ssyncset.s32 @!p0 $0xFFFFF086;
	s6 =	sadd.s32 @!p0 s3, s7;
	s7 =	simm.s32 @!p0 $0x108  }
0x21: {  	s3 =	sadd.s32 s3, s9;
	s6 =	sadd.s32 @!p0 $0x88, s6;
	s7 =	simm.s32 @p2 $0x1082  }
0x22: {  	[simem:s7], [sflag:s8] =	dma.local @!p0 [hbm:s6], $0xF7A  }
0x23: {  	s9 =	sor.u32 $0xD0000000, s2;
	s6 =	simm.s32 $0x108;
	_ =	swait.ge @!p0 [sflag:s8], $0x0  }
0x24: {  	s3 =	sadd.s32 $0x88, s3;
	s6 =	simm.s32 @!p1 $0x1082;
	[sflag:s4] =	ssyncset.s32 $0xFFFFF086  }
0x25: {  	[simem:s6], [sflag:s4] =	dma.local [hbm:s3], $0xF7A  }
0x26: {  	[smem:$0x3F97] =	sst s1;
	(tag) =	ssettag s2;
	_ =	strace s9  }
0x27: {  	s1 =	sld [smem:$0x3FA7]  }
0x28: {  	s2 =	sld [smem:$0x3FA8]  }
0x29: {  	s4 =	sld [smem:$0x3FAA]  }
0x2a: {  	p0 =	seq.s32 s5, $0x0;
	s5 =	sld [smem:$0x3FAB]  }
0x2b: {  	s6 =	sld [smem:$0x3FAC]  }
0x2c: {  	s7 =	sld [smem:$0x3FAD]  }
0x2d: {  	s3 =	simm.s32 $0x108;
	s8 =	sld [smem:$0x3FAE]  }
0x2e: {  	s3 =	simm.s32 @!p0 $0x1082;
	s9 =	sld [smem:$0x3FAF]  }
0x2f: {  	lr =	sadd.s32 s0, s3;
	s0 =	sld [smem:$0x3FA6]  }
0x30: {  	s3 =	sld [smem:$0x3FA9]  }
0x31: {  	[smem:$0x3FB2] =	sst s10  }
0x32: {  	s10 =	sld [smem:$0x3FB0];
	_ =	sdelay $0x3  }
0x33: {  	p0 =	seq.s32 s10, $0x1;
	s10 =	sld [smem:$0x3FB2];
	_ =	sdelay $0x3  }
0x34: {  	[smem:$0x3FB2] =	sst s10  }
0x35: {  	s10 =	sld [smem:$0x3FB1];
	_ =	sdelay $0x3  }
0x36: {  	p1 =	seq.s32 s10, $0x1;
	s10 =	sld [smem:$0x3FB2];
	_ =	sdelay $0x3  }
0x37: {  	[smem:$0x3FB2] =	sst s10  }
0x38: {  	s10 =	sld [smem:$0x3FB3]  }
0x39: {  	_ = 	snop;
	(pc) =	sbr.ind lr, $3  }
0x3a: {  	_ = 	snop  }
0x3b: {  	_ = 	snop  }
0x3c: {  	p2 =	seq.s32 s10, $0x1;
	s10 =	sld [smem:$0x3FB2]  }
0x3d: {  	_ =	shalt  }
0x3e: {  	_ =	shalt  }
0x3f: {  	_ =	shalt  }
0x40: {  	_ =	shalt  }
0x41: {  	_ =	shalt  }
0x42: {  	_ =	shalt  }
0x43: {  	_ =	shalt  }
0x44: {  	_ =	shalt  }
0x45: {  	_ =	shalt  }
0x46: {  	_ =	shalt  }
0x47: {  	_ =	shalt  }
0x48: {  	_ =	shalt  }
0x49: {  	_ =	shalt  }
0x4a: {  	_ =	shalt  }
0x4b: {  	_ =	shalt  }
0x4c: {  	_ =	shalt  }
0x4d: {  	_ =	shalt  }
0x4e: {  	_ =	shalt  }
0x4f: {  	_ =	shalt  }
0x50: {  	_ =	shalt  }
0x51: {  	_ =	shalt  }
0x52: {  	_ =	shalt  }
0x53: {  	_ =	shalt  }
0x54: {  	_ =	shalt  }
0x55: {  	_ =	shalt  }
0x56: {  	_ =	shalt  }
0x57: {  	_ =	shalt  }
0x58: {  	_ =	shalt  }
0x59: {  	_ =	shalt  }
0x5a: {  	_ =	shalt  }
0x5b: {  	_ =	shalt  }
0x5c: {  	_ =	shalt  }
0x5d: {  	_ =	shalt  }
0x5e: {  	_ =	shalt  }
0x5f: {  	_ =	shalt  }
0x60: {  	_ =	shalt  }
0x61: {  	_ =	shalt  }
0x62: {  	_ =	shalt  }
0x63: {  	_ =	shalt  }
0x64: {  	_ =	shalt  }
0x65: {  	_ =	shalt  }
0x66: {  	_ =	shalt  }
0x67: {  	_ =	shalt  }
0x68: {  	_ =	shalt  }
0x69: {  	_ =	shalt  }
0x6a: {  	_ =	shalt  }
0x6b: {  	_ =	shalt  }
0x6c: {  	_ =	shalt  }
0x6d: {  	_ =	shalt  }
0x6e: {  	_ =	shalt  }
0x6f: {  	_ =	shalt  }
0x70: {  	_ =	shalt  }
0x71: {  	_ =	shalt  }
0x72: {  	_ =	shalt  }
0x73: {  	_ =	shalt  }
0x74: {  	_ =	shalt  }
0x75: {  	_ =	shalt  }
0x76: {  	_ =	shalt  }
0x77: {  	_ =	shalt  }
0x78: {  	_ =	shalt  }
0x79: {  	_ =	shalt  }
0x7a: {  	_ =	shalt  }
0x7b: {  	_ =	shalt  }
0x7c: {  	_ =	shalt  }
0x7d: {  	_ =	shalt  }
0x7e: {  	_ =	shalt  }
0x7f: {  	_ =	shalt  }
0x80: {  	_ =	shalt  }
0x81: {  	_ =	shalt  }
0x82: {  	_ =	shalt  }
0x83: {  	_ =	shalt  }
0x84: {  	_ =	shalt  }
0x85: {  	_ =	shalt  }
0x86: {  	_ =	shalt  }
0x87: {  	_ =	shalt  }
.Lfunc_end0:
.L_simem_size_0:
called_computation.1_lowered:
.L_overlay_start_0:
0x88: {  	s2 =	sld [smem:$0x3FD9]  }
0x89: {  	s3 =	sld [smem:$0x3FFE];
	_ =	sdelay $0x1  }
0x8a: {  	s1 =	srdreg.scid  }
0x8b: {  	s0 =	sand.u32 $0x1, s1  }
0x8c: {  	s16 =	sshll.u32 s0, $0xA;
	s2 =	sadd.s32 s3, s2  }
0x8d: {  	s2 =	sadd.s32 s2, s16  }
0x8e: {  	[smem:$0x3FBE] =	sst s2  }
0x8f: {  	_ = 	snop  }
0x90: {  	(tm) =	ssettm $0x1  }
0x91: {  	s17 =	sld [smem:$0x3FFB];
	_ =	sdelay $0x3  }
0x92: {  	_ =	strace s17  }
0x93: {  	s2 =	sld [smem:$0x3FFC];
	_ =	sdelay $0x3  }
0x94: {  	_ =	strace s2  }
0x95: {  	s2 =	sld [smem:$0x3FFD];
	_ =	sdelay $0x3  }
0x96: {  	_ =	strace s2  }
0x97: {  	_ =	strace $0x8FFFFFFF  }
0x98: {  	s18 =	sld [smem:$0x3FDB];
	_ =	sdelay $0x1  }
0x99: {  	s19 =	simm.s32 $_scs_section_size  }
0x9a: {  	s4 =	simm.s32 $_size__tile_overlayer_lowered;
	s5 =	simm.s32 $_tile_overlayer_lowered  }
0x9b: {  	s22 =	simm.s32 $0x1BFF;
	s21 =	sshll.u32 s5, $0x1;
	s2 =	sadd.s32 s19, s18  }
0x9c: {  	s6 =	simm.s32 $0x0;
	s20 =	sshll.u32 s4, $0x1;
	s4 =	sadd.s32 s21, s2  }
0x9d: {  	[timem:s6], [sflag:s22] =	dma.local [hbm:s4], s20  }
0x9e: {  	_ =	swait.ge [sflag:s22], s20  }
0x9f: {  	s3 =	ssub.s32 $0x0, s20;
	[sflag:s22] =	ssyncset.done $0x0  }
0xa0: {  	[sflag:s22] =	ssyncadd.s32 s3;
	_ =	sdelay $0x1  }
0xa1: {  	s23 =	simm.s32 $0x1B8B  }
0xa2: {  	_ =	swait.ge [sflag:s23], $0x1  }
0xa3: {  	[sflag:s23] =	ssyncset.done $0x0  }
0xa4: {  	s25 =	simm.s32 $0x1B8E;
	s24 =	sld [smem:$0x3FFE];
	[sflag:s23] =	ssyncadd.s32 $0xFFFFFFFF  }
0xa5: {  	s26 =	simm.s32 $execute0_lowered;
	[smem:$0x3FD2] =	sst s25  }
0xa6: {  	s4 =	sshll.u32 s26, $0x1;
	_ =	strace $0x80000049;
	[dreg:$0x1] =	wrdreg $0xFFFFFFFF  }
0xa7: {  	s28 =	simm.s32 $_size_execute0_lowered;
	s2 =	sadd.s32 s2, s4;
	[dreg:$0x0] =	wrdreg $0x0  }
0xa8: {  	s4 =	sshll.u32 s28, $0x1;
	[dreg:$0x2] =	wrdreg s2  }
0xa9: {  	[dreg:$0x3] =	wrdreg s4  }
0xaa: {  	[dreg:$0x4] =	wrdreg $0xC0  }
0xab: {  	_ =	task [dreg:s6], $0x5FFFF  }
0xac: {  	[dreg:$0x1] =	wrdreg $0xFFFFFFFF  }
0xad: {  	[dreg:$0x0] =	wrdreg $0x60  }
0xae: {  	[dreg:$0x2] =	wrdreg s24  }
0xaf: {  	[dreg:$0x3] =	wrdreg $0x88000  }
0xb0: {  	[dreg:$0x4] =	wrdreg $0x9  }
0xb1: {  	_ =	task.clear_ibuf [dreg:s6], $0x5FFFF;
	_ =	strace $0x90000049  }
0xb2: {  	s29 =	simm.s32 $0x9;
	_ =	strace $0x8000004B  }
0xb3: {  	_ =	swait.ge [sflag:s29], $0x1  }
0xb4: {  	[sflag:s29] =	ssyncadd.s32 $0xFFFFFFFF  }
0xb5: {  	_ =	strace $0x9000004B  }
0xb6: {  	_ =	sfence  }
0xb7: {  	s30 =	sld [smem:$0x0];
	_ =	sdelay $0x2  }
0xb8: {  	s31 =	sshll.u32 s1, $0xD;
	s1 =	sshrl.u32 s1, $0x2  }
0xb9: {  	s3 =	sand.u32 $0x4000, s31;
	s1 =	sadd.s32 s1, s30  }
0xba: {  	s0 =	sor.u32 s3, s0;
	s1 =	sshll.u32 s1, $0x11  }
0xbb: {  	s0 =	sor.u32 s1, s0  }
0xbc: {  	s0 =	sadd.s32 $0x8F2B, s0  }
0xbd: {  	[sflag:s0] =	ssyncadd.remote.s32 $0x1  }
0xbe: {  	_ =	sfence.sel $0xFFFF  }
0xbf: {  	[dreg:$0x0] =	wrdreg $0xFFFFFFFF;
	(pc) =	sbr.abs _section_cstart, $3  }
0xc0: {  	[dreg:$0x1] =	wrdreg $0xFFFFFFFF  }
0xc1: {  	_ =	task.clear_ibuf [dreg:s6], $0x2FFFF;
	_ =	strace $0x9FFFFFFF  }
0xc2: {  	(tm) =	ssettm $0x7FFFFFFF  }
0xc3: {  	_ =	shalt  }
tec
execute0_lowered:
.L_overlay_start_1:
0x0: {  	(tag) =	ssettag $0x1  }
0x1: {  	s0 =	rddreg [dreg:$0x0]  }
0x2: {  	s1 =	rddreg [dreg:$0x1];
	s2 =	simm.s32 $0x0;
	s3 =	srdreg.scid  }
0x3: {  	s10 =	stileid.u32;
	s28 =	simm.s32 $0x0;
	[smem:$0x7FF] =	sst s2  }
0x4: {  	s4 =	sadd.s32 $0x99800, s0;
	s3 =	sand.u32 $0x1, s3;
	s5 =	sadd.s32 $0x3800, s0  }
0x5: {  	s0 =	sadd.s32 $0x5E9800, s0;
	s8 =	smul.u32 $0x50000, s10;
	s20 =	sshll.u32 s10, $0x1  }
0x6: {  	s19 =	smul.u32 $0x280, s10;
	_ =	strace $0x8000004A;
	s6 =	ssub.s32 $0x2, s3  }
0x7: {  	s21 =	sor.u32 s3, s20;
	s3 =	smul.u32 $0x2800, s3;
	s7 =	sshrl.u32 s6, $0x1  }
0x8: {  	s22 =	sshrl.u32 s8, $0x2;
	s14 =	sadd.s32 $0x80, s19;
	s16 =	sadd.s32 $0x100, s19  }
0x9: {  	s20 =	sadd.s32 $0x180, s19;
	s9 =	ssub.s32 s6, s7;
	s6 =	sadd.s32 s22, s1  }
0xa: {  	s7 =	smul.u32 $0x50, s21;
	s24 =	sadd.s32 s3, s19;
	s25 =	sadd.s32 s3, s14  }
0xb: {  	s14 =	sshll.u32 s14, $0x7;
	s26 =	sadd.s32 s3, s16;
	s16 =	sshll.u32 s16, $0x7  }
0xc: {  	s29 =	sshll.u32 s20, $0x7;
	s30 =	sadd.s32 s3, s20;
	s19 =	sadd.s32 $0x200, s19  }
0xd: {  	s22 =	simm.s32 $0x4800;
	s23 =	smax.u32 s9, $0x1;
	s9 =	sadd.s32 $0x4000, s6  }
0xe: {  	s10 =	sadd.s32 $0x8000, s6;
	s11 =	sadd.s32 $0xC000, s6;
	s8 =	sshll.u32 s24, $0x4  }
0xf: {  	s12 =	sadd.s32 $0x10000, s6;
	s14 =	sadd.s32 s14, s1;
	s16 =	sadd.s32 s16, s1  }
0x10: {  	s18 =	sadd.s32 s29, s1;
	s31 =	sshll.u32 s19, $0x7;
	s3 =	sadd.s32 s3, s19  }
0x11: {  	s24 =	simm.s32 $0x800;
	[dreg:$0x3] =	wrdreg s23;
	s13 =	sadd.s32 s0, s8  }
0x12: {  	s8 =	sshll.u32 s25, $0x4;
	s20 =	sadd.s32 s31, s1;
	s3 =	sshll.u32 s3, $0x4  }
0x13: {  	s23 =	simm.s32 $0x1;
	s15 =	sadd.s32 s0, s8;
	s8 =	sshll.u32 s26, $0x4  }
0x14: {  	s25 =	simm.s32 $0x80;
	s17 =	sadd.s32 s0, s8;
	s8 =	sshll.u32 s30, $0x4  }
0x15: {  	v0 =	vimm.f32 $0.0e+00;
	s21 =	sadd.s32 s0, s3;
	s26 =	simm.s32 $0x0;
	s19 =	sadd.s32 s0, s8  }
.LBB2_1:
0x16: {  	s0 =	simm.s32 $0x0;
	s3 =	simm.s32 $0x200  }
.LBB2_2:
0x17: {  	p0 =	sne.s32 s3, $0xFE00;
	[tilespmem:s0+$0x4870] =	vst v0  }
0x18: {  	[tilespmem:s0+$0x4800] =	vst v0  }
0x19: {  	[tilespmem:s0+$0x4810] =	vst v0  }
.Ltmp0:
0x1a: {  	[tilespmem:s0+$0x4820] =	vst v0;
	(pc) =	sbr.rel @p0 .LBB2_2-.Ltmp0, $4  }
0x1b: {  	[tilespmem:s0+$0x4830] =	vst v0  }
0x1c: {  	[tilespmem:s0+$0x4840] =	vst v0  }
0x1d: {  	[tilespmem:s0+$0x4850] =	vst v0  }
0x1e: {  	[tilespmem:s0+$0x4860] =	vst v0;
	s0 =	sshra.s32 s3, $0x2;
	s3 =	sadd.s32 $0x200, s3  }
0x1f: {  	[tilespmem:s0+$0x4870] =	vst v0  }
0x20: {  	[tilespmem:s0+$0x4800] =	vst v0  }
0x21: {  	[tilespmem:s0+$0x4810] =	vst v0  }
0x22: {  	[tilespmem:s0+$0x4820] =	vst v0  }
0x23: {  	[tilespmem:s0+$0x4830] =	vst v0  }
0x24: {  	[tilespmem:s0+$0x4840] =	vst v0  }
0x25: {  	[tilespmem:s0+$0x4850] =	vst v0  }
0x26: {  	[tilespmem:s0+$0x4860] =	vst v0  }
0x27: {  	[spmem:s6] =	stream.linear.scatter [tilespmem:s22], [sflag:$0x1], $0x4000, $0x38;
	[tilespmem:$0x1C800] =	vst v63  }
0x28: {  	_ =	swait.ge [sflag:s23], $0x4000  }
0x29: {  	[sflag:s23] =	ssyncset.done $0x0  }
0x2a: {  	[sflag:s23] =	ssyncadd.s32 $0xFFFFC000  }
0x2b: {  	[spmem:s9] =	stream.linear.scatter [tilespmem:s22], [sflag:$0x1], $0x4000, $0x38;
	[tilespmem:$0x1C800] =	vst v63  }
0x2c: {  	_ =	swait.ge [sflag:s23], $0x4000  }
0x2d: {  	[sflag:s23] =	ssyncset.done $0x0  }
0x2e: {  	[sflag:s23] =	ssyncadd.s32 $0xFFFFC000  }
0x2f: {  	[spmem:s10] =	stream.linear.scatter [tilespmem:s22], [sflag:$0x1], $0x4000, $0x38;
	[tilespmem:$0x1C800] =	vst v63  }
0x30: {  	_ =	swait.ge [sflag:s23], $0x4000  }
0x31: {  	[sflag:s23] =	ssyncset.done $0x0  }
0x32: {  	[sflag:s23] =	ssyncadd.s32 $0xFFFFC000  }
0x33: {  	[spmem:s11] =	stream.linear.scatter [tilespmem:s22], [sflag:$0x1], $0x4000, $0x38;
	[tilespmem:$0x1C800] =	vst v63  }
0x34: {  	_ =	swait.ge [sflag:s23], $0x4000  }
0x35: {  	[sflag:s23] =	ssyncset.done $0x0  }
0x36: {  	[sflag:s23] =	ssyncadd.s32 $0xFFFFC000  }
0x37: {  	[spmem:s12] =	stream.linear.scatter [tilespmem:s22], [sflag:$0x1], $0x4000, $0x38;
	[tilespmem:$0x1C800] =	vst v63  }
0x38: {  	_ =	swait.ge [sflag:s23], $0x4000  }
0x39: {  	[sflag:s23] =	ssyncset.done $0x0  }
0x3a: {  	[sflag:s23] =	ssyncadd.s32 $0xFFFFC000  }
0x3b: {  	s29 =	simm.s32 $0x0;
	[bflag:$0x0] =	sbarrier.arrive $0xFFFF  }
.LBB2_4:
0x3c: {  	s0 =	sshll.u32 s29, $0x4  }
0x3d: {  	s30 =	sadd.s32 s7, s0  }
0x3e: {  	s0 =	sshll.u32 s30, $0x4  }
0x3f: {  	s0 =	sadd.s32 s5, s0  }
0x40: {  	[tilespmem:s28], [sflag:$0x1] =	stream.linear.gather [hbm4b:s0+s28], $0x800, $0x38;
	[tilespmem:$0x1C800] =	vst v63  }
0x41: {  	_ =	swait.ge [sflag:s23], $0x800  }
0x42: {  	[sflag:s23] =	ssyncset.done $0x0  }
0x43: {  	s31 =	simm.s32 $0x0;
	[sflag:s23] =	ssyncadd.s32 $0xFFFFF800  }
.LBB2_5:
0x44: {  	s0 =	sadd.s32 s30, s31  }
0x45: {  	s0 =	sshll.u32 s0, $0xB  }
0x46: {  	s3 =	simm.s32 $0x0;
	s0 =	sadd.s32 s4, s0  }
0x47: {  	[tilespmem:s24], [sflag:$0x1] =	stream.linear.gather [hbm4b:s0+s3], $0x4000, $0x38;
	[tilespmem:$0x1C800] =	vst v63  }
0x48: {  	_ =	swait.ge [sflag:s23], $0x4000  }
0x49: {  	[sflag:s23] =	ssyncset.done $0x0  }
0x4a: {  	s3 =	simm.s32 $0x0;
	[sflag:s23] =	ssyncadd.s32 $0xFFFFC000  }
0x4b: {  	v1 =	vld [tilespmem:s3+$0x800];
	_ =	sdelay $0x4  }
0x4c: {  	v3 =	vbroadcast v1, $0x0;
	v7 =	vbroadcast v1, $0x7  }
0x4d: {  	v4 =	vbroadcast v1, $0x1;
	v2 =	vbroadcast v1, $0x2  }
0x4e: {  	s8 =	simm.s32 $0x400;
	s0 =	simm.s32 $0x80;
	v6 =	vbroadcast v1, $0x3;
	v5 =	vbroadcast v1, $0x4;
	[tilespmem:s3+$0x4870] =	vst v7  }
.LBB2_6:
0x4f: {  	p0 =	sne.s32 s8, $0xFE00;
	[tilespmem:s3+$0x4800] =	vst v3;
	v7 =	vbroadcast v1, $0x5;
	v8 =	vbroadcast v1, $0x6;
	v1 =	vld [tilespmem:s0+$0x800]  }
0x50: {  	[tilespmem:s3+$0x4810] =	vst v4  }
0x51: {  	[tilespmem:s3+$0x4820] =	vst v2  }
.Ltmp1:
0x52: {  	[tilespmem:s3+$0x4830] =	vst v6;
	(pc) =	sbr.rel @p0 .LBB2_6-.Ltmp1, $4  }
0x53: {  	[tilespmem:s3+$0x4840] =	vst v5  }
0x54: {  	v3 =	vbroadcast v1, $0x0;
	v9 =	vbroadcast v1, $0x7;
	[tilespmem:s3+$0x4850] =	vst v7  }
0x55: {  	v4 =	vbroadcast v1, $0x1;
	v2 =	vbroadcast v1, $0x2;
	[tilespmem:s3+$0x4860] =	vst v8;
	s3 =	smov.u32 s0  }
0x56: {  	v6 =	vbroadcast v1, $0x3;
	v5 =	vbroadcast v1, $0x4;
	s0 =	sshra.s32 s8, $0x2;
	s8 =	sadd.s32 $0x200, s8;
	[tilespmem:s3+$0x4870] =	vst v9  }
0x57: {  	v7 =	vld [tilespmem:s0+$0x800];
	[tilespmem:s3+$0x4800] =	vst v3  }
0x58: {  	[tilespmem:s3+$0x4810] =	vst v4  }
0x59: {  	[tilespmem:s3+$0x4820] =	vst v2  }
0x5a: {  	v2 =	vbroadcast v1, $0x5;
	[tilespmem:s3+$0x4830] =	vst v6  }
0x5b: {  	v1 =	vbroadcast v1, $0x6;
	[tilespmem:s3+$0x4840] =	vst v5  }
0x5c: {  	[tilespmem:s3+$0x4850] =	vst v2;
	v3 =	vbroadcast v7, $0x7  }
0x5d: {  	[tilespmem:s3+$0x4860] =	vst v1;
	v2 =	vbroadcast v7, $0x0  }
0x5e: {  	v1 =	vbroadcast v7, $0x1;
	[tilespmem:s0+$0x4870] =	vst v3  }
0x5f: {  	v3 =	vbroadcast v7, $0x2;
	[tilespmem:s0+$0x4800] =	vst v2  }
0x60: {  	v2 =	vbroadcast v7, $0x3;
	[tilespmem:s0+$0x4810] =	vst v1  }
0x61: {  	v1 =	vbroadcast v7, $0x4;
	[tilespmem:s0+$0x4820] =	vst v3  }
0x62: {  	v3 =	vbroadcast v7, $0x5;
	[tilespmem:s0+$0x4830] =	vst v2  }
0x63: {  	s8 =	sshll.u32 s31, $0x7;
	s31 =	sadd.s32 $0x1, s31;
	v2 =	vbroadcast v7, $0x6;
	[tilespmem:s0+$0x4840] =	vst v1  }
0x64: {  	p0 =	sne.s32 s31, $0x10;
	[tilespmem:s0+$0x4850] =	vst v3  }
.Ltmp2:
0x65: {  	s8 =	sand.u32 $0x3FFFFF80, s8;
	[tilespmem:s0+$0x4860] =	vst v2;
	(pc) =	sbr.rel @p0 .LBB2_5-.Ltmp2, $4  }
0x66: {  	[spmem:s1] =	stream.indirect.scatter.add.f32 [tilespmem:s22], [sflag:$0x1], $0x80, s8, s25, $0xb8;
	[tilespmem:$0x1C800] =	vst v63  }
0x67: {  	_ =	swait.ge [sflag:s23], $0x4000  }
0x68: {  	[sflag:s23] =	ssyncset.done $0x0  }
0x69: {  	[sflag:s23] =	ssyncadd.s32 $0xFFFFC000  }
0x6a: {  	s29 =	sadd.s32 $0x1, s29  }
0x6b: {  	p0 =	sne.s32 s29, $0x5  }
.Ltmp3:
0x6c: {  	_ = 	snop;
	(pc) =	sbr.rel @p0 .LBB2_4-.Ltmp3, $1  }
0x6d: {  	_ =	sdelay $0x3  }
0x6e: {  	[bflag:$0x0] =	sbarrier.arrive $0xFFFF  }
0x6f: {  	[tilespmem:s22], [sflag:$0x1] =	stream.linear.gather [spmem:s6], $0x4000, $0x38;
	[tilespmem:$0x1C800] =	vst v63  }
0x70: {  	_ =	swait.ge [sflag:s23], $0x4000  }
0x71: {  	[sflag:s23] =	ssyncset.done $0x0  }
0x72: {  	[sflag:s23] =	ssyncadd.s32 $0xFFFFC000  }
0x73: {  	[hbm4b:s13+s2] =	stream.linear.scatter [tilespmem:s22], [sflag:$0x1], $0x4000, $0x38;
	[tilespmem:$0x1C800] =	vst v63  }
0x74: {  	_ =	swait.ge [sflag:s23], $0x4000  }
0x75: {  	[sflag:s23] =	ssyncset.done $0x0  }
0x76: {  	[sflag:s23] =	ssyncadd.s32 $0xFFFFC000  }
0x77: {  	[tilespmem:s22], [sflag:$0x1] =	stream.linear.gather [spmem:s14], $0x4000, $0x38;
	[tilespmem:$0x1C800] =	vst v63  }
0x78: {  	_ =	swait.ge [sflag:s23], $0x4000  }
0x79: {  	[sflag:s23] =	ssyncset.done $0x0  }
0x7a: {  	[sflag:s23] =	ssyncadd.s32 $0xFFFFC000  }
0x7b: {  	[hbm4b:s15+s2] =	stream.linear.scatter [tilespmem:s22], [sflag:$0x1], $0x4000, $0x38;
	[tilespmem:$0x1C800] =	vst v63  }
0x7c: {  	_ =	swait.ge [sflag:s23], $0x4000  }
0x7d: {  	[sflag:s23] =	ssyncset.done $0x0  }
0x7e: {  	[sflag:s23] =	ssyncadd.s32 $0xFFFFC000  }
0x7f: {  	[tilespmem:s22], [sflag:$0x1] =	stream.linear.gather [spmem:s16], $0x4000, $0x38;
	[tilespmem:$0x1C800] =	vst v63  }
0x80: {  	_ =	swait.ge [sflag:s23], $0x4000  }
0x81: {  	[sflag:s23] =	ssyncset.done $0x0  }
0x82: {  	[sflag:s23] =	ssyncadd.s32 $0xFFFFC000  }
0x83: {  	[hbm4b:s17+s2] =	stream.linear.scatter [tilespmem:s22], [sflag:$0x1], $0x4000, $0x38;
	[tilespmem:$0x1C800] =	vst v63  }
0x84: {  	_ =	swait.ge [sflag:s23], $0x4000  }
0x85: {  	[sflag:s23] =	ssyncset.done $0x0  }
0x86: {  	[sflag:s23] =	ssyncadd.s32 $0xFFFFC000  }
0x87: {  	[tilespmem:s22], [sflag:$0x1] =	stream.linear.gather [spmem:s18], $0x4000, $0x38;
	[tilespmem:$0x1C800] =	vst v63  }
0x88: {  	_ =	swait.ge [sflag:s23], $0x4000  }
0x89: {  	[sflag:s23] =	ssyncset.done $0x0  }
0x8a: {  	[sflag:s23] =	ssyncadd.s32 $0xFFFFC000  }
0x8b: {  	[hbm4b:s19+s2] =	stream.linear.scatter [tilespmem:s22], [sflag:$0x1], $0x4000, $0x38;
	[tilespmem:$0x1C800] =	vst v63  }
0x8c: {  	_ =	swait.ge [sflag:s23], $0x4000  }
0x8d: {  	[sflag:s23] =	ssyncset.done $0x0  }
0x8e: {  	[sflag:s23] =	ssyncadd.s32 $0xFFFFC000  }
0x8f: {  	[tilespmem:s22], [sflag:$0x1] =	stream.linear.gather [spmem:s20], $0x4000, $0x38;
	[tilespmem:$0x1C800] =	vst v63  }
0x90: {  	_ =	swait.ge [sflag:s23], $0x4000  }
0x91: {  	[sflag:s23] =	ssyncset.done $0x0  }
0x92: {  	[sflag:s23] =	ssyncadd.s32 $0xFFFFC000  }
0x93: {  	[hbm4b:s21+s2] =	stream.linear.scatter [tilespmem:s22], [sflag:$0x1], $0x4000, $0x38;
	[tilespmem:$0x1C800] =	vst v63  }
0x94: {  	_ =	swait.ge [sflag:s23], $0x4000  }
0x95: {  	s26 =	sadd.s32 $0x1, s26;
	s0 =	rddreg [dreg:$0x3]  }
0x96: {  	p0 =	sne.s32 s26, s0  }
.Ltmp4:
0x97: {  	_ = 	snop;
	(pc) =	sbr.rel @p0 .LBB2_1-.Ltmp4, $3  }
0x98: {  	_ =	sdelay $0x1  }
0x99: {  	[sflag:s23] =	ssyncset.done $0x0  }
0x9a: {  	[sflag:s23] =	ssyncadd.s32 $0xFFFFC000  }
0x9b: {  	_ =	sfence.sel $0x180000  }
0x9c: {  	[bflag:$0x0] =	sbarrier.arrive $0xFFFF  }
0x9d: {  	_ =	strace $0x9000004A  }
0x9e: {  	s0 =	stileid.u32;
	[bflag:$0x2] =	sbarrier.arrive $0xFFFF  }
0x9f: {  	p0 =	sne.s32 s0, $0x0;
	s0 =	rddreg [dreg:$0x2]  }
0xa0: {  	s0 =	sadd.s32 @!p0 $0x100000, s0  }
0xa1: {  	[sflag:s0] =	ssyncadd.tile.s32 @!p0 $0x1;
	_ =	shalt  }
.Lfunc_end2:
_tile_overlayer_lowered:
.L_overlay_start_2:
0xa2: {  	(tag) =	ssettag $0x2  }
0xa3: {  	s0 =	rddreg [dreg:$0x0];
	s2 =	stileid.u32  }
0xa4: {  	s1 =	rddreg [dreg:$0x1];
	p0 =	sne.s32 s2, $0x0  }
0xa5: {  	s3 =	rddreg [dreg:$0x2];
	[bflag:$0x3] =	sbarrier.arrive $0xFFFF;
	s2 =	simm.s32 @!p0 $0x1C01  }
0xa6: {  	[timem:s3], [sflag:s2] =	dma.local @!p0 [hbm:s0], s1  }
0xa7: {  	s0 =	simm.s32 @!p0 $0x1  }
0xa8: {  	_ =	swait.ge @!p0 [sflag:s0], s1  }
0xa9: {  	s1 =	ssub.s32 @!p0 $0x0, s1;
	[sflag:s0] =	ssyncset.done @!p0 $0x0  }
0xaa: {  	[sflag:s0] =	ssyncadd.s32 @!p0 s1  }
0xab: {  	[bflag:$0x3] =	sbarrier.arrive $0xFFFF  }
0xac: {  	_ =	shalt  }

// kernel: kernel.15.cloned.1.call-start
scs
__scs_entry_jumppad:
0x0: {  	(pc) =	sbr.rel $0x88, $3  }
0x1: {  	(tag) =	ssettag $0x0;
	lr =	simm.s32 $0x1  }
0x2: {  	[smem:$0x3F97] =	sst lr;
	_ =	strace $0xD0000000  }
0x3: {  	_ = 	snop  }
0x4: {  	_ = 	snop  }
0x5: {  	_ = 	snop  }
0x6: {  	_ = 	snop  }
0x7: {  	_ = 	snop  }
__scs_overlays_trampoline_lowered:
0x8: {  	[smem:$0x3FA6] =	sst s0  }
0x9: {  	[smem:$0x3FA7] =	sst s1  }
0xa: {  	[smem:$0x3FA8] =	sst s2  }
0xb: {  	[smem:$0x3FA9] =	sst s3  }
0xc: {  	[smem:$0x3FAA] =	sst s4  }
0xd: {  	[smem:$0x3FAB] =	sst s5  }
0xe: {  	[smem:$0x3FAC] =	sst s6  }
0xf: {  	[smem:$0x3FAD] =	sst s7  }
0x10: {  	[smem:$0x3FAE] =	sst s8  }
0x11: {  	[smem:$0x3FAF] =	sst s9;
	s0 =	simm.s32 @!p0 $0x0  }
0x12: {  	s1 =	sld [smem:$0x3F95];
	s0 =	simm.s32 @p0 $0x1  }
0x13: {  	[smem:$0x3FB0] =	sst s0;
	s0 =	simm.s32 @!p1 $0x0  }
0x14: {  	s2 =	sld [smem:$0x3F94];
	s0 =	simm.s32 @p1 $0x1  }
0x15: {  	[smem:$0x3FB1] =	sst s0;
	s0 =	simm.s32 @!p2 $0x0  }
0x16: {  	s3 =	sld [smem:$0x3FDB];
	s0 =	simm.s32 @p2 $0x1  }
0x17: {  	s4 =	simm.s32 $0x1BF5;
	[smem:$0x3FB3] =	sst s0  }
0x18: {  	s0 =	sld [smem:$0x3F96];
	_ =	swait.ge [sflag:s4], $0x0  }
0x19: {  	s7 =	sld [smem:$0x3F97]  }
0x1a: {  	s8 =	sadd.s32 $0xFFFFE003, lr  }
0x1b: {  	s9 =	sadd.s32 $0xFFFFFEF7, lr;
	s5 =	simm.s32 $0xFFFFFFFF;
	p2 =	slt.u32 s8, $0xFFFFF086  }
0x1c: {  	p1 =	slt.u32 s9, $0xF7A;
	s5 =	simm.s32 @!p2 $0x0  }
0x1d: {  	s5 =	simm.s32 @p1 $0x1;
	p0 =	seq.s32 s7, s2  }
0x1e: {  	s7 =	smul.u32 @!p0 $0xF7A, s2;
	p2 =	seq.s32 @!p0 s5, $0x0  }
0x1f: {  	s9 =	smul.u32 $0xF7A, s1;
	s8 =	simm.s32 @!p0 $0x1BF5;
	p2 =	por !p2, p0  }
0x20: {  	[sflag:s8] =	ssyncset.s32 @!p0 $0xFFFFF086;
	s6 =	sadd.s32 @!p0 s3, s7;
	s7 =	simm.s32 @!p0 $0x108  }
0x21: {  	s3 =	sadd.s32 s3, s9;
	s6 =	sadd.s32 @!p0 $0x88, s6;
	s7 =	simm.s32 @p2 $0x1082  }
0x22: {  	[simem:s7], [sflag:s8] =	dma.local @!p0 [hbm:s6], $0xF7A  }
0x23: {  	s9 =	sor.u32 $0xD0000000, s2;
	s6 =	simm.s32 $0x108;
	_ =	swait.ge @!p0 [sflag:s8], $0x0  }
0x24: {  	s3 =	sadd.s32 $0x88, s3;
	s6 =	simm.s32 @!p1 $0x1082;
	[sflag:s4] =	ssyncset.s32 $0xFFFFF086  }
0x25: {  	[simem:s6], [sflag:s4] =	dma.local [hbm:s3], $0xF7A  }
0x26: {  	[smem:$0x3F97] =	sst s1;
	(tag) =	ssettag s2;
	_ =	strace s9  }
0x27: {  	s1 =	sld [smem:$0x3FA7]  }
0x28: {  	s2 =	sld [smem:$0x3FA8]  }
0x29: {  	s4 =	sld [smem:$0x3FAA]  }
0x2a: {  	p0 =	seq.s32 s5, $0x0;
	s5 =	sld [smem:$0x3FAB]  }
0x2b: {  	s6 =	sld [smem:$0x3FAC]  }
0x2c: {  	s7 =	sld [smem:$0x3FAD]  }
0x2d: {  	s3 =	simm.s32 $0x108;
	s8 =	sld [smem:$0x3FAE]  }
0x2e: {  	s3 =	simm.s32 @!p0 $0x1082;
	s9 =	sld [smem:$0x3FAF]  }
0x2f: {  	lr =	sadd.s32 s0, s3;
	s0 =	sld [smem:$0x3FA6]  }
0x30: {  	s3 =	sld [smem:$0x3FA9]  }
0x31: {  	[smem:$0x3FB2] =	sst s10  }
0x32: {  	s10 =	sld [smem:$0x3FB0];
	_ =	sdelay $0x3  }
0x33: {  	p0 =	seq.s32 s10, $0x1;
	s10 =	sld [smem:$0x3FB2];
	_ =	sdelay $0x3  }
0x34: {  	[smem:$0x3FB2] =	sst s10  }
0x35: {  	s10 =	sld [smem:$0x3FB1];
	_ =	sdelay $0x3  }
0x36: {  	p1 =	seq.s32 s10, $0x1;
	s10 =	sld [smem:$0x3FB2];
	_ =	sdelay $0x3  }
0x37: {  	[smem:$0x3FB2] =	sst s10  }
0x38: {  	s10 =	sld [smem:$0x3FB3]  }
0x39: {  	_ = 	snop;
	(pc) =	sbr.ind lr, $3  }
0x3a: {  	_ = 	snop  }
0x3b: {  	_ = 	snop  }
0x3c: {  	p2 =	seq.s32 s10, $0x1;
	s10 =	sld [smem:$0x3FB2]  }
0x3d: {  	_ =	shalt  }
0x3e: {  	_ =	shalt  }
0x3f: {  	_ =	shalt  }
0x40: {  	_ =	shalt  }
0x41: {  	_ =	shalt  }
0x42: {  	_ =	shalt  }
0x43: {  	_ =	shalt  }
0x44: {  	_ =	shalt  }
0x45: {  	_ =	shalt  }
0x46: {  	_ =	shalt  }
0x47: {  	_ =	shalt  }
0x48: {  	_ =	shalt  }
0x49: {  	_ =	shalt  }
0x4a: {  	_ =	shalt  }
0x4b: {  	_ =	shalt  }
0x4c: {  	_ =	shalt  }
0x4d: {  	_ =	shalt  }
0x4e: {  	_ =	shalt  }
0x4f: {  	_ =	shalt  }
0x50: {  	_ =	shalt  }
0x51: {  	_ =	shalt  }
0x52: {  	_ =	shalt  }
0x53: {  	_ =	shalt  }
0x54: {  	_ =	shalt  }
0x55: {  	_ =	shalt  }
0x56: {  	_ =	shalt  }
0x57: {  	_ =	shalt  }
0x58: {  	_ =	shalt  }
0x59: {  	_ =	shalt  }
0x5a: {  	_ =	shalt  }
0x5b: {  	_ =	shalt  }
0x5c: {  	_ =	shalt  }
0x5d: {  	_ =	shalt  }
0x5e: {  	_ =	shalt  }
0x5f: {  	_ =	shalt  }
0x60: {  	_ =	shalt  }
0x61: {  	_ =	shalt  }
0x62: {  	_ =	shalt  }
0x63: {  	_ =	shalt  }
0x64: {  	_ =	shalt  }
0x65: {  	_ =	shalt  }
0x66: {  	_ =	shalt  }
0x67: {  	_ =	shalt  }
0x68: {  	_ =	shalt  }
0x69: {  	_ =	shalt  }
0x6a: {  	_ =	shalt  }
0x6b: {  	_ =	shalt  }
0x6c: {  	_ =	shalt  }
0x6d: {  	_ =	shalt  }
0x6e: {  	_ =	shalt  }
0x6f: {  	_ =	shalt  }
0x70: {  	_ =	shalt  }
0x71: {  	_ =	shalt  }
0x72: {  	_ =	shalt  }
0x73: {  	_ =	shalt  }
0x74: {  	_ =	shalt  }
0x75: {  	_ =	shalt  }
0x76: {  	_ =	shalt  }
0x77: {  	_ =	shalt  }
0x78: {  	_ =	shalt  }
0x79: {  	_ =	shalt  }
0x7a: {  	_ =	shalt  }
0x7b: {  	_ =	shalt  }
0x7c: {  	_ =	shalt  }
0x7d: {  	_ =	shalt  }
0x7e: {  	_ =	shalt  }
0x7f: {  	_ =	shalt  }
0x80: {  	_ =	shalt  }
0x81: {  	_ =	shalt  }
0x82: {  	_ =	shalt  }
0x83: {  	_ =	shalt  }
0x84: {  	_ =	shalt  }
0x85: {  	_ =	shalt  }
0x86: {  	_ =	shalt  }
0x87: {  	_ =	shalt  }
.Lfunc_end0:
.L_simem_size_0:
called_computation.2_lowered:
.L_overlay_start_0:
0x88: {  	s2 =	sld [smem:$0x3FD9]  }
0x89: {  	s3 =	sld [smem:$0x3FFE];
	_ =	sdelay $0x1  }
0x8a: {  	s1 =	srdreg.scid  }
0x8b: {  	s0 =	sand.u32 $0x1, s1  }
0x8c: {  	s17 =	sshll.u32 s0, $0xA;
	s2 =	sadd.s32 s3, s2  }
0x8d: {  	s2 =	sadd.s32 s2, s17  }
0x8e: {  	[smem:$0x3FBE] =	sst s2  }
0x8f: {  	_ = 	snop  }
0x90: {  	s2 =	sld [smem:$0x3FD0];
	(tm) =	ssettm $0x1  }
0x91: {  	s18 =	sld [smem:$0x3FFB];
	_ =	sdelay $0x3  }
0x92: {  	_ =	strace s18  }
0x93: {  	s3 =	sld [smem:$0x3FFC];
	_ =	sdelay $0x3  }
0x94: {  	_ =	strace s3  }
0x95: {  	s3 =	sld [smem:$0x3FFD];
	_ =	sdelay $0x3  }
0x96: {  	_ =	strace s3  }
0x97: {  	_ =	strace $0x8FFFFFFF  }
0x98: {  	s19 =	sld [smem:$0x3FDB];
	_ =	sdelay $0x1  }
0x99: {  	s4 =	simm.s32 $_scs_section_size  }
0x9a: {  	s5 =	simm.s32 $_size__tile_overlayer_lowered;
	s6 =	simm.s32 $_tile_overlayer_lowered  }
0x9b: {  	s22 =	simm.s32 $0x1BFF;
	s21 =	sshll.u32 s6, $0x1;
	s3 =	sadd.s32 s4, s19  }
0x9c: {  	s7 =	simm.s32 $0x0;
	s20 =	sshll.u32 s5, $0x1;
	s5 =	sadd.s32 s21, s3  }
0x9d: {  	[timem:s7], [sflag:s22] =	dma.local [hbm:s5], s20  }
0x9e: {  	_ =	swait.ge [sflag:s22], s20  }
0x9f: {  	s4 =	ssub.s32 $0x0, s20;
	[sflag:s22] =	ssyncset.done $0x0  }
0xa0: {  	[sflag:s22] =	ssyncadd.s32 s4;
	_ =	sdelay $0x1  }
0xa1: {  	s23 =	simm.s32 $0x1B8B  }
0xa2: {  	_ =	swait.ge [sflag:s23], $0x1  }
0xa3: {  	[sflag:s23] =	ssyncset.done $0x0  }
0xa4: {  	s25 =	simm.s32 $0x1B8E;
	s24 =	sld [smem:$0x3FFE];
	[sflag:s23] =	ssyncadd.s32 $0xFFFFFFFF  }
0xa5: {  	s26 =	simm.s32 $execute0_lowered;
	[smem:$0x3FD2] =	sst s25  }
0xa6: {  	s5 =	sshll.u32 s26, $0x1;
	_ =	strace $0x8000004C;
	[dreg:$0x1] =	wrdreg $0xFFFFFFFF  }
0xa7: {  	s28 =	simm.s32 $_size_execute0_lowered;
	s3 =	sadd.s32 s3, s5;
	[dreg:$0x0] =	wrdreg $0x0  }
0xa8: {  	s5 =	sshll.u32 s28, $0x1;
	[dreg:$0x2] =	wrdreg s3  }
0xa9: {  	[dreg:$0x3] =	wrdreg s5  }
0xaa: {  	[dreg:$0x4] =	wrdreg $0xC0  }
0xab: {  	_ =	task [dreg:s7], $0x5FFFF  }
0xac: {  	[dreg:$0x1] =	wrdreg $0xFFFFFFFF  }
0xad: {  	[dreg:$0x0] =	wrdreg $0x60  }
0xae: {  	[dreg:$0x2] =	wrdreg s24  }
0xaf: {  	[dreg:$0x3] =	wrdreg s2  }
0xb0: {  	[dreg:$0x4] =	wrdreg $0x90000  }
0xb1: {  	[dreg:$0x5] =	wrdreg $0x9  }
0xb2: {  	_ =	task.clear_ibuf [dreg:s7], $0x6FFFF;
	_ =	strace $0x9000004C  }
0xb3: {  	s29 =	simm.s32 $0x9;
	_ =	strace $0x8000004E  }
0xb4: {  	_ =	swait.ge [sflag:s29], $0x1  }
0xb5: {  	[sflag:s29] =	ssyncadd.s32 $0xFFFFFFFF  }
0xb6: {  	_ =	strace $0x9000004E  }
0xb7: {  	_ =	sfence  }
0xb8: {  	s30 =	sld [smem:$0x0];
	_ =	sdelay $0x2  }
0xb9: {  	s31 =	sshll.u32 s1, $0xD;
	s1 =	sshrl.u32 s1, $0x2  }
0xba: {  	s3 =	sand.u32 $0x4000, s31;
	s1 =	sadd.s32 s1, s30  }
0xbb: {  	s0 =	sor.u32 s3, s0;
	s1 =	sshll.u32 s1, $0x11  }
0xbc: {  	s0 =	sor.u32 s1, s0  }
0xbd: {  	s0 =	sadd.s32 $0x8F2B, s0  }
0xbe: {  	[sflag:s0] =	ssyncadd.remote.s32 $0x1  }
0xbf: {  	_ =	sfence.sel $0xFFFF  }
0xc0: {  	[dreg:$0x0] =	wrdreg $0xFFFFFFFF;
	(pc) =	sbr.abs _section_cstart, $3  }
0xc1: {  	[dreg:$0x1] =	wrdreg $0xFFFFFFFF  }
0xc2: {  	_ =	task.clear_ibuf [dreg:s7], $0x2FFFF;
	_ =	strace $0x9FFFFFFF  }
0xc3: {  	(tm) =	ssettm $0x7FFFFFFF  }
tec
execute0_lowered:
.L_overlay_start_1:
0x0: {  	(tag) =	ssettag $0x1  }
0x1: {  	s0 =	rddreg [dreg:$0x0]  }
0x2: {  	s2 =	srdreg.scid;
	s15 =	stileid.u32  }
0x3: {  	s1 =	rddreg [dreg:$0x1];
	s28 =	simm.s32 $0x2;
	s29 =	simm.s32 $0x3  }
0x4: {  	s3 =	sand.u32 $0x1, s2;
	s4 =	smul.u32 $0x280, s15;
	s2 =	simm.s32 $0x0  }
0x5: {  	s7 =	sadd.s32 $0x599800, s0;
	s24 =	sshll.u32 s15, $0x1;
	s15 =	smul.u32 $0x50000, s15  }
0x6: {  	s5 =	ssub.s32 $0x2, s3;
	s6 =	smul.u32 $0x2800, s3;
	[smem:$0x7FF] =	sst s2  }
0x7: {  	s3 =	sor.u32 s3, s24;
	s8 =	sshrl.u32 s5, $0x1;
	s10 =	sadd.s32 $0x80, s4  }
0x8: {  	s13 =	sadd.s32 $0xC0, s4;
	s22 =	sadd.s32 $0x180, s4;
	s23 =	sadd.s32 $0x1C0, s4  }
0x9: {  	s24 =	sadd.s32 $0x200, s4;
	s5 =	ssub.s32 s5, s8;
	s9 =	sadd.s32 s6, s4  }
0xa: {  	s11 =	sadd.s32 s6, s10;
	s12 =	sadd.s32 s6, s13;
	s18 =	sadd.s32 s6, s22  }
0xb: {  	s20 =	sadd.s32 s6, s23;
	s21 =	sadd.s32 s6, s24;
	s25 =	sshll.u32 s9, $0x4  }
0xc: {  	s9 =	sor.u32 $0x40, s4;
	s11 =	sshll.u32 s11, $0x4;
	s14 =	sshll.u32 s12, $0x4  }
0xd: {  	s19 =	sshll.u32 s18, $0x4;
	s8 =	sadd.s32 s7, s25;
	s26 =	sadd.s32 s6, s9  }
0xe: {  	s18 =	sadd.s32 $0xD800, s0;
	[dreg:$0x4] =	wrdreg s8;
	s8 =	sshll.u32 s26, $0x4  }
0xf: {  	s25 =	sshll.u32 s21, $0x4;
	s21 =	smul.u32 $0xA0, s3;
	s8 =	sadd.s32 s7, s8  }
0x10: {  	s26 =	sshrl.u32 s15, $0x2;
	[dreg:$0x5] =	wrdreg s8;
	s8 =	sadd.s32 s7, s11  }
0x11: {  	s11 =	sadd.s32 $0x100, s4;
	[dreg:$0x6] =	wrdreg s8;
	s8 =	sadd.s32 s7, s14  }
0x12: {  	s16 =	sadd.s32 s6, s11;
	s14 =	sadd.s32 $0x140, s4;
	s4 =	sadd.s32 $0x240, s4  }
0x13: {  	[dreg:$0x7] =	wrdreg s8;
	s8 =	sshll.u32 s16, $0x4;
	s12 =	sadd.s32 s6, s14  }
0x14: {  	s8 =	sadd.s32 s7, s8;
	s17 =	sshll.u32 s12, $0x4;
	s12 =	rddreg [dreg:$0x2]  }
0x15: {  	s6 =	sadd.s32 s6, s4;
	[dreg:$0x8] =	wrdreg s8;
	s8 =	sadd.s32 s7, s17  }
0x16: {  	s6 =	sshll.u32 s6, $0x4;
	[dreg:$0x9] =	wrdreg s8;
	s8 =	sadd.s32 s7, s19  }
0x17: {  	s6 =	sadd.s32 s7, s6;
	[dreg:$0xa] =	wrdreg s8;
	s8 =	sshll.u32 s20, $0x4  }
0x18: {  	s15 =	sadd.s32 $0x21800, s0;
	[dreg:$0xd] =	wrdreg s6;
	s8 =	sadd.s32 s7, s8  }
0x19: {  	s6 =	sadd.s32 s26, s12;
	[dreg:$0xb] =	wrdreg s8;
	s8 =	sadd.s32 s7, s25  }
0x1a: {  	s26 =	sshll.u32 s14, $0x7;
	s7 =	smax.u32 s5, $0x1;
	[dreg:$0xc] =	wrdreg s8  }
0x1b: {  	s3 =	sadd.s32 s26, s12;
	_ =	strace $0x8000004D;
	[dreg:$0xf] =	wrdreg s7  }
0x1c: {  	s25 =	sshll.u32 s11, $0x7;
	s11 =	sadd.s32 $0x2000, s6;
	[dreg:$0x14] =	wrdreg s3  }
0x1d: {  	s20 =	sshll.u32 s13, $0x7;
	s13 =	sadd.s32 $0x4000, s6;
	[dreg:$0x19] =	wrdreg s11  }
0x1e: {  	s16 =	sadd.s32 $0x49800, s0;
	s14 =	sadd.s32 $0x6000, s6;
	[dreg:$0x1a] =	wrdreg s13  }
0x1f: {  	s5 =	sshll.u32 s22, $0x7;
	s22 =	sadd.s32 $0xA000, s6;
	[dreg:$0x1b] =	wrdreg s14  }
0x20: {  	s17 =	sadd.s32 $0x71800, s0;
	s26 =	sadd.s32 $0x12000, s6;
	[dreg:$0x1d] =	wrdreg s22  }
0x21: {  	s19 =	sadd.s32 $0x99800, s0;
	s8 =	sshll.u32 s9, $0x7;
	[smem:$0x7FD] =	sst s26  }
0x22: {  	s9 =	sshll.u32 s10, $0x7;
	s0 =	sadd.s32 s8, s12;
	[dreg:$0xe] =	wrdreg s6  }
0x23: {  	s30 =	simm.s32 $0x7000;
	s10 =	sadd.s32 s9, s12;
	[dreg:$0x10] =	wrdreg s0  }
0x24: {  	s7 =	sshll.u32 s23, $0x7;
	s23 =	sadd.s32 $0xC000, s6;
	[dreg:$0x11] =	wrdreg s10  }
0x25: {  	s8 =	sshll.u32 s24, $0x7;
	s24 =	sadd.s32 $0xE000, s6;
	[dreg:$0x1e] =	wrdreg s23  }
0x26: {  	s31 =	simm.s32 $0x0;
	s0 =	sadd.s32 s20, s12;
	[dreg:$0x1f] =	wrdreg s24  }
0x27: {  	s13 =	simm.s32 $0x5000;
	s9 =	sadd.s32 s8, s12;
	[dreg:$0x12] =	wrdreg s0  }
0x28: {  	s14 =	simm.s32 $0x4;
	s20 =	sadd.s32 $0x8000, s6;
	[dreg:$0x17] =	wrdreg s9  }
0x29: {  	s22 =	simm.s32 $0x800;
	s0 =	sadd.s32 s25, s12;
	[dreg:$0x1c] =	wrdreg s20  }
0x2a: {  	s26 =	simm.s32 $0x1;
	s25 =	sadd.s32 $0x10000, s6;
	[dreg:$0x13] =	wrdreg s0  }
0x2b: {  	s11 =	simm.s32 $0x0;
	s0 =	sadd.s32 s5, s12;
	[smem:$0x7FC] =	sst s25  }
0x2c: {  	s10 =	sshll.u32 s4, $0x7;
	[dreg:$0x15] =	wrdreg s0;
	s0 =	sadd.s32 s7, s12  }
0x2d: {  	s23 =	simm.s32 $0x40;
	[dreg:$0x16] =	wrdreg s0;
	s0 =	sadd.s32 s10, s12  }
0x2e: {  	v0 =	vimm.f32 $0.0e+00;
	s24 =	simm.s32 $0x1000;
	s25 =	simm.s32 $0x3000;
	[dreg:$0x18] =	wrdreg s0  }
.LBB2_1:
0x2f: {  	s0 =	simm.s32 $0x0;
	s3 =	simm.s32 $0x200  }
.LBB2_2:
0x30: {  	p0 =	sne.s32 s3, $0x7E00;
	[tilespmem:s0+$0x5070] =	vst v0  }
0x31: {  	[tilespmem:s0+$0x5000] =	vst v0  }
0x32: {  	[tilespmem:s0+$0x5010] =	vst v0  }
.Ltmp0:
0x33: {  	[tilespmem:s0+$0x5020] =	vst v0;
	(pc) =	sbr.rel @p0 .LBB2_2-.Ltmp0, $4  }
0x34: {  	[tilespmem:s0+$0x5030] =	vst v0  }
0x35: {  	[tilespmem:s0+$0x5040] =	vst v0  }
0x36: {  	[tilespmem:s0+$0x5050] =	vst v0  }
0x37: {  	[tilespmem:s0+$0x5060] =	vst v0;
	s0 =	sshra.s32 s3, $0x2;
	s3 =	sadd.s32 $0x200, s3  }
0x38: {  	[tilespmem:s0+$0x5070] =	vst v0  }
0x39: {  	[tilespmem:s0+$0x5000] =	vst v0  }
0x3a: {  	[tilespmem:s0+$0x5010] =	vst v0  }
0x3b: {  	[tilespmem:s0+$0x5020] =	vst v0  }
0x3c: {  	[tilespmem:s0+$0x5030] =	vst v0  }
0x3d: {  	[tilespmem:s0+$0x5040] =	vst v0  }
0x3e: {  	[tilespmem:s0+$0x5050] =	vst v0  }
0x3f: {  	[tilespmem:s0+$0x5060] =	vst v0  }
0x40: {  	[spmem:s6] =	stream.linear.scatter [tilespmem:s13], [sflag:$0x4], $0x2000, $0x38;
	[tilespmem:$0x1D000] =	vst v63  }
0x41: {  	_ =	swait.ge [sflag:s14], $0x2000  }
0x42: {  	[sflag:s14] =	ssyncset.done $0x0  }
0x43: {  	s3 =	rddreg [dreg:$0x19];
	[sflag:s14] =	ssyncadd.s32 $0xFFFFE000  }
0x44: {  	[spmem:s3] =	stream.linear.scatter [tilespmem:s13], [sflag:$0x4], $0x2000, $0x38;
	[tilespmem:$0x1D000] =	vst v63  }
0x45: {  	_ =	swait.ge [sflag:s14], $0x2000  }
0x46: {  	[sflag:s14] =	ssyncset.done $0x0  }
0x47: {  	s4 =	rddreg [dreg:$0x1a];
	[sflag:s14] =	ssyncadd.s32 $0xFFFFE000  }
0x48: {  	[spmem:s4] =	stream.linear.scatter [tilespmem:s13], [sflag:$0x4], $0x2000, $0x38;
	[tilespmem:$0x1D000] =	vst v63  }
0x49: {  	_ =	swait.ge [sflag:s14], $0x2000  }
0x4a: {  	[sflag:s14] =	ssyncset.done $0x0  }
0x4b: {  	s5 =	rddreg [dreg:$0x1b];
	[sflag:s14] =	ssyncadd.s32 $0xFFFFE000  }
0x4c: {  	[spmem:s5] =	stream.linear.scatter [tilespmem:s13], [sflag:$0x4], $0x2000, $0x38;
	[tilespmem:$0x1D000] =	vst v63  }
0x4d: {  	_ =	swait.ge [sflag:s14], $0x2000  }
0x4e: {  	[sflag:s14] =	ssyncset.done $0x0  }
0x4f: {  	s6 =	rddreg [dreg:$0x1c];
	[sflag:s14] =	ssyncadd.s32 $0xFFFFE000  }
0x50: {  	[spmem:s6] =	stream.linear.scatter [tilespmem:s13], [sflag:$0x4], $0x2000, $0x38;
	[tilespmem:$0x1D000] =	vst v63  }
0x51: {  	_ =	swait.ge [sflag:s14], $0x2000  }
0x52: {  	[sflag:s14] =	ssyncset.done $0x0  }
0x53: {  	s7 =	rddreg [dreg:$0x1d];
	[sflag:s14] =	ssyncadd.s32 $0xFFFFE000  }
0x54: {  	[spmem:s7] =	stream.linear.scatter [tilespmem:s13], [sflag:$0x4], $0x2000, $0x38;
	[tilespmem:$0x1D000] =	vst v63  }
0x55: {  	_ =	swait.ge [sflag:s14], $0x2000  }
0x56: {  	[sflag:s14] =	ssyncset.done $0x0  }
0x57: {  	s8 =	rddreg [dreg:$0x1e];
	[sflag:s14] =	ssyncadd.s32 $0xFFFFE000  }
0x58: {  	[spmem:s8] =	stream.linear.scatter [tilespmem:s13], [sflag:$0x4], $0x2000, $0x38;
	[tilespmem:$0x1D000] =	vst v63  }
0x59: {  	_ =	swait.ge [sflag:s14], $0x2000  }
0x5a: {  	[sflag:s14] =	ssyncset.done $0x0  }
0x5b: {  	s9 =	rddreg [dreg:$0x1f];
	[sflag:s14] =	ssyncadd.s32 $0xFFFFE000  }
0x5c: {  	[spmem:s9] =	stream.linear.scatter [tilespmem:s13], [sflag:$0x4], $0x2000, $0x38;
	[tilespmem:$0x1D000] =	vst v63  }
0x5d: {  	_ =	swait.ge [sflag:s14], $0x2000  }
0x5e: {  	s10 =	sld [smem:$0x7FC]  }
0x5f: {  	[sflag:s14] =	ssyncset.done $0x0  }
0x60: {  	[sflag:s14] =	ssyncadd.s32 $0xFFFFE000  }
0x61: {  	[spmem:s10] =	stream.linear.scatter [tilespmem:s13], [sflag:$0x4], $0x2000, $0x38;
	[tilespmem:$0x1D000] =	vst v63  }
0x62: {  	_ =	swait.ge [sflag:s14], $0x2000  }
0x63: {  	s20 =	sld [smem:$0x7FD]  }
0x64: {  	[sflag:s14] =	ssyncset.done $0x0  }
0x65: {  	[sflag:s14] =	ssyncadd.s32 $0xFFFFE000  }
0x66: {  	[spmem:s20] =	stream.linear.scatter [tilespmem:s13], [sflag:$0x4], $0x2000, $0x38;
	[tilespmem:$0x1D000] =	vst v63  }
0x67: {  	_ =	swait.ge [sflag:s14], $0x2000  }
0x68: {  	[sflag:s14] =	ssyncset.done $0x0  }
0x69: {  	[sflag:s14] =	ssyncadd.s32 $0xFFFFE000  }
0x6a: {  	s0 =	simm.s32 $0x0;
	[bflag:$0x0] =	sbarrier.arrive $0xFFFF  }
.LBB2_4:
0x6b: {  	s3 =	sshll.u32 s0, $0x4  }
0x6c: {  	s3 =	sadd.s32 s21, s3  }
0x6d: {  	s4 =	sshll.u32 s3, $0x4  }
0x6e: {  	s5 =	sadd.s32 s1, s4  }
0x6f: {  	[tilespmem:s11], [sflag:$0x4] =	stream.linear.gather [hbm4b:s5+s11], $0x800, $0x38;
	[tilespmem:$0x1D000] =	vst v63  }
0x70: {  	_ =	swait.ge [sflag:s14], $0x800  }
0x71: {  	[sflag:s14] =	ssyncset.done $0x0  }
0x72: {  	s4 =	sadd.s32 s18, s4;
	[sflag:s14] =	ssyncadd.s32 $0xFFFFF800  }
0x73: {  	[tilespmem:s22], [sflag:$0x4] =	stream.linear.gather [hbm4b:s4+s11], $0x800, $0x38;
	[tilespmem:$0x1D000] =	vst v63  }
0x74: {  	_ =	swait.ge [sflag:s14], $0x800  }
0x75: {  	[sflag:s14] =	ssyncset.done $0x0  }
0x76: {  	s4 =	simm.s32 $0x0;
	[sflag:s14] =	ssyncadd.s32 $0xFFFFF800  }
.LBB2_5:
0x77: {  	s6 =	sshll.u32 s4, $0x7  }
0x78: {  	[tilespmem:s24], [sflag:$0x1] =	stream.indirect.gather [hbm4b:s16+s23], $0x80, s6, s23, $0xb8;
	[tilespmem:$0x1D000] =	vst v63  }
0x79: {  	s5 =	sadd.s32 $0x800, s6  }
0x7a: {  	[tilespmem:s25], [sflag:$0x2] =	stream.indirect.gather [hbm4b:s17+s23], $0x80, s5, s23, $0xb8;
	[tilespmem:$0x1D000] =	vst v63  }
0x7b: {  	_ = 	snop  }
0x7c: {  	[tilespmem:s13], [sflag:$0x3] =	stream.indirect.gather [hbm4b:s15+s23], $0x80, s6, s23, $0xb8;
	[tilespmem:$0x1D000] =	vst v63  }
0x7d: {  	_ =	swait.ge [sflag:s26], $0x2000  }
0x7e: {  	[sflag:s26] =	ssyncset.done $0x0  }
0x7f: {  	[sflag:s26] =	ssyncadd.s32 $0xFFFFE000  }
0x80: {  	_ =	swait.ge [sflag:s28], $0x2000  }
0x81: {  	[sflag:s28] =	ssyncset.done $0x0  }
0x82: {  	[sflag:s28] =	ssyncadd.s32 $0xFFFFE000  }
0x83: {  	_ =	swait.ge [sflag:s29], $0x2000  }
0x84: {  	[sflag:s29] =	ssyncset.done $0x0  }
0x85: {  	s9 =	simm.s32 $0x0;
	[sflag:s29] =	ssyncadd.s32 $0xFFFFE000  }
0x86: {  	v1 =	vld [tilespmem:s9+$0x1000]  }
0x87: {  	v2 =	vld [tilespmem:s9+$0x3000];
	_ =	sdelay $0x4  }
0x88: {  	v1 =	vadd.f32 v2, v1;
	_ =	sdelay $0x1  }
0x89: {  	v2 =	vmul.f32 $2.000000030e-01, v1;
	_ =	sdelay $0x1  }
0x8a: {  	v1 =	vmax.f32 v1, v2  }
0x8b: {  	s8 =	simm.s32 $0x80;
	v1 =	vmul.f32 $1.442695020e+00, v1  }
0x8c: {  	v2 =	vld [tilespmem:s8+$0x1000]  }
0x8d: {  	(erf) = vpow2.f32 v1;
	v1 =	vld [tilespmem:s8+$0x3000];
	_ =	sdelay $0x1  }
0x8e: {  	s7 =	simm.s32 $0x100  }
0x8f: {  	v3 =	vld [tilespmem:s7+$0x1000]  }
0x90: {  	v6 =	vld [tilespmem:s7+$0x3000]  }
0x91: {  	v1 =	vadd.f32 v1, v2;
	_ =	sdelay $0x1  }
0x92: {  	v8 =	vmul.f32 $2.000000030e-01, v1;
	_ =	sdelay $0x1  }
0x93: {  	v4 =	vld [tilespmem:s9+$0x5060];
	v3 =	vadd.f32 v6, v3;
	v1 =	vmax.f32 v1, v8  }
0x94: {  	v5 =	vld [tilespmem:s9+$0x5000];
	v1 =	vmul.f32 $1.442695020e+00, v1  }
0x95: {  	v7 =	vld [tilespmem:s9+$0x5010];
	v60 =	vmul.f32 $2.000000030e-01, v3  }
0x96: {  	v9 =	vld [tilespmem:s9+$0x5040];
	v10 =	vpop (erf);
	(erf) = vpow2.f32 v1  }
0x97: {  	v3 =	vmax.f32 v3, v60;
	v2 =	vld [tilespmem:s9+$0x5070];
	v8 =	vbroadcast v10, $0x6  }
0x98: {  	v11 =	vld [tilespmem:s9+$0x5050];
	v63 =	vmul.f32 $1.442695020e+00, v3;
	v13 =	vbroadcast v10, $0x0  }
0x99: {  	v12 =	vld [tilespmem:s9+$0x5020];
	v59 =	vbroadcast v10, $0x7;
	v4 =	vmul.f32 v4, v8  }
0x9a: {  	s6 =	simm.s32 $0x180;
	[tilespmem:s9+$0x7000] =	vst v10;
	v14 =	vbroadcast v10, $0x1;
	v8 =	vld [tilespmem:s9+$0x5030];
	v5 =	vmul.f32 v13, v5  }
0x9b: {  	v15 =	vbroadcast v10, $0x2;
	v16 =	vbroadcast v10, $0x4;
	v1 =	vld [tilespmem:s6+$0x1000];
	[tilespmem:s9+$0x5060] =	vst v4  }
0x9c: {  	v17 =	vbroadcast v10, $0x5;
	v6 =	vmul.f32 v2, v59;
	v4 =	vld [tilespmem:s8+$0x5060];
	[tilespmem:s9+$0x5000] =	vst v5  }
0x9d: {  	v61 =	vbroadcast v10, $0x3;
	v7 =	vmul.f32 v14, v7;
	v5 =	vld [tilespmem:s8+$0x5000]  }
0x9e: {  	v62 =	vmul.f32 v9, v16;
	v10 =	vmul.f32 v11, v17;
	v2 =	vld [tilespmem:s6+$0x3000];
	[tilespmem:s9+$0x5070] =	vst v6  }
0x9f: {  	v11 =	vmul.f32 v15, v12;
	v6 =	vld [tilespmem:s8+$0x5070];
	[tilespmem:s9+$0x5010] =	vst v7;
	v9 =	vmul.f32 v8, v61;
	v3 =	vpop (erf)  }
0xa0: {  	s10 =	simm.s32 $0x800;
	v7 =	vld [tilespmem:s8+$0x5010];
	[tilespmem:s9+$0x5040] =	vst v62;
	(erf) = vpow2.f32 v63;
	v8 =	vbroadcast v3, $0x7  }
.LBB2_6:
0xa1: {  	s20 =	sshra.s32 s10, $0x2;
	p0 =	sne.s32 s10, $0x7E00;
	s10 =	sadd.s32 $0x200, s10;
	v12 =	vbroadcast v3, $0x1;
	v13 =	vld [tilespmem:s8+$0x5040];
	v14 =	vbroadcast v3, $0x6;
	[tilespmem:s9+$0x5050] =	vst v10  }
0xa2: {  	v10 =	vbroadcast v3, $0x0;
	v15 =	vbroadcast v3, $0x2;
	v16 =	vld [tilespmem:s8+$0x5050];
	[tilespmem:s9+$0x5020] =	vst v11  }
0xa3: {  	v17 =	vbroadcast v3, $0x5;
	v2 =	vadd.f32 v2, v1;
	v11 =	vld [tilespmem:s8+$0x5020];
	v4 =	vmul.f32 v4, v14;
	[tilespmem:s9+$0x5030] =	vst v9;
	s9 =	smov.u32 s8;
	s8 =	smov.u32 s7;
	s7 =	smov.u32 s6  }
0xa4: {  	v5 =	vmul.f32 v10, v5;
	v9 =	vbroadcast v3, $0x3;
	s6 =	smov.u32 s20;
	[tilespmem:s9+$0x7000] =	vst v3;
	v14 =	vld [tilespmem:s9+$0x5030]  }
0xa5: {  	v3 =	vbroadcast v3, $0x4;
	v1 =	vld [tilespmem:s6+$0x1000];
	v10 =	vmul.f32 $2.000000030e-01, v2;
	[tilespmem:s9+$0x5060] =	vst v4  }
.Ltmp1:
0xa6: {  	v6 =	vmul.f32 v6, v8;
	v7 =	vmul.f32 v12, v7;
	v4 =	vld [tilespmem:s8+$0x5060];
	[tilespmem:s9+$0x5000] =	vst v5;
	(pc) =	sbr.rel @p0 .LBB2_6-.Ltmp1, $4  }
0xa7: {  	v12 =	vmul.f32 v13, v3;
	v8 =	vmax.f32 v2, v10;
	v5 =	vld [tilespmem:s8+$0x5000]  }
0xa8: {  	v10 =	vmul.f32 v16, v17;
	v2 =	vld [tilespmem:s6+$0x3000];
	v8 =	vmul.f32 $1.442695020e+00, v8;
	[tilespmem:s9+$0x5070] =	vst v6  }
0xa9: {  	v11 =	vmul.f32 v15, v11;
	v6 =	vld [tilespmem:s8+$0x5070];
	v3 =	vpop (erf);
	[tilespmem:s9+$0x5010] =	vst v7;
	v9 =	vmul.f32 v14, v9  }
0xaa: {  	(erf) = vpow2.f32 v8;
	v7 =	vld [tilespmem:s8+$0x5010];
	v8 =	vbroadcast v3, $0x7;
	[tilespmem:s9+$0x5040] =	vst v12  }
0xab: {  	v12 =	vld [tilespmem:s8+$0x5040];
	[tilespmem:s9+$0x5050] =	vst v10;
	v37 =	vbroadcast v3, $0x6  }
0xac: {  	v38 =	vbroadcast v3, $0x0;
	v10 =	vld [tilespmem:s8+$0x5050];
	[tilespmem:s9+$0x5020] =	vst v11  }
0xad: {  	v40 =	vbroadcast v3, $0x1;
	v13 =	vld [tilespmem:s8+$0x5020];
	[tilespmem:s9+$0x5030] =	vst v9;
	v4 =	vmul.f32 v4, v37  }
0xae: {  	v43 =	vbroadcast v3, $0x4;
	v5 =	vmul.f32 v38, v5;
	v1 =	vadd.f32 v2, v1;
	[tilespmem:s8+$0x7000] =	vst v3  }
0xaf: {  	v44 =	vbroadcast v3, $0x5;
	v39 =	vld [tilespmem:s8+$0x5030];
	v41 =	vmul.f32 v6, v8;
	[tilespmem:s8+$0x5060] =	vst v4  }
0xb0: {  	v7 =	vmul.f32 v40, v7;
	v49 =	vmul.f32 $2.000000030e-01, v1;
	v4 =	vld [tilespmem:s7+$0x5060];
	[tilespmem:s8+$0x5000] =	vst v5  }
0xb1: {  	v45 =	vbroadcast v3, $0x2;
	v8 =	vmul.f32 v12, v43;
	v42 =	vld [tilespmem:s7+$0x5000];
	[tilespmem:s8+$0x5070] =	vst v41  }
0xb2: {  	v3 =	vbroadcast v3, $0x3;
	v9 =	vmul.f32 v10, v44;
	v1 =	vmax.f32 v1, v49;
	v5 =	vld [tilespmem:s7+$0x5070];
	[tilespmem:s8+$0x5010] =	vst v7  }
0xb3: {  	v46 =	vmul.f32 v45, v13;
	v1 =	vmul.f32 $1.442695020e+00, v1;
	v7 =	vld [tilespmem:s7+$0x5010];
	[tilespmem:s8+$0x5040] =	vst v8  }
0xb4: {  	v2 =	vpop (erf);
	v3 =	vmul.f32 v39, v3;
	v8 =	vld [tilespmem:s7+$0x5040];
	[tilespmem:s8+$0x5050] =	vst v9  }
0xb5: {  	v47 =	vbroadcast v2, $0x6;
	(erf) = vpow2.f32 v1;
	v9 =	vld [tilespmem:s7+$0x5050];
	[tilespmem:s8+$0x5020] =	vst v46  }
0xb6: {  	v48 =	vld [tilespmem:s7+$0x5020];
	[tilespmem:s8+$0x5030] =	vst v3;
	v3 =	vbroadcast v2, $0x0  }
0xb7: {  	v4 =	vmul.f32 v4, v47  }
0xb8: {  	v51 =	vbroadcast v2, $0x7;
	[tilespmem:s7+$0x7000] =	vst v2;
	v3 =	vmul.f32 v3, v42  }
0xb9: {  	v52 =	vbroadcast v2, $0x1;
	v50 =	vld [tilespmem:s7+$0x5030];
	[tilespmem:s7+$0x5060] =	vst v4  }
0xba: {  	v53 =	vbroadcast v2, $0x4;
	v4 =	vld [tilespmem:s6+$0x5060];
	[tilespmem:s7+$0x5000] =	vst v3;
	v3 =	vmul.f32 v5, v51  }
0xbb: {  	v54 =	vbroadcast v2, $0x5;
	v6 =	vmul.f32 v52, v7  }
0xbc: {  	v55 =	vbroadcast v2, $0x2;
	v5 =	vmul.f32 v8, v53;
	v1 =	vld [tilespmem:s6+$0x5000];
	[tilespmem:s7+$0x5070] =	vst v3  }
0xbd: {  	v2 =	vbroadcast v2, $0x3;
	v7 =	vmul.f32 v9, v54;
	v3 =	vld [tilespmem:s6+$0x5070];
	[tilespmem:s7+$0x5010] =	vst v6  }
0xbe: {  	v8 =	vmul.f32 v55, v48;
	v56 =	vpop (erf);
	v6 =	vld [tilespmem:s6+$0x5010];
	[tilespmem:s7+$0x5040] =	vst v5  }
0xbf: {  	v2 =	vmul.f32 v50, v2;
	v57 =	vbroadcast v56, $0x6;
	v5 =	vld [tilespmem:s6+$0x5040];
	[tilespmem:s7+$0x5050] =	vst v7  }
0xc0: {  	v59 =	vbroadcast v56, $0x0;
	v7 =	vld [tilespmem:s6+$0x5050];
	[tilespmem:s7+$0x5020] =	vst v8  }
0xc1: {  	v4 =	vmul.f32 v4, v57;
	v58 =	vld [tilespmem:s6+$0x5020];
	[tilespmem:s7+$0x5030] =	vst v2;
	v2 =	vbroadcast v56, $0x7  }
0xc2: {  	v60 =	vbroadcast v56, $0x1;
	v1 =	vmul.f32 v59, v1;
	[tilespmem:s6+$0x7000] =	vst v56  }
0xc3: {  	v62 =	vbroadcast v56, $0x4;
	v61 =	vld [tilespmem:s6+$0x5030];
	[tilespmem:s6+$0x5060] =	vst v4;
	v2 =	vmul.f32 v3, v2  }
0xc4: {  	[tilespmem:s6+$0x5000] =	vst v1;
	v3 =	vbroadcast v56, $0x5;
	v1 =	vmul.f32 v60, v6  }
0xc5: {  	v63 =	vbroadcast v56, $0x2;
	v5 =	vmul.f32 v5, v62;
	[tilespmem:s6+$0x5070] =	vst v2  }
0xc6: {  	v2 =	vbroadcast v56, $0x3;
	v3 =	vmul.f32 v7, v3;
	[tilespmem:s6+$0x5010] =	vst v1  }
0xc7: {  	v1 =	vmul.f32 v63, v58;
	[tilespmem:s6+$0x5040] =	vst v5  }
0xc8: {  	v2 =	vmul.f32 v61, v2;
	[tilespmem:s6+$0x5050] =	vst v3  }
0xc9: {  	[tilespmem:s6+$0x5020] =	vst v1  }
0xca: {  	[tilespmem:s6+$0x5030] =	vst v2  }
0xcb: {  	[spmem:s12] =	stream.indirect.scatter.add.f32 [tilespmem:s13], [sflag:$0x4], $0x80, s5, s23, $0xb8;
	[tilespmem:$0x1D000] =	vst v63  }
0xcc: {  	s20 =	sadd.s32 s3, s4;
	s4 =	sadd.s32 $0x1, s4;
	_ =	swait.ge [sflag:s14], $0x2000  }
0xcd: {  	p0 =	sne.s32 s4, $0x10;
	s5 =	sshll.u32 s20, $0xA;
	[sflag:s14] =	ssyncset.done $0x0  }
.Ltmp2:
0xce: {  	s5 =	sadd.s32 s19, s5;
	[sflag:s14] =	ssyncadd.s32 $0xFFFFE000;
	(pc) =	sbr.rel @p0 .LBB2_5-.Ltmp2, $4  }
0xcf: {  	[hbm4b:s5+s2] =	stream.linear.scatter [tilespmem:s30], [sflag:$0x4], $0x2000, $0x38;
	[tilespmem:$0x1D000] =	vst v63  }
0xd0: {  	_ =	swait.ge [sflag:s14], $0x2000  }
0xd1: {  	[sflag:s14] =	ssyncset.done $0x0  }
0xd2: {  	[sflag:s14] =	ssyncadd.s32 $0xFFFFE000  }
0xd3: {  	s0 =	sadd.s32 $0x1, s0  }
0xd4: {  	p0 =	sne.s32 s0, $0xA  }
.Ltmp3:
0xd5: {  	_ = 	snop;
	(pc) =	sbr.rel @p0 .LBB2_4-.Ltmp3, $1  }
0xd6: {  	_ =	sdelay $0x3  }
0xd7: {  	[bflag:$0x0] =	sbarrier.arrive $0xFFFF  }
0xd8: {  	s6 =	rddreg [dreg:$0xe]  }
0xd9: {  	[tilespmem:s13], [sflag:$0x4] =	stream.linear.gather [spmem:s6], $0x2000, $0x38;
	[tilespmem:$0x1D000] =	vst v63  }
0xda: {  	_ =	swait.ge [sflag:s14], $0x2000  }
0xdb: {  	[sflag:s14] =	ssyncset.done $0x0  }
0xdc: {  	s0 =	rddreg [dreg:$0x4];
	[sflag:s14] =	ssyncadd.s32 $0xFFFFE000  }
0xdd: {  	[hbm4b:s0+s2] =	stream.linear.scatter [tilespmem:s13], [sflag:$0x4], $0x2000, $0x38;
	[tilespmem:$0x1D000] =	vst v63  }
0xde: {  	_ =	swait.ge [sflag:s14], $0x2000  }
0xdf: {  	[sflag:s14] =	ssyncset.done $0x0  }
0xe0: {  	s9 =	rddreg [dreg:$0x10];
	[sflag:s14] =	ssyncadd.s32 $0xFFFFE000  }
0xe1: {  	[tilespmem:s13], [sflag:$0x4] =	stream.linear.gather [spmem:s9], $0x2000, $0x38;
	[tilespmem:$0x1D000] =	vst v63  }
0xe2: {  	_ =	swait.ge [sflag:s14], $0x2000  }
0xe3: {  	[sflag:s14] =	ssyncset.done $0x0  }
0xe4: {  	s10 =	rddreg [dreg:$0x5];
	[sflag:s14] =	ssyncadd.s32 $0xFFFFE000  }
0xe5: {  	[hbm4b:s10+s2] =	stream.linear.scatter [tilespmem:s13], [sflag:$0x4], $0x2000, $0x38;
	[tilespmem:$0x1D000] =	vst v63  }
0xe6: {  	_ =	swait.ge [sflag:s14], $0x2000  }
0xe7: {  	[sflag:s14] =	ssyncset.done $0x0  }
0xe8: {  	s20 =	rddreg [dreg:$0x11];
	[sflag:s14] =	ssyncadd.s32 $0xFFFFE000  }
0xe9: {  	[tilespmem:s13], [sflag:$0x4] =	stream.linear.gather [spmem:s20], $0x2000, $0x38;
	[tilespmem:$0x1D000] =	vst v63  }
0xea: {  	_ =	swait.ge [sflag:s14], $0x2000  }
0xeb: {  	[sflag:s14] =	ssyncset.done $0x0  }
0xec: {  	s3 =	rddreg [dreg:$0x6];
	[sflag:s14] =	ssyncadd.s32 $0xFFFFE000  }
0xed: {  	[hbm4b:s3+s2] =	stream.linear.scatter [tilespmem:s13], [sflag:$0x4], $0x2000, $0x38;
	[tilespmem:$0x1D000] =	vst v63  }
0xee: {  	_ =	swait.ge [sflag:s14], $0x2000  }
0xef: {  	[sflag:s14] =	ssyncset.done $0x0  }
0xf0: {  	s4 =	rddreg [dreg:$0x12];
	[sflag:s14] =	ssyncadd.s32 $0xFFFFE000  }
0xf1: {  	[tilespmem:s13], [sflag:$0x4] =	stream.linear.gather [spmem:s4], $0x2000, $0x38;
	[tilespmem:$0x1D000] =	vst v63  }
0xf2: {  	_ =	swait.ge [sflag:s14], $0x2000  }
0xf3: {  	[sflag:s14] =	ssyncset.done $0x0  }
0xf4: {  	s5 =	rddreg [dreg:$0x7];
	[sflag:s14] =	ssyncadd.s32 $0xFFFFE000  }
0xf5: {  	[hbm4b:s5+s2] =	stream.linear.scatter [tilespmem:s13], [sflag:$0x4], $0x2000, $0x38;
	[tilespmem:$0x1D000] =	vst v63  }
0xf6: {  	_ =	swait.ge [sflag:s14], $0x2000  }
0xf7: {  	[sflag:s14] =	ssyncset.done $0x0  }
0xf8: {  	s7 =	rddreg [dreg:$0x13];
	[sflag:s14] =	ssyncadd.s32 $0xFFFFE000  }
0xf9: {  	[tilespmem:s13], [sflag:$0x4] =	stream.linear.gather [spmem:s7], $0x2000, $0x38;
	[tilespmem:$0x1D000] =	vst v63  }
0xfa: {  	_ =	swait.ge [sflag:s14], $0x2000  }
0xfb: {  	[sflag:s14] =	ssyncset.done $0x0  }
0xfc: {  	s8 =	rddreg [dreg:$0x8];
	[sflag:s14] =	ssyncadd.s32 $0xFFFFE000  }
0xfd: {  	[hbm4b:s8+s2] =	stream.linear.scatter [tilespmem:s13], [sflag:$0x4], $0x2000, $0x38;
	[tilespmem:$0x1D000] =	vst v63  }
0xfe: {  	_ =	swait.ge [sflag:s14], $0x2000  }
0xff: {  	[sflag:s14] =	ssyncset.done $0x0  }
0x100: {  	s9 =	rddreg [dreg:$0x14];
	[sflag:s14] =	ssyncadd.s32 $0xFFFFE000  }
0x101: {  	[tilespmem:s13], [sflag:$0x4] =	stream.linear.gather [spmem:s9], $0x2000, $0x38;
	[tilespmem:$0x1D000] =	vst v63  }
0x102: {  	_ =	swait.ge [sflag:s14], $0x2000  }
0x103: {  	[sflag:s14] =	ssyncset.done $0x0  }
0x104: {  	s10 =	rddreg [dreg:$0x9];
	[sflag:s14] =	ssyncadd.s32 $0xFFFFE000  }
0x105: {  	[hbm4b:s10+s2] =	stream.linear.scatter [tilespmem:s13], [sflag:$0x4], $0x2000, $0x38;
	[tilespmem:$0x1D000] =	vst v63  }
0x106: {  	_ =	swait.ge [sflag:s14], $0x2000  }
0x107: {  	[sflag:s14] =	ssyncset.done $0x0  }
0x108: {  	s20 =	rddreg [dreg:$0x15];
	[sflag:s14] =	ssyncadd.s32 $0xFFFFE000  }
0x109: {  	[tilespmem:s13], [sflag:$0x4] =	stream.linear.gather [spmem:s20], $0x2000, $0x38;
	[tilespmem:$0x1D000] =	vst v63  }
0x10a: {  	_ =	swait.ge [sflag:s14], $0x2000  }
0x10b: {  	[sflag:s14] =	ssyncset.done $0x0  }
0x10c: {  	s3 =	rddreg [dreg:$0xa];
	[sflag:s14] =	ssyncadd.s32 $0xFFFFE000  }
0x10d: {  	[hbm4b:s3+s2] =	stream.linear.scatter [tilespmem:s13], [sflag:$0x4], $0x2000, $0x38;
	[tilespmem:$0x1D000] =	vst v63  }
0x10e: {  	_ =	swait.ge [sflag:s14], $0x2000  }
0x10f: {  	[sflag:s14] =	ssyncset.done $0x0  }
0x110: {  	s4 =	rddreg [dreg:$0x16];
	[sflag:s14] =	ssyncadd.s32 $0xFFFFE000  }
0x111: {  	[tilespmem:s13], [sflag:$0x4] =	stream.linear.gather [spmem:s4], $0x2000, $0x38;
	[tilespmem:$0x1D000] =	vst v63  }
0x112: {  	_ =	swait.ge [sflag:s14], $0x2000  }
0x113: {  	[sflag:s14] =	ssyncset.done $0x0  }
0x114: {  	s5 =	rddreg [dreg:$0xb];
	[sflag:s14] =	ssyncadd.s32 $0xFFFFE000  }
0x115: {  	[hbm4b:s5+s2] =	stream.linear.scatter [tilespmem:s13], [sflag:$0x4], $0x2000, $0x38;
	[tilespmem:$0x1D000] =	vst v63  }
0x116: {  	_ =	swait.ge [sflag:s14], $0x2000  }
0x117: {  	[sflag:s14] =	ssyncset.done $0x0  }
0x118: {  	s7 =	rddreg [dreg:$0x17];
	[sflag:s14] =	ssyncadd.s32 $0xFFFFE000  }
0x119: {  	[tilespmem:s13], [sflag:$0x4] =	stream.linear.gather [spmem:s7], $0x2000, $0x38;
	[tilespmem:$0x1D000] =	vst v63  }
0x11a: {  	_ =	swait.ge [sflag:s14], $0x2000  }
0x11b: {  	[sflag:s14] =	ssyncset.done $0x0  }
0x11c: {  	s8 =	rddreg [dreg:$0xc];
	[sflag:s14] =	ssyncadd.s32 $0xFFFFE000  }
0x11d: {  	[hbm4b:s8+s2] =	stream.linear.scatter [tilespmem:s13], [sflag:$0x4], $0x2000, $0x38;
	[tilespmem:$0x1D000] =	vst v63  }
0x11e: {  	_ =	swait.ge [sflag:s14], $0x2000  }
0x11f: {  	[sflag:s14] =	ssyncset.done $0x0  }
0x120: {  	s9 =	rddreg [dreg:$0x18];
	[sflag:s14] =	ssyncadd.s32 $0xFFFFE000  }
0x121: {  	[tilespmem:s13], [sflag:$0x4] =	stream.linear.gather [spmem:s9], $0x2000, $0x38;
	[tilespmem:$0x1D000] =	vst v63  }
0x122: {  	_ =	swait.ge [sflag:s14], $0x2000  }
0x123: {  	[sflag:s14] =	ssyncset.done $0x0  }
0x124: {  	s10 =	rddreg [dreg:$0xd];
	[sflag:s14] =	ssyncadd.s32 $0xFFFFE000  }
0x125: {  	[hbm4b:s10+s2] =	stream.linear.scatter [tilespmem:s13], [sflag:$0x4], $0x2000, $0x38;
	[tilespmem:$0x1D000] =	vst v63  }
0x126: {  	_ =	swait.ge [sflag:s14], $0x2000  }
0x127: {  	s31 =	sadd.s32 $0x1, s31;
	s20 =	rddreg [dreg:$0xf]  }
0x128: {  	p0 =	sne.s32 s31, s20  }
.Ltmp4:
0x129: {  	_ = 	snop;
	(pc) =	sbr.rel @p0 .LBB2_1-.Ltmp4, $3  }
0x12a: {  	_ =	sdelay $0x1  }
0x12b: {  	[sflag:s14] =	ssyncset.done $0x0  }
0x12c: {  	[sflag:s14] =	ssyncadd.s32 $0xFFFFE000  }
0x12d: {  	_ =	sfence.sel $0x180000  }
0x12e: {  	[bflag:$0x0] =	sbarrier.arrive $0xFFFF  }
0x12f: {  	_ =	strace $0x9000004D  }
0x130: {  	s0 =	stileid.u32;
	[bflag:$0x2] =	sbarrier.arrive $0xFFFF  }
0x131: {  	p0 =	sne.s32 s0, $0x0;
	s0 =	rddreg [dreg:$0x3]  }
0x132: {  	s0 =	sadd.s32 @!p0 $0x100000, s0  }
0x133: {  	[sflag:s0] =	ssyncadd.tile.s32 @!p0 $0x1;
	_ =	shalt  }
.Lfunc_end2:
_tile_overlayer_lowered:
.L_overlay_start_2:
0x134: {  	(tag) =	ssettag $0x2  }
0x135: {  	s0 =	rddreg [dreg:$0x0];
	s2 =	stileid.u32  }
0x136: {  	s1 =	rddreg [dreg:$0x1];
	p0 =	sne.s32 s2, $0x0  }
0x137: {  	s3 =	rddreg [dreg:$0x2];
	[bflag:$0x3] =	sbarrier.arrive $0xFFFF;
	s2 =	simm.s32 @!p0 $0x1C04  }
0x138: {  	[timem:s3], [sflag:s2] =	dma.local @!p0 [hbm:s0], s1  }
0x139: {  	s0 =	simm.s32 @!p0 $0x4  }
0x13a: {  	_ =	swait.ge @!p0 [sflag:s0], s1  }
0x13b: {  	s1 =	ssub.s32 @!p0 $0x0, s1;
	[sflag:s0] =	ssyncset.done @!p0 $0x0  }
0x13c: {  	[sflag:s0] =	ssyncadd.s32 @!p0 s1  }
0x13d: {  	[bflag:$0x3] =	sbarrier.arrive $0xFFFF  }
0x13e: {  	_ =	shalt  }

// kernel: kernel.18.cloned.1.call-start
scs
__scs_entry_jumppad:
0x0: {  	(pc) =	sbr.rel $0x88, $3  }
0x1: {  	(tag) =	ssettag $0x0;
	lr =	simm.s32 $0x1  }
0x2: {  	[smem:$0x3F97] =	sst lr;
	_ =	strace $0xD0000000  }
0x3: {  	_ = 	snop  }
0x4: {  	_ = 	snop  }
0x5: {  	_ = 	snop  }
0x6: {  	_ = 	snop  }
0x7: {  	_ = 	snop  }
__scs_overlays_trampoline_lowered:
0x8: {  	[smem:$0x3FA6] =	sst s0  }
0x9: {  	[smem:$0x3FA7] =	sst s1  }
0xa: {  	[smem:$0x3FA8] =	sst s2  }
0xb: {  	[smem:$0x3FA9] =	sst s3  }
0xc: {  	[smem:$0x3FAA] =	sst s4  }
0xd: {  	[smem:$0x3FAB] =	sst s5  }
0xe: {  	[smem:$0x3FAC] =	sst s6  }
0xf: {  	[smem:$0x3FAD] =	sst s7  }
0x10: {  	[smem:$0x3FAE] =	sst s8  }
0x11: {  	[smem:$0x3FAF] =	sst s9;
	s0 =	simm.s32 @!p0 $0x0  }
0x12: {  	s1 =	sld [smem:$0x3F95];
	s0 =	simm.s32 @p0 $0x1  }
0x13: {  	[smem:$0x3FB0] =	sst s0;
	s0 =	simm.s32 @!p1 $0x0  }
0x14: {  	s2 =	sld [smem:$0x3F94];
	s0 =	simm.s32 @p1 $0x1  }
0x15: {  	[smem:$0x3FB1] =	sst s0;
	s0 =	simm.s32 @!p2 $0x0  }
0x16: {  	s3 =	sld [smem:$0x3FDB];
	s0 =	simm.s32 @p2 $0x1  }
0x17: {  	s4 =	simm.s32 $0x1BF5;
	[smem:$0x3FB3] =	sst s0  }
0x18: {  	s0 =	sld [smem:$0x3F96];
	_ =	swait.ge [sflag:s4], $0x0  }
0x19: {  	s7 =	sld [smem:$0x3F97]  }
0x1a: {  	s8 =	sadd.s32 $0xFFFFE003, lr  }
0x1b: {  	s9 =	sadd.s32 $0xFFFFFEF7, lr;
	s5 =	simm.s32 $0xFFFFFFFF;
	p2 =	slt.u32 s8, $0xFFFFF086  }
0x1c: {  	p1 =	slt.u32 s9, $0xF7A;
	s5 =	simm.s32 @!p2 $0x0  }
0x1d: {  	s5 =	simm.s32 @p1 $0x1;
	p0 =	seq.s32 s7, s2  }
0x1e: {  	s7 =	smul.u32 @!p0 $0xF7A, s2;
	p2 =	seq.s32 @!p0 s5, $0x0  }
0x1f: {  	s9 =	smul.u32 $0xF7A, s1;
	s8 =	simm.s32 @!p0 $0x1BF5;
	p2 =	por !p2, p0  }
0x20: {  	[sflag:s8] =	ssyncset.s32 @!p0 $0xFFFFF086;
	s6 =	sadd.s32 @!p0 s3, s7;
	s7 =	simm.s32 @!p0 $0x108  }
0x21: {  	s3 =	sadd.s32 s3, s9;
	s6 =	sadd.s32 @!p0 $0x88, s6;
	s7 =	simm.s32 @p2 $0x1082  }
0x22: {  	[simem:s7], [sflag:s8] =	dma.local @!p0 [hbm:s6], $0xF7A  }
0x23: {  	s9 =	sor.u32 $0xD0000000, s2;
	s6 =	simm.s32 $0x108;
	_ =	swait.ge @!p0 [sflag:s8], $0x0  }
0x24: {  	s3 =	sadd.s32 $0x88, s3;
	s6 =	simm.s32 @!p1 $0x1082;
	[sflag:s4] =	ssyncset.s32 $0xFFFFF086  }
0x25: {  	[simem:s6], [sflag:s4] =	dma.local [hbm:s3], $0xF7A  }
0x26: {  	[smem:$0x3F97] =	sst s1;
	(tag) =	ssettag s2;
	_ =	strace s9  }
0x27: {  	s1 =	sld [smem:$0x3FA7]  }
0x28: {  	s2 =	sld [smem:$0x3FA8]  }
0x29: {  	s4 =	sld [smem:$0x3FAA]  }
0x2a: {  	p0 =	seq.s32 s5, $0x0;
	s5 =	sld [smem:$0x3FAB]  }
0x2b: {  	s6 =	sld [smem:$0x3FAC]  }
0x2c: {  	s7 =	sld [smem:$0x3FAD]  }
0x2d: {  	s3 =	simm.s32 $0x108;
	s8 =	sld [smem:$0x3FAE]  }
0x2e: {  	s3 =	simm.s32 @!p0 $0x1082;
	s9 =	sld [smem:$0x3FAF]  }
0x2f: {  	lr =	sadd.s32 s0, s3;
	s0 =	sld [smem:$0x3FA6]  }
0x30: {  	s3 =	sld [smem:$0x3FA9]  }
0x31: {  	[smem:$0x3FB2] =	sst s10  }
0x32: {  	s10 =	sld [smem:$0x3FB0];
	_ =	sdelay $0x3  }
0x33: {  	p0 =	seq.s32 s10, $0x1;
	s10 =	sld [smem:$0x3FB2];
	_ =	sdelay $0x3  }
0x34: {  	[smem:$0x3FB2] =	sst s10  }
0x35: {  	s10 =	sld [smem:$0x3FB1];
	_ =	sdelay $0x3  }
0x36: {  	p1 =	seq.s32 s10, $0x1;
	s10 =	sld [smem:$0x3FB2];
	_ =	sdelay $0x3  }
0x37: {  	[smem:$0x3FB2] =	sst s10  }
0x38: {  	s10 =	sld [smem:$0x3FB3]  }
0x39: {  	_ = 	snop;
	(pc) =	sbr.ind lr, $3  }
0x3a: {  	_ = 	snop  }
0x3b: {  	_ = 	snop  }
0x3c: {  	p2 =	seq.s32 s10, $0x1;
	s10 =	sld [smem:$0x3FB2]  }
0x3d: {  	_ =	shalt  }
0x3e: {  	_ =	shalt  }
0x3f: {  	_ =	shalt  }
0x40: {  	_ =	shalt  }
0x41: {  	_ =	shalt  }
0x42: {  	_ =	shalt  }
0x43: {  	_ =	shalt  }
0x44: {  	_ =	shalt  }
0x45: {  	_ =	shalt  }
0x46: {  	_ =	shalt  }
0x47: {  	_ =	shalt  }
0x48: {  	_ =	shalt  }
0x49: {  	_ =	shalt  }
0x4a: {  	_ =	shalt  }
0x4b: {  	_ =	shalt  }
0x4c: {  	_ =	shalt  }
0x4d: {  	_ =	shalt  }
0x4e: {  	_ =	shalt  }
0x4f: {  	_ =	shalt  }
0x50: {  	_ =	shalt  }
0x51: {  	_ =	shalt  }
0x52: {  	_ =	shalt  }
0x53: {  	_ =	shalt  }
0x54: {  	_ =	shalt  }
0x55: {  	_ =	shalt  }
0x56: {  	_ =	shalt  }
0x57: {  	_ =	shalt  }
0x58: {  	_ =	shalt  }
0x59: {  	_ =	shalt  }
0x5a: {  	_ =	shalt  }
0x5b: {  	_ =	shalt  }
0x5c: {  	_ =	shalt  }
0x5d: {  	_ =	shalt  }
0x5e: {  	_ =	shalt  }
0x5f: {  	_ =	shalt  }
0x60: {  	_ =	shalt  }
0x61: {  	_ =	shalt  }
0x62: {  	_ =	shalt  }
0x63: {  	_ =	shalt  }
0x64: {  	_ =	shalt  }
0x65: {  	_ =	shalt  }
0x66: {  	_ =	shalt  }
0x67: {  	_ =	shalt  }
0x68: {  	_ =	shalt  }
0x69: {  	_ =	shalt  }
0x6a: {  	_ =	shalt  }
0x6b: {  	_ =	shalt  }
0x6c: {  	_ =	shalt  }
0x6d: {  	_ =	shalt  }
0x6e: {  	_ =	shalt  }
0x6f: {  	_ =	shalt  }
0x70: {  	_ =	shalt  }
0x71: {  	_ =	shalt  }
0x72: {  	_ =	shalt  }
0x73: {  	_ =	shalt  }
0x74: {  	_ =	shalt  }
0x75: {  	_ =	shalt  }
0x76: {  	_ =	shalt  }
0x77: {  	_ =	shalt  }
0x78: {  	_ =	shalt  }
0x79: {  	_ =	shalt  }
0x7a: {  	_ =	shalt  }
0x7b: {  	_ =	shalt  }
0x7c: {  	_ =	shalt  }
0x7d: {  	_ =	shalt  }
0x7e: {  	_ =	shalt  }
0x7f: {  	_ =	shalt  }
0x80: {  	_ =	shalt  }
0x81: {  	_ =	shalt  }
0x82: {  	_ =	shalt  }
0x83: {  	_ =	shalt  }
0x84: {  	_ =	shalt  }
0x85: {  	_ =	shalt  }
0x86: {  	_ =	shalt  }
0x87: {  	_ =	shalt  }
.Lfunc_end0:
.L_simem_size_0:
called_computation.3_lowered:
.L_overlay_start_0:
0x88: {  	s2 =	sld [smem:$0x3FD9]  }
0x89: {  	s3 =	sld [smem:$0x3FFE];
	_ =	sdelay $0x1  }
0x8a: {  	s1 =	srdreg.scid  }
0x8b: {  	s0 =	sand.u32 $0x1, s1  }
0x8c: {  	s16 =	sshll.u32 s0, $0xA;
	s2 =	sadd.s32 s3, s2  }
0x8d: {  	s2 =	sadd.s32 s2, s16  }
0x8e: {  	[smem:$0x3FBE] =	sst s2  }
0x8f: {  	_ = 	snop  }
0x90: {  	(tm) =	ssettm $0x1  }
0x91: {  	s17 =	sld [smem:$0x3FFB];
	_ =	sdelay $0x3  }
0x92: {  	_ =	strace s17  }
0x93: {  	s2 =	sld [smem:$0x3FFC];
	_ =	sdelay $0x3  }
0x94: {  	_ =	strace s2  }
0x95: {  	s2 =	sld [smem:$0x3FFD];
	_ =	sdelay $0x3  }
0x96: {  	_ =	strace s2  }
0x97: {  	_ =	strace $0x8FFFFFFF  }
0x98: {  	s18 =	sld [smem:$0x3FDB];
	_ =	sdelay $0x1  }
0x99: {  	s19 =	simm.s32 $_scs_section_size  }
0x9a: {  	s4 =	simm.s32 $_size__tile_overlayer_lowered;
	s5 =	simm.s32 $_tile_overlayer_lowered  }
0x9b: {  	s22 =	simm.s32 $0x1BFF;
	s21 =	sshll.u32 s5, $0x1;
	s2 =	sadd.s32 s19, s18  }
0x9c: {  	s6 =	simm.s32 $0x0;
	s20 =	sshll.u32 s4, $0x1;
	s4 =	sadd.s32 s21, s2  }
0x9d: {  	[timem:s6], [sflag:s22] =	dma.local [hbm:s4], s20  }
0x9e: {  	_ =	swait.ge [sflag:s22], s20  }
0x9f: {  	s3 =	ssub.s32 $0x0, s20;
	[sflag:s22] =	ssyncset.done $0x0  }
0xa0: {  	[sflag:s22] =	ssyncadd.s32 s3;
	_ =	sdelay $0x1  }
0xa1: {  	s23 =	simm.s32 $0x1B8B  }
0xa2: {  	_ =	swait.ge [sflag:s23], $0x1  }
0xa3: {  	[sflag:s23] =	ssyncset.done $0x0  }
0xa4: {  	s25 =	simm.s32 $0x1B8E;
	s24 =	sld [smem:$0x3FFE];
	[sflag:s23] =	ssyncadd.s32 $0xFFFFFFFF  }
0xa5: {  	s26 =	simm.s32 $execute0_lowered;
	[smem:$0x3FD2] =	sst s25  }
0xa6: {  	s4 =	sshll.u32 s26, $0x1;
	_ =	strace $0x8000004F;
	[dreg:$0x1] =	wrdreg $0xFFFFFFFF  }
0xa7: {  	s28 =	simm.s32 $_size_execute0_lowered;
	s2 =	sadd.s32 s2, s4;
	[dreg:$0x0] =	wrdreg $0x0  }
0xa8: {  	s4 =	sshll.u32 s28, $0x1;
	[dreg:$0x2] =	wrdreg s2  }
0xa9: {  	[dreg:$0x3] =	wrdreg s4  }
0xaa: {  	[dreg:$0x4] =	wrdreg $0xC0  }
0xab: {  	_ =	task [dreg:s6], $0x5FFFF  }
0xac: {  	[dreg:$0x1] =	wrdreg $0xFFFFFFFF  }
0xad: {  	[dreg:$0x0] =	wrdreg $0x60  }
0xae: {  	[dreg:$0x2] =	wrdreg s24  }
0xaf: {  	[dreg:$0x3] =	wrdreg $0x88000  }
0xb0: {  	[dreg:$0x4] =	wrdreg $0x9  }
0xb1: {  	_ =	task.clear_ibuf [dreg:s6], $0x5FFFF;
	_ =	strace $0x9000004F  }
0xb2: {  	s29 =	simm.s32 $0x9;
	_ =	strace $0x80000051  }
0xb3: {  	_ =	swait.ge [sflag:s29], $0x1  }
0xb4: {  	[sflag:s29] =	ssyncadd.s32 $0xFFFFFFFF  }
0xb5: {  	_ =	strace $0x90000051  }
0xb6: {  	_ =	sfence  }
0xb7: {  	s30 =	sld [smem:$0x0];
	_ =	sdelay $0x2  }
0xb8: {  	s31 =	sshll.u32 s1, $0xD;
	s1 =	sshrl.u32 s1, $0x2  }
0xb9: {  	s3 =	sand.u32 $0x4000, s31;
	s1 =	sadd.s32 s1, s30  }
0xba: {  	s0 =	sor.u32 s3, s0;
	s1 =	sshll.u32 s1, $0x11  }
0xbb: {  	s0 =	sor.u32 s1, s0  }
0xbc: {  	s0 =	sadd.s32 $0x8F2B, s0  }
0xbd: {  	[sflag:s0] =	ssyncadd.remote.s32 $0x1  }
0xbe: {  	_ =	sfence.sel $0xFFFF  }
0xbf: {  	[dreg:$0x0] =	wrdreg $0xFFFFFFFF;
	(pc) =	sbr.abs _section_cstart, $3  }
0xc0: {  	[dreg:$0x1] =	wrdreg $0xFFFFFFFF  }
0xc1: {  	_ =	task.clear_ibuf [dreg:s6], $0x2FFFF;
	_ =	strace $0x9FFFFFFF  }
0xc2: {  	(tm) =	ssettm $0x7FFFFFFF  }
0xc3: {  	_ =	shalt  }
tec
execute0_lowered:
.L_overlay_start_1:
0x0: {  	(tag) =	ssettag $0x1  }
0x1: {  	s0 =	rddreg [dreg:$0x0]  }
0x2: {  	s1 =	rddreg [dreg:$0x1];
	s2 =	simm.s32 $0x0;
	s3 =	srdreg.scid  }
0x3: {  	s10 =	stileid.u32;
	s28 =	simm.s32 $0x0;
	[smem:$0x7FF] =	sst s2  }
0x4: {  	s4 =	sadd.s32 $0x99800, s0;
	s3 =	sand.u32 $0x1, s3;
	s5 =	sadd.s32 $0x3800, s0  }
0x5: {  	s0 =	sadd.s32 $0x5E9800, s0;
	s8 =	smul.u32 $0x50000, s10;
	s20 =	sshll.u32 s10, $0x1  }
0x6: {  	s19 =	smul.u32 $0x280, s10;
	_ =	strace $0x80000050;
	s6 =	ssub.s32 $0x2, s3  }
0x7: {  	s21 =	sor.u32 s3, s20;
	s3 =	smul.u32 $0x2800, s3;
	s7 =	sshrl.u32 s6, $0x1  }
0x8: {  	s22 =	sshrl.u32 s8, $0x2;
	s14 =	sadd.s32 $0x80, s19;
	s16 =	sadd.s32 $0x100, s19  }
0x9: {  	s20 =	sadd.s32 $0x180, s19;
	s9 =	ssub.s32 s6, s7;
	s6 =	sadd.s32 s22, s1  }
0xa: {  	s7 =	smul.u32 $0x50, s21;
	s24 =	sadd.s32 s3, s19;
	s25 =	sadd.s32 s3, s14  }
0xb: {  	s14 =	sshll.u32 s14, $0x7;
	s26 =	sadd.s32 s3, s16;
	s16 =	sshll.u32 s16, $0x7  }
0xc: {  	s29 =	sshll.u32 s20, $0x7;
	s30 =	sadd.s32 s3, s20;
	s19 =	sadd.s32 $0x200, s19  }
0xd: {  	s22 =	simm.s32 $0x4800;
	s23 =	smax.u32 s9, $0x1;
	s9 =	sadd.s32 $0x4000, s6  }
0xe: {  	s10 =	sadd.s32 $0x8000, s6;
	s11 =	sadd.s32 $0xC000, s6;
	s8 =	sshll.u32 s24, $0x4  }
0xf: {  	s12 =	sadd.s32 $0x10000, s6;
	s14 =	sadd.s32 s14, s1;
	s16 =	sadd.s32 s16, s1  }
0x10: {  	s18 =	sadd.s32 s29, s1;
	s31 =	sshll.u32 s19, $0x7;
	s3 =	sadd.s32 s3, s19  }
0x11: {  	s24 =	simm.s32 $0x800;
	[dreg:$0x3] =	wrdreg s23;
	s13 =	sadd.s32 s0, s8  }
0x12: {  	s8 =	sshll.u32 s25, $0x4;
	s20 =	sadd.s32 s31, s1;
	s3 =	sshll.u32 s3, $0x4  }
0x13: {  	s23 =	simm.s32 $0x1;
	s15 =	sadd.s32 s0, s8;
	s8 =	sshll.u32 s26, $0x4  }
0x14: {  	s25 =	simm.s32 $0x80;
	s17 =	sadd.s32 s0, s8;
	s8 =	sshll.u32 s30, $0x4  }
0x15: {  	v0 =	vimm.f32 $0.0e+00;
	s21 =	sadd.s32 s0, s3;
	s26 =	simm.s32 $0x0;
	s19 =	sadd.s32 s0, s8  }
.LBB2_1:
0x16: {  	s0 =	simm.s32 $0x0;
	s3 =	simm.s32 $0x200  }
.LBB2_2:
0x17: {  	p0 =	sne.s32 s3, $0xFE00;
	[tilespmem:s0+$0x4870] =	vst v0  }
0x18: {  	[tilespmem:s0+$0x4800] =	vst v0  }
0x19: {  	[tilespmem:s0+$0x4810] =	vst v0  }
.Ltmp0:
0x1a: {  	[tilespmem:s0+$0x4820] =	vst v0;
	(pc) =	sbr.rel @p0 .LBB2_2-.Ltmp0, $4  }
0x1b: {  	[tilespmem:s0+$0x4830] =	vst v0  }
0x1c: {  	[tilespmem:s0+$0x4840] =	vst v0  }
0x1d: {  	[tilespmem:s0+$0x4850] =	vst v0  }
0x1e: {  	[tilespmem:s0+$0x4860] =	vst v0;
	s0 =	sshra.s32 s3, $0x2;
	s3 =	sadd.s32 $0x200, s3  }
0x1f: {  	[tilespmem:s0+$0x4870] =	vst v0  }
0x20: {  	[tilespmem:s0+$0x4800] =	vst v0  }
0x21: {  	[tilespmem:s0+$0x4810] =	vst v0  }
0x22: {  	[tilespmem:s0+$0x4820] =	vst v0  }
0x23: {  	[tilespmem:s0+$0x4830] =	vst v0  }
0x24: {  	[tilespmem:s0+$0x4840] =	vst v0  }
0x25: {  	[tilespmem:s0+$0x4850] =	vst v0  }
0x26: {  	[tilespmem:s0+$0x4860] =	vst v0  }
0x27: {  	[spmem:s6] =	stream.linear.scatter [tilespmem:s22], [sflag:$0x1], $0x4000, $0x38;
	[tilespmem:$0x1C800] =	vst v63  }
0x28: {  	_ =	swait.ge [sflag:s23], $0x4000  }
0x29: {  	[sflag:s23] =	ssyncset.done $0x0  }
0x2a: {  	[sflag:s23] =	ssyncadd.s32 $0xFFFFC000  }
0x2b: {  	[spmem:s9] =	stream.linear.scatter [tilespmem:s22], [sflag:$0x1], $0x4000, $0x38;
	[tilespmem:$0x1C800] =	vst v63  }
0x2c: {  	_ =	swait.ge [sflag:s23], $0x4000  }
0x2d: {  	[sflag:s23] =	ssyncset.done $0x0  }
0x2e: {  	[sflag:s23] =	ssyncadd.s32 $0xFFFFC000  }
0x2f: {  	[spmem:s10] =	stream.linear.scatter [tilespmem:s22], [sflag:$0x1], $0x4000, $0x38;
	[tilespmem:$0x1C800] =	vst v63  }
0x30: {  	_ =	swait.ge [sflag:s23], $0x4000  }
0x31: {  	[sflag:s23] =	ssyncset.done $0x0  }
0x32: {  	[sflag:s23] =	ssyncadd.s32 $0xFFFFC000  }
0x33: {  	[spmem:s11] =	stream.linear.scatter [tilespmem:s22], [sflag:$0x1], $0x4000, $0x38;
	[tilespmem:$0x1C800] =	vst v63  }
0x34: {  	_ =	swait.ge [sflag:s23], $0x4000  }
0x35: {  	[sflag:s23] =	ssyncset.done $0x0  }
0x36: {  	[sflag:s23] =	ssyncadd.s32 $0xFFFFC000  }
0x37: {  	[spmem:s12] =	stream.linear.scatter [tilespmem:s22], [sflag:$0x1], $0x4000, $0x38;
	[tilespmem:$0x1C800] =	vst v63  }
0x38: {  	_ =	swait.ge [sflag:s23], $0x4000  }
0x39: {  	[sflag:s23] =	ssyncset.done $0x0  }
0x3a: {  	[sflag:s23] =	ssyncadd.s32 $0xFFFFC000  }
0x3b: {  	s29 =	simm.s32 $0x0;
	[bflag:$0x0] =	sbarrier.arrive $0xFFFF  }
.LBB2_4:
0x3c: {  	s0 =	sshll.u32 s29, $0x4  }
0x3d: {  	s30 =	sadd.s32 s7, s0  }
0x3e: {  	s0 =	sshll.u32 s30, $0x4  }
0x3f: {  	s0 =	sadd.s32 s5, s0  }
0x40: {  	[tilespmem:s28], [sflag:$0x1] =	stream.linear.gather [hbm4b:s0+s28], $0x800, $0x38;
	[tilespmem:$0x1C800] =	vst v63  }
0x41: {  	_ =	swait.ge [sflag:s23], $0x800  }
0x42: {  	[sflag:s23] =	ssyncset.done $0x0  }
0x43: {  	s31 =	simm.s32 $0x0;
	[sflag:s23] =	ssyncadd.s32 $0xFFFFF800  }
.LBB2_5:
0x44: {  	s0 =	sadd.s32 s30, s31  }
0x45: {  	s0 =	sshll.u32 s0, $0xB  }
0x46: {  	s3 =	simm.s32 $0x0;
	s0 =	sadd.s32 s4, s0  }
0x47: {  	[tilespmem:s24], [sflag:$0x1] =	stream.linear.gather [hbm4b:s0+s3], $0x4000, $0x38;
	[tilespmem:$0x1C800] =	vst v63  }
0x48: {  	_ =	swait.ge [sflag:s23], $0x4000  }
0x49: {  	[sflag:s23] =	ssyncset.done $0x0  }
0x4a: {  	s3 =	simm.s32 $0x0;
	[sflag:s23] =	ssyncadd.s32 $0xFFFFC000  }
0x4b: {  	v1 =	vld [tilespmem:s3+$0x800];
	_ =	sdelay $0x4  }
0x4c: {  	v3 =	vbroadcast v1, $0x0;
	v7 =	vbroadcast v1, $0x7  }
0x4d: {  	v4 =	vbroadcast v1, $0x1;
	v2 =	vbroadcast v1, $0x2  }
0x4e: {  	s8 =	simm.s32 $0x400;
	s0 =	simm.s32 $0x80;
	v6 =	vbroadcast v1, $0x3;
	v5 =	vbroadcast v1, $0x4;
	[tilespmem:s3+$0x4870] =	vst v7  }
.LBB2_6:
0x4f: {  	p0 =	sne.s32 s8, $0xFE00;
	[tilespmem:s3+$0x4800] =	vst v3;
	v7 =	vbroadcast v1, $0x5;
	v8 =	vbroadcast v1, $0x6;
	v1 =	vld [tilespmem:s0+$0x800]  }
0x50: {  	[tilespmem:s3+$0x4810] =	vst v4  }
0x51: {  	[tilespmem:s3+$0x4820] =	vst v2  }
.Ltmp1:
0x52: {  	[tilespmem:s3+$0x4830] =	vst v6;
	(pc) =	sbr.rel @p0 .LBB2_6-.Ltmp1, $4  }
0x53: {  	[tilespmem:s3+$0x4840] =	vst v5  }
0x54: {  	v3 =	vbroadcast v1, $0x0;
	v9 =	vbroadcast v1, $0x7;
	[tilespmem:s3+$0x4850] =	vst v7  }
0x55: {  	v4 =	vbroadcast v1, $0x1;
	v2 =	vbroadcast v1, $0x2;
	[tilespmem:s3+$0x4860] =	vst v8;
	s3 =	smov.u32 s0  }
0x56: {  	v6 =	vbroadcast v1, $0x3;
	v5 =	vbroadcast v1, $0x4;
	s0 =	sshra.s32 s8, $0x2;
	s8 =	sadd.s32 $0x200, s8;
	[tilespmem:s3+$0x4870] =	vst v9  }
0x57: {  	v7 =	vld [tilespmem:s0+$0x800];
	[tilespmem:s3+$0x4800] =	vst v3  }
0x58: {  	[tilespmem:s3+$0x4810] =	vst v4  }
0x59: {  	[tilespmem:s3+$0x4820] =	vst v2  }
0x5a: {  	v2 =	vbroadcast v1, $0x5;
	[tilespmem:s3+$0x4830] =	vst v6  }
0x5b: {  	v1 =	vbroadcast v1, $0x6;
	[tilespmem:s3+$0x4840] =	vst v5  }
0x5c: {  	[tilespmem:s3+$0x4850] =	vst v2;
	v3 =	vbroadcast v7, $0x7  }
0x5d: {  	[tilespmem:s3+$0x4860] =	vst v1;
	v2 =	vbroadcast v7, $0x0  }
0x5e: {  	v1 =	vbroadcast v7, $0x1;
	[tilespmem:s0+$0x4870] =	vst v3  }
0x5f: {  	v3 =	vbroadcast v7, $0x2;
	[tilespmem:s0+$0x4800] =	vst v2  }
0x60: {  	v2 =	vbroadcast v7, $0x3;
	[tilespmem:s0+$0x4810] =	vst v1  }
0x61: {  	v1 =	vbroadcast v7, $0x4;
	[tilespmem:s0+$0x4820] =	vst v3  }
0x62: {  	v3 =	vbroadcast v7, $0x5;
	[tilespmem:s0+$0x4830] =	vst v2  }
0x63: {  	s8 =	sshll.u32 s31, $0x7;
	s31 =	sadd.s32 $0x1, s31;
	v2 =	vbroadcast v7, $0x6;
	[tilespmem:s0+$0x4840] =	vst v1  }
0x64: {  	p0 =	sne.s32 s31, $0x10;
	[tilespmem:s0+$0x4850] =	vst v3  }
.Ltmp2:
0x65: {  	s8 =	sand.u32 $0x3FFFFF80, s8;
	[tilespmem:s0+$0x4860] =	vst v2;
	(pc) =	sbr.rel @p0 .LBB2_5-.Ltmp2, $4  }
0x66: {  	[spmem:s1] =	stream.indirect.scatter.add.f32 [tilespmem:s22], [sflag:$0x1], $0x80, s8, s25, $0xb8;
	[tilespmem:$0x1C800] =	vst v63  }
0x67: {  	_ =	swait.ge [sflag:s23], $0x4000  }
0x68: {  	[sflag:s23] =	ssyncset.done $0x0  }
0x69: {  	[sflag:s23] =	ssyncadd.s32 $0xFFFFC000  }
0x6a: {  	s29 =	sadd.s32 $0x1, s29  }
0x6b: {  	p0 =	sne.s32 s29, $0x5  }
.Ltmp3:
0x6c: {  	_ = 	snop;
	(pc) =	sbr.rel @p0 .LBB2_4-.Ltmp3, $1  }
0x6d: {  	_ =	sdelay $0x3  }
0x6e: {  	[bflag:$0x0] =	sbarrier.arrive $0xFFFF  }
0x6f: {  	[tilespmem:s22], [sflag:$0x1] =	stream.linear.gather [spmem:s6], $0x4000, $0x38;
	[tilespmem:$0x1C800] =	vst v63  }
0x70: {  	_ =	swait.ge [sflag:s23], $0x4000  }
0x71: {  	[sflag:s23] =	ssyncset.done $0x0  }
0x72: {  	[sflag:s23] =	ssyncadd.s32 $0xFFFFC000  }
0x73: {  	[hbm4b:s13+s2] =	stream.linear.scatter [tilespmem:s22], [sflag:$0x1], $0x4000, $0x38;
	[tilespmem:$0x1C800] =	vst v63  }
0x74: {  	_ =	swait.ge [sflag:s23], $0x4000  }
0x75: {  	[sflag:s23] =	ssyncset.done $0x0  }
0x76: {  	[sflag:s23] =	ssyncadd.s32 $0xFFFFC000  }
0x77: {  	[tilespmem:s22], [sflag:$0x1] =	stream.linear.gather [spmem:s14], $0x4000, $0x38;
	[tilespmem:$0x1C800] =	vst v63  }
0x78: {  	_ =	swait.ge [sflag:s23], $0x4000  }
0x79: {  	[sflag:s23] =	ssyncset.done $0x0  }
0x7a: {  	[sflag:s23] =	ssyncadd.s32 $0xFFFFC000  }
0x7b: {  	[hbm4b:s15+s2] =	stream.linear.scatter [tilespmem:s22], [sflag:$0x1], $0x4000, $0x38;
	[tilespmem:$0x1C800] =	vst v63  }
0x7c: {  	_ =	swait.ge [sflag:s23], $0x4000  }
0x7d: {  	[sflag:s23] =	ssyncset.done $0x0  }
0x7e: {  	[sflag:s23] =	ssyncadd.s32 $0xFFFFC000  }
0x7f: {  	[tilespmem:s22], [sflag:$0x1] =	stream.linear.gather [spmem:s16], $0x4000, $0x38;
	[tilespmem:$0x1C800] =	vst v63  }
0x80: {  	_ =	swait.ge [sflag:s23], $0x4000  }
0x81: {  	[sflag:s23] =	ssyncset.done $0x0  }
0x82: {  	[sflag:s23] =	ssyncadd.s32 $0xFFFFC000  }
0x83: {  	[hbm4b:s17+s2] =	stream.linear.scatter [tilespmem:s22], [sflag:$0x1], $0x4000, $0x38;
	[tilespmem:$0x1C800] =	vst v63  }
0x84: {  	_ =	swait.ge [sflag:s23], $0x4000  }
0x85: {  	[sflag:s23] =	ssyncset.done $0x0  }
0x86: {  	[sflag:s23] =	ssyncadd.s32 $0xFFFFC000  }
0x87: {  	[tilespmem:s22], [sflag:$0x1] =	stream.linear.gather [spmem:s18], $0x4000, $0x38;
	[tilespmem:$0x1C800] =	vst v63  }
0x88: {  	_ =	swait.ge [sflag:s23], $0x4000  }
0x89: {  	[sflag:s23] =	ssyncset.done $0x0  }
0x8a: {  	[sflag:s23] =	ssyncadd.s32 $0xFFFFC000  }
0x8b: {  	[hbm4b:s19+s2] =	stream.linear.scatter [tilespmem:s22], [sflag:$0x1], $0x4000, $0x38;
	[tilespmem:$0x1C800] =	vst v63  }
0x8c: {  	_ =	swait.ge [sflag:s23], $0x4000  }
0x8d: {  	[sflag:s23] =	ssyncset.done $0x0  }
0x8e: {  	[sflag:s23] =	ssyncadd.s32 $0xFFFFC000  }
0x8f: {  	[tilespmem:s22], [sflag:$0x1] =	stream.linear.gather [spmem:s20], $0x4000, $0x38;
	[tilespmem:$0x1C800] =	vst v63  }
0x90: {  	_ =	swait.ge [sflag:s23], $0x4000  }
0x91: {  	[sflag:s23] =	ssyncset.done $0x0  }
0x92: {  	[sflag:s23] =	ssyncadd.s32 $0xFFFFC000  }
0x93: {  	[hbm4b:s21+s2] =	stream.linear.scatter [tilespmem:s22], [sflag:$0x1], $0x4000, $0x38;
	[tilespmem:$0x1C800] =	vst v63  }
0x94: {  	_ =	swait.ge [sflag:s23], $0x4000  }
0x95: {  	s26 =	sadd.s32 $0x1, s26;
	s0 =	rddreg [dreg:$0x3]  }
0x96: {  	p0 =	sne.s32 s26, s0  }
.Ltmp4:
0x97: {  	_ = 	snop;
	(pc) =	sbr.rel @p0 .LBB2_1-.Ltmp4, $3  }
0x98: {  	_ =	sdelay $0x1  }
0x99: {  	[sflag:s23] =	ssyncset.done $0x0  }
0x9a: {  	[sflag:s23] =	ssyncadd.s32 $0xFFFFC000  }
0x9b: {  	_ =	sfence.sel $0x180000  }
0x9c: {  	[bflag:$0x0] =	sbarrier.arrive $0xFFFF  }
0x9d: {  	_ =	strace $0x90000050  }
0x9e: {  	s0 =	stileid.u32;
	[bflag:$0x2] =	sbarrier.arrive $0xFFFF  }
0x9f: {  	p0 =	sne.s32 s0, $0x0;
	s0 =	rddreg [dreg:$0x2]  }
0xa0: {  	s0 =	sadd.s32 @!p0 $0x100000, s0  }
0xa1: {  	[sflag:s0] =	ssyncadd.tile.s32 @!p0 $0x1;
	_ =	shalt  }
.Lfunc_end2:
_tile_overlayer_lowered:
.L_overlay_start_2:
0xa2: {  	(tag) =	ssettag $0x2  }
0xa3: {  	s0 =	rddreg [dreg:$0x0];
	s2 =	stileid.u32  }
0xa4: {  	s1 =	rddreg [dreg:$0x1];
	p0 =	sne.s32 s2, $0x0  }
0xa5: {  	s3 =	rddreg [dreg:$0x2];
	[bflag:$0x3] =	sbarrier.arrive $0xFFFF;
	s2 =	simm.s32 @!p0 $0x1C01  }
0xa6: {  	[timem:s3], [sflag:s2] =	dma.local @!p0 [hbm:s0], s1  }
0xa7: {  	s0 =	simm.s32 @!p0 $0x1  }
0xa8: {  	_ =	swait.ge @!p0 [sflag:s0], s1  }
0xa9: {  	s1 =	ssub.s32 @!p0 $0x0, s1;
	[sflag:s0] =	ssyncset.done @!p0 $0x0  }
0xaa: {  	[sflag:s0] =	ssyncadd.s32 @!p0 s1  }
0xab: {  	[bflag:$0x3] =	sbarrier.arrive $0xFFFF  }
0xac: {  	_ =	shalt  }

// kernel: kernel.9.cloned.1.call-start
scs
__scs_entry_jumppad:
0x0: {  	(pc) =	sbr.rel $0x88, $3  }
0x1: {  	(tag) =	ssettag $0x0;
	lr =	simm.s32 $0x1  }
0x2: {  	[smem:$0x3F97] =	sst lr;
	_ =	strace $0xD0000000  }
0x3: {  	_ = 	snop  }
0x4: {  	_ = 	snop  }
0x5: {  	_ = 	snop  }
0x6: {  	_ = 	snop  }
0x7: {  	_ = 	snop  }
__scs_overlays_trampoline_lowered:
0x8: {  	[smem:$0x3FA6] =	sst s0  }
0x9: {  	[smem:$0x3FA7] =	sst s1  }
0xa: {  	[smem:$0x3FA8] =	sst s2  }
0xb: {  	[smem:$0x3FA9] =	sst s3  }
0xc: {  	[smem:$0x3FAA] =	sst s4  }
0xd: {  	[smem:$0x3FAB] =	sst s5  }
0xe: {  	[smem:$0x3FAC] =	sst s6  }
0xf: {  	[smem:$0x3FAD] =	sst s7  }
0x10: {  	[smem:$0x3FAE] =	sst s8  }
0x11: {  	[smem:$0x3FAF] =	sst s9;
	s0 =	simm.s32 @!p0 $0x0  }
0x12: {  	s1 =	sld [smem:$0x3F95];
	s0 =	simm.s32 @p0 $0x1  }
0x13: {  	[smem:$0x3FB0] =	sst s0;
	s0 =	simm.s32 @!p1 $0x0  }
0x14: {  	s2 =	sld [smem:$0x3F94];
	s0 =	simm.s32 @p1 $0x1  }
0x15: {  	[smem:$0x3FB1] =	sst s0;
	s0 =	simm.s32 @!p2 $0x0  }
0x16: {  	s3 =	sld [smem:$0x3FDB];
	s0 =	simm.s32 @p2 $0x1  }
0x17: {  	s4 =	simm.s32 $0x1BF5;
	[smem:$0x3FB3] =	sst s0  }
0x18: {  	s0 =	sld [smem:$0x3F96];
	_ =	swait.ge [sflag:s4], $0x0  }
0x19: {  	s7 =	sld [smem:$0x3F97]  }
0x1a: {  	s8 =	sadd.s32 $0xFFFFE003, lr  }
0x1b: {  	s9 =	sadd.s32 $0xFFFFFEF7, lr;
	s5 =	simm.s32 $0xFFFFFFFF;
	p2 =	slt.u32 s8, $0xFFFFF086  }
0x1c: {  	p1 =	slt.u32 s9, $0xF7A;
	s5 =	simm.s32 @!p2 $0x0  }
0x1d: {  	s5 =	simm.s32 @p1 $0x1;
	p0 =	seq.s32 s7, s2  }
0x1e: {  	s7 =	smul.u32 @!p0 $0xF7A, s2;
	p2 =	seq.s32 @!p0 s5, $0x0  }
0x1f: {  	s9 =	smul.u32 $0xF7A, s1;
	s8 =	simm.s32 @!p0 $0x1BF5;
	p2 =	por !p2, p0  }
0x20: {  	[sflag:s8] =	ssyncset.s32 @!p0 $0xFFFFF086;
	s6 =	sadd.s32 @!p0 s3, s7;
	s7 =	simm.s32 @!p0 $0x108  }
0x21: {  	s3 =	sadd.s32 s3, s9;
	s6 =	sadd.s32 @!p0 $0x88, s6;
	s7 =	simm.s32 @p2 $0x1082  }
0x22: {  	[simem:s7], [sflag:s8] =	dma.local @!p0 [hbm:s6], $0xF7A  }
0x23: {  	s9 =	sor.u32 $0xD0000000, s2;
	s6 =	simm.s32 $0x108;
	_ =	swait.ge @!p0 [sflag:s8], $0x0  }
0x24: {  	s3 =	sadd.s32 $0x88, s3;
	s6 =	simm.s32 @!p1 $0x1082;
	[sflag:s4] =	ssyncset.s32 $0xFFFFF086  }
0x25: {  	[simem:s6], [sflag:s4] =	dma.local [hbm:s3], $0xF7A  }
0x26: {  	[smem:$0x3F97] =	sst s1;
	(tag) =	ssettag s2;
	_ =	strace s9  }
0x27: {  	s1 =	sld [smem:$0x3FA7]  }
0x28: {  	s2 =	sld [smem:$0x3FA8]  }
0x29: {  	s4 =	sld [smem:$0x3FAA]  }
0x2a: {  	p0 =	seq.s32 s5, $0x0;
	s5 =	sld [smem:$0x3FAB]  }
0x2b: {  	s6 =	sld [smem:$0x3FAC]  }
0x2c: {  	s7 =	sld [smem:$0x3FAD]  }
0x2d: {  	s3 =	simm.s32 $0x108;
	s8 =	sld [smem:$0x3FAE]  }
0x2e: {  	s3 =	simm.s32 @!p0 $0x1082;
	s9 =	sld [smem:$0x3FAF]  }
0x2f: {  	lr =	sadd.s32 s0, s3;
	s0 =	sld [smem:$0x3FA6]  }
0x30: {  	s3 =	sld [smem:$0x3FA9]  }
0x31: {  	[smem:$0x3FB2] =	sst s10  }
0x32: {  	s10 =	sld [smem:$0x3FB0];
	_ =	sdelay $0x3  }
0x33: {  	p0 =	seq.s32 s10, $0x1;
	s10 =	sld [smem:$0x3FB2];
	_ =	sdelay $0x3  }
0x34: {  	[smem:$0x3FB2] =	sst s10  }
0x35: {  	s10 =	sld [smem:$0x3FB1];
	_ =	sdelay $0x3  }
0x36: {  	p1 =	seq.s32 s10, $0x1;
	s10 =	sld [smem:$0x3FB2];
	_ =	sdelay $0x3  }
0x37: {  	[smem:$0x3FB2] =	sst s10  }
0x38: {  	s10 =	sld [smem:$0x3FB3]  }
0x39: {  	_ = 	snop;
	(pc) =	sbr.ind lr, $3  }
0x3a: {  	_ = 	snop  }
0x3b: {  	_ = 	snop  }
0x3c: {  	p2 =	seq.s32 s10, $0x1;
	s10 =	sld [smem:$0x3FB2]  }
0x3d: {  	_ =	shalt  }
0x3e: {  	_ =	shalt  }
0x3f: {  	_ =	shalt  }
0x40: {  	_ =	shalt  }
0x41: {  	_ =	shalt  }
0x42: {  	_ =	shalt  }
0x43: {  	_ =	shalt  }
0x44: {  	_ =	shalt  }
0x45: {  	_ =	shalt  }
0x46: {  	_ =	shalt  }
0x47: {  	_ =	shalt  }
0x48: {  	_ =	shalt  }
0x49: {  	_ =	shalt  }
0x4a: {  	_ =	shalt  }
0x4b: {  	_ =	shalt  }
0x4c: {  	_ =	shalt  }
0x4d: {  	_ =	shalt  }
0x4e: {  	_ =	shalt  }
0x4f: {  	_ =	shalt  }
0x50: {  	_ =	shalt  }
0x51: {  	_ =	shalt  }
0x52: {  	_ =	shalt  }
0x53: {  	_ =	shalt  }
0x54: {  	_ =	shalt  }
0x55: {  	_ =	shalt  }
0x56: {  	_ =	shalt  }
0x57: {  	_ =	shalt  }
0x58: {  	_ =	shalt  }
0x59: {  	_ =	shalt  }
0x5a: {  	_ =	shalt  }
0x5b: {  	_ =	shalt  }
0x5c: {  	_ =	shalt  }
0x5d: {  	_ =	shalt  }
0x5e: {  	_ =	shalt  }
0x5f: {  	_ =	shalt  }
0x60: {  	_ =	shalt  }
0x61: {  	_ =	shalt  }
0x62: {  	_ =	shalt  }
0x63: {  	_ =	shalt  }
0x64: {  	_ =	shalt  }
0x65: {  	_ =	shalt  }
0x66: {  	_ =	shalt  }
0x67: {  	_ =	shalt  }
0x68: {  	_ =	shalt  }
0x69: {  	_ =	shalt  }
0x6a: {  	_ =	shalt  }
0x6b: {  	_ =	shalt  }
0x6c: {  	_ =	shalt  }
0x6d: {  	_ =	shalt  }
0x6e: {  	_ =	shalt  }
0x6f: {  	_ =	shalt  }
0x70: {  	_ =	shalt  }
0x71: {  	_ =	shalt  }
0x72: {  	_ =	shalt  }
0x73: {  	_ =	shalt  }
0x74: {  	_ =	shalt  }
0x75: {  	_ =	shalt  }
0x76: {  	_ =	shalt  }
0x77: {  	_ =	shalt  }
0x78: {  	_ =	shalt  }
0x79: {  	_ =	shalt  }
0x7a: {  	_ =	shalt  }
0x7b: {  	_ =	shalt  }
0x7c: {  	_ =	shalt  }
0x7d: {  	_ =	shalt  }
0x7e: {  	_ =	shalt  }
0x7f: {  	_ =	shalt  }
0x80: {  	_ =	shalt  }
0x81: {  	_ =	shalt  }
0x82: {  	_ =	shalt  }
0x83: {  	_ =	shalt  }
0x84: {  	_ =	shalt  }
0x85: {  	_ =	shalt  }
0x86: {  	_ =	shalt  }
0x87: {  	_ =	shalt  }
.Lfunc_end0:
.L_simem_size_0:
called_computation_lowered:
.L_overlay_start_0:
0x88: {  	s2 =	sld [smem:$0x3FD9]  }
0x89: {  	s3 =	sld [smem:$0x3FFE];
	_ =	sdelay $0x1  }
0x8a: {  	s1 =	srdreg.scid  }
0x8b: {  	s0 =	sand.u32 $0x1, s1  }
0x8c: {  	s17 =	sshll.u32 s0, $0xA;
	s2 =	sadd.s32 s3, s2  }
0x8d: {  	s2 =	sadd.s32 s2, s17  }
0x8e: {  	[smem:$0x3FBE] =	sst s2  }
0x8f: {  	_ = 	snop  }
0x90: {  	s2 =	sld [smem:$0x3FD0];
	(tm) =	ssettm $0x1  }
0x91: {  	s18 =	sld [smem:$0x3FFB];
	_ =	sdelay $0x3  }
0x92: {  	_ =	strace s18  }
0x93: {  	s3 =	sld [smem:$0x3FFC];
	_ =	sdelay $0x3  }
0x94: {  	_ =	strace s3  }
0x95: {  	s3 =	sld [smem:$0x3FFD];
	_ =	sdelay $0x3  }
0x96: {  	_ =	strace s3  }
0x97: {  	_ =	strace $0x8FFFFFFF  }
0x98: {  	s19 =	sld [smem:$0x3FDB];
	_ =	sdelay $0x1  }
0x99: {  	s4 =	simm.s32 $_scs_section_size  }
0x9a: {  	s5 =	simm.s32 $_size__tile_overlayer_lowered;
	s6 =	simm.s32 $_tile_overlayer_lowered  }
0x9b: {  	s22 =	simm.s32 $0x1BFF;
	s21 =	sshll.u32 s6, $0x1;
	s3 =	sadd.s32 s4, s19  }
0x9c: {  	s7 =	simm.s32 $0x0;
	s20 =	sshll.u32 s5, $0x1;
	s5 =	sadd.s32 s21, s3  }
0x9d: {  	[timem:s7], [sflag:s22] =	dma.local [hbm:s5], s20  }
0x9e: {  	_ =	swait.ge [sflag:s22], s20  }
0x9f: {  	s4 =	ssub.s32 $0x0, s20;
	[sflag:s22] =	ssyncset.done $0x0  }
0xa0: {  	[sflag:s22] =	ssyncadd.s32 s4;
	_ =	sdelay $0x1  }
0xa1: {  	s23 =	simm.s32 $0x1B8B  }
0xa2: {  	_ =	swait.ge [sflag:s23], $0x1  }
0xa3: {  	[sflag:s23] =	ssyncset.done $0x0  }
0xa4: {  	s25 =	simm.s32 $0x1B8E;
	s24 =	sld [smem:$0x3FFE];
	[sflag:s23] =	ssyncadd.s32 $0xFFFFFFFF  }
0xa5: {  	s26 =	simm.s32 $execute0_lowered;
	[smem:$0x3FD2] =	sst s25  }
0xa6: {  	s5 =	sshll.u32 s26, $0x1;
	_ =	strace $0x80000046;
	[dreg:$0x1] =	wrdreg $0xFFFFFFFF  }
0xa7: {  	s28 =	simm.s32 $_size_execute0_lowered;
	s3 =	sadd.s32 s3, s5;
	[dreg:$0x0] =	wrdreg $0x0  }
0xa8: {  	s5 =	sshll.u32 s28, $0x1;
	[dreg:$0x2] =	wrdreg s3  }
0xa9: {  	[dreg:$0x3] =	wrdreg s5  }
0xaa: {  	[dreg:$0x4] =	wrdreg $0xC0  }
0xab: {  	_ =	task [dreg:s7], $0x5FFFF  }
0xac: {  	[dreg:$0x1] =	wrdreg $0xFFFFFFFF  }
0xad: {  	[dreg:$0x0] =	wrdreg $0x60  }
0xae: {  	[dreg:$0x2] =	wrdreg s24  }
0xaf: {  	[dreg:$0x3] =	wrdreg s2  }
0xb0: {  	[dreg:$0x4] =	wrdreg $0x90000  }
0xb1: {  	[dreg:$0x5] =	wrdreg $0x9  }
0xb2: {  	_ =	task.clear_ibuf [dreg:s7], $0x6FFFF;
	_ =	strace $0x90000046  }
0xb3: {  	s29 =	simm.s32 $0x9;
	_ =	strace $0x80000048  }
0xb4: {  	_ =	swait.ge [sflag:s29], $0x1  }
0xb5: {  	[sflag:s29] =	ssyncadd.s32 $0xFFFFFFFF  }
0xb6: {  	_ =	strace $0x90000048  }
0xb7: {  	_ =	sfence  }
0xb8: {  	s30 =	sld [smem:$0x0];
	_ =	sdelay $0x2  }
0xb9: {  	s31 =	sshll.u32 s1, $0xD;
	s1 =	sshrl.u32 s1, $0x2  }
0xba: {  	s3 =	sand.u32 $0x4000, s31;
	s1 =	sadd.s32 s1, s30  }
0xbb: {  	s0 =	sor.u32 s3, s0;
	s1 =	sshll.u32 s1, $0x11  }
0xbc: {  	s0 =	sor.u32 s1, s0  }
0xbd: {  	s0 =	sadd.s32 $0x8F2B, s0  }
0xbe: {  	[sflag:s0] =	ssyncadd.remote.s32 $0x1  }
0xbf: {  	_ =	sfence.sel $0xFFFF  }
0xc0: {  	[dreg:$0x0] =	wrdreg $0xFFFFFFFF;
	(pc) =	sbr.abs _section_cstart, $3  }
0xc1: {  	[dreg:$0x1] =	wrdreg $0xFFFFFFFF  }
0xc2: {  	_ =	task.clear_ibuf [dreg:s7], $0x2FFFF;
	_ =	strace $0x9FFFFFFF  }
0xc3: {  	(tm) =	ssettm $0x7FFFFFFF  }
tec
execute0_lowered:
.L_overlay_start_1:
0x0: {  	(tag) =	ssettag $0x1  }
0x1: {  	s0 =	rddreg [dreg:$0x0]  }
0x2: {  	s2 =	srdreg.scid;
	s15 =	stileid.u32  }
0x3: {  	s1 =	rddreg [dreg:$0x1];
	s28 =	simm.s32 $0x2;
	s29 =	simm.s32 $0x3  }
0x4: {  	s3 =	sand.u32 $0x1, s2;
	s4 =	smul.u32 $0x280, s15;
	s2 =	simm.s32 $0x0  }
0x5: {  	s7 =	sadd.s32 $0x599800, s0;
	s24 =	sshll.u32 s15, $0x1;
	s15 =	smul.u32 $0x50000, s15  }
0x6: {  	s5 =	ssub.s32 $0x2, s3;
	s6 =	smul.u32 $0x2800, s3;
	[smem:$0x7FF] =	sst s2  }
0x7: {  	s3 =	sor.u32 s3, s24;
	s8 =	sshrl.u32 s5, $0x1;
	s10 =	sadd.s32 $0x80, s4  }
0x8: {  	s13 =	sadd.s32 $0xC0, s4;
	s22 =	sadd.s32 $0x180, s4;
	s23 =	sadd.s32 $0x1C0, s4  }
0x9: {  	s24 =	sadd.s32 $0x200, s4;
	s5 =	ssub.s32 s5, s8;
	s9 =	sadd.s32 s6, s4  }
0xa: {  	s11 =	sadd.s32 s6, s10;
	s12 =	sadd.s32 s6, s13;
	s18 =	sadd.s32 s6, s22  }
0xb: {  	s20 =	sadd.s32 s6, s23;
	s21 =	sadd.s32 s6, s24;
	s25 =	sshll.u32 s9, $0x4  }
0xc: {  	s9 =	sor.u32 $0x40, s4;
	s11 =	sshll.u32 s11, $0x4;
	s14 =	sshll.u32 s12, $0x4  }
0xd: {  	s19 =	sshll.u32 s18, $0x4;
	s8 =	sadd.s32 s7, s25;
	s26 =	sadd.s32 s6, s9  }
0xe: {  	s18 =	sadd.s32 $0xD800, s0;
	[dreg:$0x4] =	wrdreg s8;
	s8 =	sshll.u32 s26, $0x4  }
0xf: {  	s25 =	sshll.u32 s21, $0x4;
	s21 =	smul.u32 $0xA0, s3;
	s8 =	sadd.s32 s7, s8  }
0x10: {  	s26 =	sshrl.u32 s15, $0x2;
	[dreg:$0x5] =	wrdreg s8;
	s8 =	sadd.s32 s7, s11  }
0x11: {  	s11 =	sadd.s32 $0x100, s4;
	[dreg:$0x6] =	wrdreg s8;
	s8 =	sadd.s32 s7, s14  }
0x12: {  	s16 =	sadd.s32 s6, s11;
	s14 =	sadd.s32 $0x140, s4;
	s4 =	sadd.s32 $0x240, s4  }
0x13: {  	[dreg:$0x7] =	wrdreg s8;
	s8 =	sshll.u32 s16, $0x4;
	s12 =	sadd.s32 s6, s14  }
0x14: {  	s8 =	sadd.s32 s7, s8;
	s17 =	sshll.u32 s12, $0x4;
	s12 =	rddreg [dreg:$0x2]  }
0x15: {  	s6 =	sadd.s32 s6, s4;
	[dreg:$0x8] =	wrdreg s8;
	s8 =	sadd.s32 s7, s17  }
0x16: {  	s6 =	sshll.u32 s6, $0x4;
	[dreg:$0x9] =	wrdreg s8;
	s8 =	sadd.s32 s7, s19  }
0x17: {  	s6 =	sadd.s32 s7, s6;
	[dreg:$0xa] =	wrdreg s8;
	s8 =	sshll.u32 s20, $0x4  }
0x18: {  	s15 =	sadd.s32 $0x21800, s0;
	[dreg:$0xd] =	wrdreg s6;
	s8 =	sadd.s32 s7, s8  }
0x19: {  	s6 =	sadd.s32 s26, s12;
	[dreg:$0xb] =	wrdreg s8;
	s8 =	sadd.s32 s7, s25  }
0x1a: {  	s26 =	sshll.u32 s14, $0x7;
	s7 =	smax.u32 s5, $0x1;
	[dreg:$0xc] =	wrdreg s8  }
0x1b: {  	s3 =	sadd.s32 s26, s12;
	_ =	strace $0x80000047;
	[dreg:$0xf] =	wrdreg s7  }
0x1c: {  	s25 =	sshll.u32 s11, $0x7;
	s11 =	sadd.s32 $0x2000, s6;
	[dreg:$0x14] =	wrdreg s3  }
0x1d: {  	s20 =	sshll.u32 s13, $0x7;
	s13 =	sadd.s32 $0x4000, s6;
	[dreg:$0x19] =	wrdreg s11  }
0x1e: {  	s16 =	sadd.s32 $0x49800, s0;
	s14 =	sadd.s32 $0x6000, s6;
	[dreg:$0x1a] =	wrdreg s13  }
0x1f: {  	s5 =	sshll.u32 s22, $0x7;
	s22 =	sadd.s32 $0xA000, s6;
	[dreg:$0x1b] =	wrdreg s14  }
0x20: {  	s17 =	sadd.s32 $0x71800, s0;
	s26 =	sadd.s32 $0x12000, s6;
	[dreg:$0x1d] =	wrdreg s22  }
0x21: {  	s19 =	sadd.s32 $0x99800, s0;
	s8 =	sshll.u32 s9, $0x7;
	[smem:$0x7FD] =	sst s26  }
0x22: {  	s9 =	sshll.u32 s10, $0x7;
	s0 =	sadd.s32 s8, s12;
	[dreg:$0xe] =	wrdreg s6  }
0x23: {  	s30 =	simm.s32 $0x7000;
	s10 =	sadd.s32 s9, s12;
	[dreg:$0x10] =	wrdreg s0  }
0x24: {  	s7 =	sshll.u32 s23, $0x7;
	s23 =	sadd.s32 $0xC000, s6;
	[dreg:$0x11] =	wrdreg s10  }
0x25: {  	s8 =	sshll.u32 s24, $0x7;
	s24 =	sadd.s32 $0xE000, s6;
	[dreg:$0x1e] =	wrdreg s23  }
0x26: {  	s31 =	simm.s32 $0x0;
	s0 =	sadd.s32 s20, s12;
	[dreg:$0x1f] =	wrdreg s24  }
0x27: {  	s13 =	simm.s32 $0x5000;
	s9 =	sadd.s32 s8, s12;
	[dreg:$0x12] =	wrdreg s0  }
0x28: {  	s14 =	simm.s32 $0x4;
	s20 =	sadd.s32 $0x8000, s6;
	[dreg:$0x17] =	wrdreg s9  }
0x29: {  	s22 =	simm.s32 $0x800;
	s0 =	sadd.s32 s25, s12;
	[dreg:$0x1c] =	wrdreg s20  }
0x2a: {  	s26 =	simm.s32 $0x1;
	s25 =	sadd.s32 $0x10000, s6;
	[dreg:$0x13] =	wrdreg s0  }
0x2b: {  	s11 =	simm.s32 $0x0;
	s0 =	sadd.s32 s5, s12;
	[smem:$0x7FC] =	sst s25  }
0x2c: {  	s10 =	sshll.u32 s4, $0x7;
	[dreg:$0x15] =	wrdreg s0;
	s0 =	sadd.s32 s7, s12  }
0x2d: {  	s23 =	simm.s32 $0x40;
	[dreg:$0x16] =	wrdreg s0;
	s0 =	sadd.s32 s10, s12  }
0x2e: {  	v0 =	vimm.f32 $0.0e+00;
	s24 =	simm.s32 $0x1000;
	s25 =	simm.s32 $0x3000;
	[dreg:$0x18] =	wrdreg s0  }
.LBB2_1:
0x2f: {  	s0 =	simm.s32 $0x0;
	s3 =	simm.s32 $0x200  }
.LBB2_2:
0x30: {  	p0 =	sne.s32 s3, $0x7E00;
	[tilespmem:s0+$0x5070] =	vst v0  }
0x31: {  	[tilespmem:s0+$0x5000] =	vst v0  }
0x32: {  	[tilespmem:s0+$0x5010] =	vst v0  }
.Ltmp0:
0x33: {  	[tilespmem:s0+$0x5020] =	vst v0;
	(pc) =	sbr.rel @p0 .LBB2_2-.Ltmp0, $4  }
0x34: {  	[tilespmem:s0+$0x5030] =	vst v0  }
0x35: {  	[tilespmem:s0+$0x5040] =	vst v0  }
0x36: {  	[tilespmem:s0+$0x5050] =	vst v0  }
0x37: {  	[tilespmem:s0+$0x5060] =	vst v0;
	s0 =	sshra.s32 s3, $0x2;
	s3 =	sadd.s32 $0x200, s3  }
0x38: {  	[tilespmem:s0+$0x5070] =	vst v0  }
0x39: {  	[tilespmem:s0+$0x5000] =	vst v0  }
0x3a: {  	[tilespmem:s0+$0x5010] =	vst v0  }
0x3b: {  	[tilespmem:s0+$0x5020] =	vst v0  }
0x3c: {  	[tilespmem:s0+$0x5030] =	vst v0  }
0x3d: {  	[tilespmem:s0+$0x5040] =	vst v0  }
0x3e: {  	[tilespmem:s0+$0x5050] =	vst v0  }
0x3f: {  	[tilespmem:s0+$0x5060] =	vst v0  }
0x40: {  	[spmem:s6] =	stream.linear.scatter [tilespmem:s13], [sflag:$0x4], $0x2000, $0x38;
	[tilespmem:$0x1D000] =	vst v63  }
0x41: {  	_ =	swait.ge [sflag:s14], $0x2000  }
0x42: {  	[sflag:s14] =	ssyncset.done $0x0  }
0x43: {  	s3 =	rddreg [dreg:$0x19];
	[sflag:s14] =	ssyncadd.s32 $0xFFFFE000  }
0x44: {  	[spmem:s3] =	stream.linear.scatter [tilespmem:s13], [sflag:$0x4], $0x2000, $0x38;
	[tilespmem:$0x1D000] =	vst v63  }
0x45: {  	_ =	swait.ge [sflag:s14], $0x2000  }
0x46: {  	[sflag:s14] =	ssyncset.done $0x0  }
0x47: {  	s4 =	rddreg [dreg:$0x1a];
	[sflag:s14] =	ssyncadd.s32 $0xFFFFE000  }
0x48: {  	[spmem:s4] =	stream.linear.scatter [tilespmem:s13], [sflag:$0x4], $0x2000, $0x38;
	[tilespmem:$0x1D000] =	vst v63  }
0x49: {  	_ =	swait.ge [sflag:s14], $0x2000  }
0x4a: {  	[sflag:s14] =	ssyncset.done $0x0  }
0x4b: {  	s5 =	rddreg [dreg:$0x1b];
	[sflag:s14] =	ssyncadd.s32 $0xFFFFE000  }
0x4c: {  	[spmem:s5] =	stream.linear.scatter [tilespmem:s13], [sflag:$0x4], $0x2000, $0x38;
	[tilespmem:$0x1D000] =	vst v63  }
0x4d: {  	_ =	swait.ge [sflag:s14], $0x2000  }
0x4e: {  	[sflag:s14] =	ssyncset.done $0x0  }
0x4f: {  	s6 =	rddreg [dreg:$0x1c];
	[sflag:s14] =	ssyncadd.s32 $0xFFFFE000  }
0x50: {  	[spmem:s6] =	stream.linear.scatter [tilespmem:s13], [sflag:$0x4], $0x2000, $0x38;
	[tilespmem:$0x1D000] =	vst v63  }
0x51: {  	_ =	swait.ge [sflag:s14], $0x2000  }
0x52: {  	[sflag:s14] =	ssyncset.done $0x0  }
0x53: {  	s7 =	rddreg [dreg:$0x1d];
	[sflag:s14] =	ssyncadd.s32 $0xFFFFE000  }
0x54: {  	[spmem:s7] =	stream.linear.scatter [tilespmem:s13], [sflag:$0x4], $0x2000, $0x38;
	[tilespmem:$0x1D000] =	vst v63  }
0x55: {  	_ =	swait.ge [sflag:s14], $0x2000  }
0x56: {  	[sflag:s14] =	ssyncset.done $0x0  }
0x57: {  	s8 =	rddreg [dreg:$0x1e];
	[sflag:s14] =	ssyncadd.s32 $0xFFFFE000  }
0x58: {  	[spmem:s8] =	stream.linear.scatter [tilespmem:s13], [sflag:$0x4], $0x2000, $0x38;
	[tilespmem:$0x1D000] =	vst v63  }
0x59: {  	_ =	swait.ge [sflag:s14], $0x2000  }
0x5a: {  	[sflag:s14] =	ssyncset.done $0x0  }
0x5b: {  	s9 =	rddreg [dreg:$0x1f];
	[sflag:s14] =	ssyncadd.s32 $0xFFFFE000  }
0x5c: {  	[spmem:s9] =	stream.linear.scatter [tilespmem:s13], [sflag:$0x4], $0x2000, $0x38;
	[tilespmem:$0x1D000] =	vst v63  }
0x5d: {  	_ =	swait.ge [sflag:s14], $0x2000  }
0x5e: {  	s10 =	sld [smem:$0x7FC]  }
0x5f: {  	[sflag:s14] =	ssyncset.done $0x0  }
0x60: {  	[sflag:s14] =	ssyncadd.s32 $0xFFFFE000  }
0x61: {  	[spmem:s10] =	stream.linear.scatter [tilespmem:s13], [sflag:$0x4], $0x2000, $0x38;
	[tilespmem:$0x1D000] =	vst v63  }
0x62: {  	_ =	swait.ge [sflag:s14], $0x2000  }
0x63: {  	s20 =	sld [smem:$0x7FD]  }
0x64: {  	[sflag:s14] =	ssyncset.done $0x0  }
0x65: {  	[sflag:s14] =	ssyncadd.s32 $0xFFFFE000  }
0x66: {  	[spmem:s20] =	stream.linear.scatter [tilespmem:s13], [sflag:$0x4], $0x2000, $0x38;
	[tilespmem:$0x1D000] =	vst v63  }
0x67: {  	_ =	swait.ge [sflag:s14], $0x2000  }
0x68: {  	[sflag:s14] =	ssyncset.done $0x0  }
0x69: {  	[sflag:s14] =	ssyncadd.s32 $0xFFFFE000  }
0x6a: {  	s0 =	simm.s32 $0x0;
	[bflag:$0x0] =	sbarrier.arrive $0xFFFF  }
.LBB2_4:
0x6b: {  	s3 =	sshll.u32 s0, $0x4  }
0x6c: {  	s3 =	sadd.s32 s21, s3  }
0x6d: {  	s4 =	sshll.u32 s3, $0x4  }
0x6e: {  	s5 =	sadd.s32 s1, s4  }
0x6f: {  	[tilespmem:s11], [sflag:$0x4] =	stream.linear.gather [hbm4b:s5+s11], $0x800, $0x38;
	[tilespmem:$0x1D000] =	vst v63  }
0x70: {  	_ =	swait.ge [sflag:s14], $0x800  }
0x71: {  	[sflag:s14] =	ssyncset.done $0x0  }
0x72: {  	s4 =	sadd.s32 s18, s4;
	[sflag:s14] =	ssyncadd.s32 $0xFFFFF800  }
0x73: {  	[tilespmem:s22], [sflag:$0x4] =	stream.linear.gather [hbm4b:s4+s11], $0x800, $0x38;
	[tilespmem:$0x1D000] =	vst v63  }
0x74: {  	_ =	swait.ge [sflag:s14], $0x800  }
0x75: {  	[sflag:s14] =	ssyncset.done $0x0  }
0x76: {  	s4 =	simm.s32 $0x0;
	[sflag:s14] =	ssyncadd.s32 $0xFFFFF800  }
.LBB2_5:
0x77: {  	s6 =	sshll.u32 s4, $0x7  }
0x78: {  	[tilespmem:s24], [sflag:$0x1] =	stream.indirect.gather [hbm4b:s16+s23], $0x80, s6, s23, $0xb8;
	[tilespmem:$0x1D000] =	vst v63  }
0x79: {  	s5 =	sadd.s32 $0x800, s6  }
0x7a: {  	[tilespmem:s25], [sflag:$0x2] =	stream.indirect.gather [hbm4b:s17+s23], $0x80, s5, s23, $0xb8;
	[tilespmem:$0x1D000] =	vst v63  }
0x7b: {  	_ = 	snop  }
0x7c: {  	[tilespmem:s13], [sflag:$0x3] =	stream.indirect.gather [hbm4b:s15+s23], $0x80, s6, s23, $0xb8;
	[tilespmem:$0x1D000] =	vst v63  }
0x7d: {  	_ =	swait.ge [sflag:s26], $0x2000  }
0x7e: {  	[sflag:s26] =	ssyncset.done $0x0  }
0x7f: {  	[sflag:s26] =	ssyncadd.s32 $0xFFFFE000  }
0x80: {  	_ =	swait.ge [sflag:s28], $0x2000  }
0x81: {  	[sflag:s28] =	ssyncset.done $0x0  }
0x82: {  	[sflag:s28] =	ssyncadd.s32 $0xFFFFE000  }
0x83: {  	_ =	swait.ge [sflag:s29], $0x2000  }
0x84: {  	[sflag:s29] =	ssyncset.done $0x0  }
0x85: {  	s9 =	simm.s32 $0x0;
	[sflag:s29] =	ssyncadd.s32 $0xFFFFE000  }
0x86: {  	v1 =	vld [tilespmem:s9+$0x1000]  }
0x87: {  	v2 =	vld [tilespmem:s9+$0x3000];
	_ =	sdelay $0x4  }
0x88: {  	v1 =	vadd.f32 v2, v1;
	_ =	sdelay $0x1  }
0x89: {  	v2 =	vmul.f32 $2.000000030e-01, v1;
	_ =	sdelay $0x1  }
0x8a: {  	v1 =	vmax.f32 v1, v2  }
0x8b: {  	s8 =	simm.s32 $0x80;
	v1 =	vmul.f32 $1.442695020e+00, v1  }
0x8c: {  	v2 =	vld [tilespmem:s8+$0x1000]  }
0x8d: {  	(erf) = vpow2.f32 v1;
	v1 =	vld [tilespmem:s8+$0x3000];
	_ =	sdelay $0x1  }
0x8e: {  	s7 =	simm.s32 $0x100  }
0x8f: {  	v3 =	vld [tilespmem:s7+$0x1000]  }
0x90: {  	v6 =	vld [tilespmem:s7+$0x3000]  }
0x91: {  	v1 =	vadd.f32 v1, v2;
	_ =	sdelay $0x1  }
0x92: {  	v8 =	vmul.f32 $2.000000030e-01, v1;
	_ =	sdelay $0x1  }
0x93: {  	v4 =	vld [tilespmem:s9+$0x5060];
	v3 =	vadd.f32 v6, v3;
	v1 =	vmax.f32 v1, v8  }
0x94: {  	v5 =	vld [tilespmem:s9+$0x5000];
	v1 =	vmul.f32 $1.442695020e+00, v1  }
0x95: {  	v7 =	vld [tilespmem:s9+$0x5010];
	v60 =	vmul.f32 $2.000000030e-01, v3  }
0x96: {  	v9 =	vld [tilespmem:s9+$0x5040];
	v10 =	vpop (erf);
	(erf) = vpow2.f32 v1  }
0x97: {  	v3 =	vmax.f32 v3, v60;
	v2 =	vld [tilespmem:s9+$0x5070];
	v8 =	vbroadcast v10, $0x6  }
0x98: {  	v11 =	vld [tilespmem:s9+$0x5050];
	v63 =	vmul.f32 $1.442695020e+00, v3;
	v13 =	vbroadcast v10, $0x0  }
0x99: {  	v12 =	vld [tilespmem:s9+$0x5020];
	v59 =	vbroadcast v10, $0x7;
	v4 =	vmul.f32 v4, v8  }
0x9a: {  	s6 =	simm.s32 $0x180;
	[tilespmem:s9+$0x7000] =	vst v10;
	v14 =	vbroadcast v10, $0x1;
	v8 =	vld [tilespmem:s9+$0x5030];
	v5 =	vmul.f32 v13, v5  }
0x9b: {  	v15 =	vbroadcast v10, $0x2;
	v16 =	vbroadcast v10, $0x4;
	v1 =	vld [tilespmem:s6+$0x1000];
	[tilespmem:s9+$0x5060] =	vst v4  }
0x9c: {  	v17 =	vbroadcast v10, $0x5;
	v6 =	vmul.f32 v2, v59;
	v4 =	vld [tilespmem:s8+$0x5060];
	[tilespmem:s9+$0x5000] =	vst v5  }
0x9d: {  	v61 =	vbroadcast v10, $0x3;
	v7 =	vmul.f32 v14, v7;
	v5 =	vld [tilespmem:s8+$0x5000]  }
0x9e: {  	v62 =	vmul.f32 v9, v16;
	v10 =	vmul.f32 v11, v17;
	v2 =	vld [tilespmem:s6+$0x3000];
	[tilespmem:s9+$0x5070] =	vst v6  }
0x9f: {  	v11 =	vmul.f32 v15, v12;
	v6 =	vld [tilespmem:s8+$0x5070];
	[tilespmem:s9+$0x5010] =	vst v7;
	v9 =	vmul.f32 v8, v61;
	v3 =	vpop (erf)  }
0xa0: {  	s10 =	simm.s32 $0x800;
	v7 =	vld [tilespmem:s8+$0x5010];
	[tilespmem:s9+$0x5040] =	vst v62;
	(erf) = vpow2.f32 v63;
	v8 =	vbroadcast v3, $0x7  }
.LBB2_6:
0xa1: {  	s20 =	sshra.s32 s10, $0x2;
	p0 =	sne.s32 s10, $0x7E00;
	s10 =	sadd.s32 $0x200, s10;
	v12 =	vbroadcast v3, $0x1;
	v13 =	vld [tilespmem:s8+$0x5040];
	v14 =	vbroadcast v3, $0x6;
	[tilespmem:s9+$0x5050] =	vst v10  }
0xa2: {  	v10 =	vbroadcast v3, $0x0;
	v15 =	vbroadcast v3, $0x2;
	v16 =	vld [tilespmem:s8+$0x5050];
	[tilespmem:s9+$0x5020] =	vst v11  }
0xa3: {  	v17 =	vbroadcast v3, $0x5;
	v2 =	vadd.f32 v2, v1;
	v11 =	vld [tilespmem:s8+$0x5020];
	v4 =	vmul.f32 v4, v14;
	[tilespmem:s9+$0x5030] =	vst v9;
	s9 =	smov.u32 s8;
	s8 =	smov.u32 s7;
	s7 =	smov.u32 s6  }
0xa4: {  	v5 =	vmul.f32 v10, v5;
	v9 =	vbroadcast v3, $0x3;
	s6 =	smov.u32 s20;
	[tilespmem:s9+$0x7000] =	vst v3;
	v14 =	vld [tilespmem:s9+$0x5030]  }
0xa5: {  	v3 =	vbroadcast v3, $0x4;
	v1 =	vld [tilespmem:s6+$0x1000];
	v10 =	vmul.f32 $2.000000030e-01, v2;
	[tilespmem:s9+$0x5060] =	vst v4  }
.Ltmp1:
0xa6: {  	v6 =	vmul.f32 v6, v8;
	v7 =	vmul.f32 v12, v7;
	v4 =	vld [tilespmem:s8+$0x5060];
	[tilespmem:s9+$0x5000] =	vst v5;
	(pc) =	sbr.rel @p0 .LBB2_6-.Ltmp1, $4  }
0xa7: {  	v12 =	vmul.f32 v13, v3;
	v8 =	vmax.f32 v2, v10;
	v5 =	vld [tilespmem:s8+$0x5000]  }
0xa8: {  	v10 =	vmul.f32 v16, v17;
	v2 =	vld [tilespmem:s6+$0x3000];
	v8 =	vmul.f32 $1.442695020e+00, v8;
	[tilespmem:s9+$0x5070] =	vst v6  }
0xa9: {  	v11 =	vmul.f32 v15, v11;
	v6 =	vld [tilespmem:s8+$0x5070];
	v3 =	vpop (erf);
	[tilespmem:s9+$0x5010] =	vst v7;
	v9 =	vmul.f32 v14, v9  }
0xaa: {  	(erf) = vpow2.f32 v8;
	v7 =	vld [tilespmem:s8+$0x5010];
	v8 =	vbroadcast v3, $0x7;
	[tilespmem:s9+$0x5040] =	vst v12  }
0xab: {  	v12 =	vld [tilespmem:s8+$0x5040];
	[tilespmem:s9+$0x5050] =	vst v10;
	v37 =	vbroadcast v3, $0x6  }
0xac: {  	v38 =	vbroadcast v3, $0x0;
	v10 =	vld [tilespmem:s8+$0x5050];
	[tilespmem:s9+$0x5020] =	vst v11  }
0xad: {  	v40 =	vbroadcast v3, $0x1;
	v13 =	vld [tilespmem:s8+$0x5020];
	[tilespmem:s9+$0x5030] =	vst v9;
	v4 =	vmul.f32 v4, v37  }
0xae: {  	v43 =	vbroadcast v3, $0x4;
	v5 =	vmul.f32 v38, v5;
	v1 =	vadd.f32 v2, v1;
	[tilespmem:s8+$0x7000] =	vst v3  }
0xaf: {  	v44 =	vbroadcast v3, $0x5;
	v39 =	vld [tilespmem:s8+$0x5030];
	v41 =	vmul.f32 v6, v8;
	[tilespmem:s8+$0x5060] =	vst v4  }
0xb0: {  	v7 =	vmul.f32 v40, v7;
	v49 =	vmul.f32 $2.000000030e-01, v1;
	v4 =	vld [tilespmem:s7+$0x5060];
	[tilespmem:s8+$0x5000] =	vst v5  }
0xb1: {  	v45 =	vbroadcast v3, $0x2;
	v8 =	vmul.f32 v12, v43;
	v42 =	vld [tilespmem:s7+$0x5000];
	[tilespmem:s8+$0x5070] =	vst v41  }
0xb2: {  	v3 =	vbroadcast v3, $0x3;
	v9 =	vmul.f32 v10, v44;
	v1 =	vmax.f32 v1, v49;
	v5 =	vld [tilespmem:s7+$0x5070];
	[tilespmem:s8+$0x5010] =	vst v7  }
0xb3: {  	v46 =	vmul.f32 v45, v13;
	v1 =	vmul.f32 $1.442695020e+00, v1;
	v7 =	vld [tilespmem:s7+$0x5010];
	[tilespmem:s8+$0x5040] =	vst v8  }
0xb4: {  	v2 =	vpop (erf);
	v3 =	vmul.f32 v39, v3;
	v8 =	vld [tilespmem:s7+$0x5040];
	[tilespmem:s8+$0x5050] =	vst v9  }
0xb5: {  	v47 =	vbroadcast v2, $0x6;
	(erf) = vpow2.f32 v1;
	v9 =	vld [tilespmem:s7+$0x5050];
	[tilespmem:s8+$0x5020] =	vst v46  }
0xb6: {  	v48 =	vld [tilespmem:s7+$0x5020];
	[tilespmem:s8+$0x5030] =	vst v3;
	v3 =	vbroadcast v2, $0x0  }
0xb7: {  	v4 =	vmul.f32 v4, v47  }
0xb8: {  	v51 =	vbroadcast v2, $0x7;
	[tilespmem:s7+$0x7000] =	vst v2;
	v3 =	vmul.f32 v3, v42  }
0xb9: {  	v52 =	vbroadcast v2, $0x1;
	v50 =	vld [tilespmem:s7+$0x5030];
	[tilespmem:s7+$0x5060] =	vst v4  }
0xba: {  	v53 =	vbroadcast v2, $0x4;
	v4 =	vld [tilespmem:s6+$0x5060];
	[tilespmem:s7+$0x5000] =	vst v3;
	v3 =	vmul.f32 v5, v51  }
0xbb: {  	v54 =	vbroadcast v2, $0x5;
	v6 =	vmul.f32 v52, v7  }
0xbc: {  	v55 =	vbroadcast v2, $0x2;
	v5 =	vmul.f32 v8, v53;
	v1 =	vld [tilespmem:s6+$0x5000];
	[tilespmem:s7+$0x5070] =	vst v3  }
0xbd: {  	v2 =	vbroadcast v2, $0x3;
	v7 =	vmul.f32 v9, v54;
	v3 =	vld [tilespmem:s6+$0x5070];
	[tilespmem:s7+$0x5010] =	vst v6  }
0xbe: {  	v8 =	vmul.f32 v55, v48;
	v56 =	vpop (erf);
	v6 =	vld [tilespmem:s6+$0x5010];
	[tilespmem:s7+$0x5040] =	vst v5  }
0xbf: {  	v2 =	vmul.f32 v50, v2;
	v57 =	vbroadcast v56, $0x6;
	v5 =	vld [tilespmem:s6+$0x5040];
	[tilespmem:s7+$0x5050] =	vst v7  }
0xc0: {  	v59 =	vbroadcast v56, $0x0;
	v7 =	vld [tilespmem:s6+$0x5050];
	[tilespmem:s7+$0x5020] =	vst v8  }
0xc1: {  	v4 =	vmul.f32 v4, v57;
	v58 =	vld [tilespmem:s6+$0x5020];
	[tilespmem:s7+$0x5030] =	vst v2;
	v2 =	vbroadcast v56, $0x7  }
0xc2: {  	v60 =	vbroadcast v56, $0x1;
	v1 =	vmul.f32 v59, v1;
	[tilespmem:s6+$0x7000] =	vst v56  }
0xc3: {  	v62 =	vbroadcast v56, $0x4;
	v61 =	vld [tilespmem:s6+$0x5030];
	[tilespmem:s6+$0x5060] =	vst v4;
	v2 =	vmul.f32 v3, v2  }
0xc4: {  	[tilespmem:s6+$0x5000] =	vst v1;
	v3 =	vbroadcast v56, $0x5;
	v1 =	vmul.f32 v60, v6  }
0xc5: {  	v63 =	vbroadcast v56, $0x2;
	v5 =	vmul.f32 v5, v62;
	[tilespmem:s6+$0x5070] =	vst v2  }
0xc6: {  	v2 =	vbroadcast v56, $0x3;
	v3 =	vmul.f32 v7, v3;
	[tilespmem:s6+$0x5010] =	vst v1  }
0xc7: {  	v1 =	vmul.f32 v63, v58;
	[tilespmem:s6+$0x5040] =	vst v5  }
0xc8: {  	v2 =	vmul.f32 v61, v2;
	[tilespmem:s6+$0x5050] =	vst v3  }
0xc9: {  	[tilespmem:s6+$0x5020] =	vst v1  }
0xca: {  	[tilespmem:s6+$0x5030] =	vst v2  }
0xcb: {  	[spmem:s12] =	stream.indirect.scatter.add.f32 [tilespmem:s13], [sflag:$0x4], $0x80, s5, s23, $0xb8;
	[tilespmem:$0x1D000] =	vst v63  }
0xcc: {  	s20 =	sadd.s32 s3, s4;
	s4 =	sadd.s32 $0x1, s4;
	_ =	swait.ge [sflag:s14], $0x2000  }
0xcd: {  	p0 =	sne.s32 s4, $0x10;
	s5 =	sshll.u32 s20, $0xA;
	[sflag:s14] =	ssyncset.done $0x0  }
.Ltmp2:
0xce: {  	s5 =	sadd.s32 s19, s5;
	[sflag:s14] =	ssyncadd.s32 $0xFFFFE000;
	(pc) =	sbr.rel @p0 .LBB2_5-.Ltmp2, $4  }
0xcf: {  	[hbm4b:s5+s2] =	stream.linear.scatter [tilespmem:s30], [sflag:$0x4], $0x2000, $0x38;
	[tilespmem:$0x1D000] =	vst v63  }
0xd0: {  	_ =	swait.ge [sflag:s14], $0x2000  }
0xd1: {  	[sflag:s14] =	ssyncset.done $0x0  }
0xd2: {  	[sflag:s14] =	ssyncadd.s32 $0xFFFFE000  }
0xd3: {  	s0 =	sadd.s32 $0x1, s0  }
0xd4: {  	p0 =	sne.s32 s0, $0xA  }
.Ltmp3:
0xd5: {  	_ = 	snop;
	(pc) =	sbr.rel @p0 .LBB2_4-.Ltmp3, $1  }
0xd6: {  	_ =	sdelay $0x3  }
0xd7: {  	[bflag:$0x0] =	sbarrier.arrive $0xFFFF  }
0xd8: {  	s6 =	rddreg [dreg:$0xe]  }
0xd9: {  	[tilespmem:s13], [sflag:$0x4] =	stream.linear.gather [spmem:s6], $0x2000, $0x38;
	[tilespmem:$0x1D000] =	vst v63  }
0xda: {  	_ =	swait.ge [sflag:s14], $0x2000  }
0xdb: {  	[sflag:s14] =	ssyncset.done $0x0  }
0xdc: {  	s0 =	rddreg [dreg:$0x4];
	[sflag:s14] =	ssyncadd.s32 $0xFFFFE000  }
0xdd: {  	[hbm4b:s0+s2] =	stream.linear.scatter [tilespmem:s13], [sflag:$0x4], $0x2000, $0x38;
	[tilespmem:$0x1D000] =	vst v63  }
0xde: {  	_ =	swait.ge [sflag:s14], $0x2000  }
0xdf: {  	[sflag:s14] =	ssyncset.done $0x0  }
0xe0: {  	s9 =	rddreg [dreg:$0x10];
	[sflag:s14] =	ssyncadd.s32 $0xFFFFE000  }
0xe1: {  	[tilespmem:s13], [sflag:$0x4] =	stream.linear.gather [spmem:s9], $0x2000, $0x38;
	[tilespmem:$0x1D000] =	vst v63  }
0xe2: {  	_ =	swait.ge [sflag:s14], $0x2000  }
0xe3: {  	[sflag:s14] =	ssyncset.done $0x0  }
0xe4: {  	s10 =	rddreg [dreg:$0x5];
	[sflag:s14] =	ssyncadd.s32 $0xFFFFE000  }
0xe5: {  	[hbm4b:s10+s2] =	stream.linear.scatter [tilespmem:s13], [sflag:$0x4], $0x2000, $0x38;
	[tilespmem:$0x1D000] =	vst v63  }
0xe6: {  	_ =	swait.ge [sflag:s14], $0x2000  }
0xe7: {  	[sflag:s14] =	ssyncset.done $0x0  }
0xe8: {  	s20 =	rddreg [dreg:$0x11];
	[sflag:s14] =	ssyncadd.s32 $0xFFFFE000  }
0xe9: {  	[tilespmem:s13], [sflag:$0x4] =	stream.linear.gather [spmem:s20], $0x2000, $0x38;
	[tilespmem:$0x1D000] =	vst v63  }
0xea: {  	_ =	swait.ge [sflag:s14], $0x2000  }
0xeb: {  	[sflag:s14] =	ssyncset.done $0x0  }
0xec: {  	s3 =	rddreg [dreg:$0x6];
	[sflag:s14] =	ssyncadd.s32 $0xFFFFE000  }
0xed: {  	[hbm4b:s3+s2] =	stream.linear.scatter [tilespmem:s13], [sflag:$0x4], $0x2000, $0x38;
	[tilespmem:$0x1D000] =	vst v63  }
0xee: {  	_ =	swait.ge [sflag:s14], $0x2000  }
0xef: {  	[sflag:s14] =	ssyncset.done $0x0  }
0xf0: {  	s4 =	rddreg [dreg:$0x12];
	[sflag:s14] =	ssyncadd.s32 $0xFFFFE000  }
0xf1: {  	[tilespmem:s13], [sflag:$0x4] =	stream.linear.gather [spmem:s4], $0x2000, $0x38;
	[tilespmem:$0x1D000] =	vst v63  }
0xf2: {  	_ =	swait.ge [sflag:s14], $0x2000  }
0xf3: {  	[sflag:s14] =	ssyncset.done $0x0  }
0xf4: {  	s5 =	rddreg [dreg:$0x7];
	[sflag:s14] =	ssyncadd.s32 $0xFFFFE000  }
0xf5: {  	[hbm4b:s5+s2] =	stream.linear.scatter [tilespmem:s13], [sflag:$0x4], $0x2000, $0x38;
	[tilespmem:$0x1D000] =	vst v63  }
0xf6: {  	_ =	swait.ge [sflag:s14], $0x2000  }
0xf7: {  	[sflag:s14] =	ssyncset.done $0x0  }
0xf8: {  	s7 =	rddreg [dreg:$0x13];
	[sflag:s14] =	ssyncadd.s32 $0xFFFFE000  }
0xf9: {  	[tilespmem:s13], [sflag:$0x4] =	stream.linear.gather [spmem:s7], $0x2000, $0x38;
	[tilespmem:$0x1D000] =	vst v63  }
0xfa: {  	_ =	swait.ge [sflag:s14], $0x2000  }
0xfb: {  	[sflag:s14] =	ssyncset.done $0x0  }
0xfc: {  	s8 =	rddreg [dreg:$0x8];
	[sflag:s14] =	ssyncadd.s32 $0xFFFFE000  }
0xfd: {  	[hbm4b:s8+s2] =	stream.linear.scatter [tilespmem:s13], [sflag:$0x4], $0x2000, $0x38;
	[tilespmem:$0x1D000] =	vst v63  }
0xfe: {  	_ =	swait.ge [sflag:s14], $0x2000  }
0xff: {  	[sflag:s14] =	ssyncset.done $0x0  }
0x100: {  	s9 =	rddreg [dreg:$0x14];
	[sflag:s14] =	ssyncadd.s32 $0xFFFFE000  }
0x101: {  	[tilespmem:s13], [sflag:$0x4] =	stream.linear.gather [spmem:s9], $0x2000, $0x38;
	[tilespmem:$0x1D000] =	vst v63  }
0x102: {  	_ =	swait.ge [sflag:s14], $0x2000  }
0x103: {  	[sflag:s14] =	ssyncset.done $0x0  }
0x104: {  	s10 =	rddreg [dreg:$0x9];
	[sflag:s14] =	ssyncadd.s32 $0xFFFFE000  }
0x105: {  	[hbm4b:s10+s2] =	stream.linear.scatter [tilespmem:s13], [sflag:$0x4], $0x2000, $0x38;
	[tilespmem:$0x1D000] =	vst v63  }
0x106: {  	_ =	swait.ge [sflag:s14], $0x2000  }
0x107: {  	[sflag:s14] =	ssyncset.done $0x0  }
0x108: {  	s20 =	rddreg [dreg:$0x15];
	[sflag:s14] =	ssyncadd.s32 $0xFFFFE000  }
0x109: {  	[tilespmem:s13], [sflag:$0x4] =	stream.linear.gather [spmem:s20], $0x2000, $0x38;
	[tilespmem:$0x1D000] =	vst v63  }
0x10a: {  	_ =	swait.ge [sflag:s14], $0x2000  }
0x10b: {  	[sflag:s14] =	ssyncset.done $0x0  }
0x10c: {  	s3 =	rddreg [dreg:$0xa];
	[sflag:s14] =	ssyncadd.s32 $0xFFFFE000  }
0x10d: {  	[hbm4b:s3+s2] =	stream.linear.scatter [tilespmem:s13], [sflag:$0x4], $0x2000, $0x38;
	[tilespmem:$0x1D000] =	vst v63  }
0x10e: {  	_ =	swait.ge [sflag:s14], $0x2000  }
0x10f: {  	[sflag:s14] =	ssyncset.done $0x0  }
0x110: {  	s4 =	rddreg [dreg:$0x16];
	[sflag:s14] =	ssyncadd.s32 $0xFFFFE000  }
0x111: {  	[tilespmem:s13], [sflag:$0x4] =	stream.linear.gather [spmem:s4], $0x2000, $0x38;
	[tilespmem:$0x1D000] =	vst v63  }
0x112: {  	_ =	swait.ge [sflag:s14], $0x2000  }
0x113: {  	[sflag:s14] =	ssyncset.done $0x0  }
0x114: {  	s5 =	rddreg [dreg:$0xb];
	[sflag:s14] =	ssyncadd.s32 $0xFFFFE000  }
0x115: {  	[hbm4b:s5+s2] =	stream.linear.scatter [tilespmem:s13], [sflag:$0x4], $0x2000, $0x38;
	[tilespmem:$0x1D000] =	vst v63  }
0x116: {  	_ =	swait.ge [sflag:s14], $0x2000  }
0x117: {  	[sflag:s14] =	ssyncset.done $0x0  }
0x118: {  	s7 =	rddreg [dreg:$0x17];
	[sflag:s14] =	ssyncadd.s32 $0xFFFFE000  }
0x119: {  	[tilespmem:s13], [sflag:$0x4] =	stream.linear.gather [spmem:s7], $0x2000, $0x38;
	[tilespmem:$0x1D000] =	vst v63  }
0x11a: {  	_ =	swait.ge [sflag:s14], $0x2000  }
0x11b: {  	[sflag:s14] =	ssyncset.done $0x0  }
0x11c: {  	s8 =	rddreg [dreg:$0xc];
	[sflag:s14] =	ssyncadd.s32 $0xFFFFE000  }
0x11d: {  	[hbm4b:s8+s2] =	stream.linear.scatter [tilespmem:s13], [sflag:$0x4], $0x2000, $0x38;
	[tilespmem:$0x1D000] =	vst v63  }
0x11e: {  	_ =	swait.ge [sflag:s14], $0x2000  }
0x11f: {  	[sflag:s14] =	ssyncset.done $0x0  }
0x120: {  	s9 =	rddreg [dreg:$0x18];
	[sflag:s14] =	ssyncadd.s32 $0xFFFFE000  }
0x121: {  	[tilespmem:s13], [sflag:$0x4] =	stream.linear.gather [spmem:s9], $0x2000, $0x38;
	[tilespmem:$0x1D000] =	vst v63  }
0x122: {  	_ =	swait.ge [sflag:s14], $0x2000  }
0x123: {  	[sflag:s14] =	ssyncset.done $0x0  }
0x124: {  	s10 =	rddreg [dreg:$0xd];
	[sflag:s14] =	ssyncadd.s32 $0xFFFFE000  }
0x125: {  	[hbm4b:s10+s2] =	stream.linear.scatter [tilespmem:s13], [sflag:$0x4], $0x2000, $0x38;
	[tilespmem:$0x1D000] =	vst v63  }
0x126: {  	_ =	swait.ge [sflag:s14], $0x2000  }
0x127: {  	s31 =	sadd.s32 $0x1, s31;
	s20 =	rddreg [dreg:$0xf]  }
0x128: {  	p0 =	sne.s32 s31, s20  }
.Ltmp4:
0x129: {  	_ = 	snop;
	(pc) =	sbr.rel @p0 .LBB2_1-.Ltmp4, $3  }
0x12a: {  	_ =	sdelay $0x1  }
0x12b: {  	[sflag:s14] =	ssyncset.done $0x0  }
0x12c: {  	[sflag:s14] =	ssyncadd.s32 $0xFFFFE000  }
0x12d: {  	_ =	sfence.sel $0x180000  }
0x12e: {  	[bflag:$0x0] =	sbarrier.arrive $0xFFFF  }
0x12f: {  	_ =	strace $0x90000047  }
0x130: {  	s0 =	stileid.u32;
	[bflag:$0x2] =	sbarrier.arrive $0xFFFF  }
0x131: {  	p0 =	sne.s32 s0, $0x0;
	s0 =	rddreg [dreg:$0x3]  }
0x132: {  	s0 =	sadd.s32 @!p0 $0x100000, s0  }
0x133: {  	[sflag:s0] =	ssyncadd.tile.s32 @!p0 $0x1;
	_ =	shalt  }
.Lfunc_end2:
_tile_overlayer_lowered:
.L_overlay_start_2:
0x134: {  	(tag) =	ssettag $0x2  }
0x135: {  	s0 =	rddreg [dreg:$0x0];
	s2 =	stileid.u32  }
0x136: {  	s1 =	rddreg [dreg:$0x1];
	p0 =	sne.s32 s2, $0x0  }
0x137: {  	s3 =	rddreg [dreg:$0x2];
	[bflag:$0x3] =	sbarrier.arrive $0xFFFF;
	s2 =	simm.s32 @!p0 $0x1C04  }
0x138: {  	[timem:s3], [sflag:s2] =	dma.local @!p0 [hbm:s0], s1  }
0x139: {  	s0 =	simm.s32 @!p0 $0x4  }
0x13a: {  	_ =	swait.ge @!p0 [sflag:s0], s1  }
0x13b: {  	s1 =	ssub.s32 @!p0 $0x0, s1;
	[sflag:s0] =	ssyncset.done @!p0 $0x0  }
0x13c: {  	[sflag:s0] =	ssyncadd.s32 @!p0 s1  }
0x13d: {  	[bflag:$0x3] =	sbarrier.arrive $0xFFFF  }
0x13e: {  	_ =	shalt  }

</sc_bundles>
